<compile_context>
chip_gen: v7x
topology: tpu7x:2x2x1
jax: 0.10.2.dev20260603
libtpu: 0.0.44.dev20260713+nightly
codegen_flags: <defaults>
</compile_context>

<pallas_src>
import functools

import jax
import jax.numpy as jnp
from jax import lax
from jax.experimental import pallas as pl
from jax.experimental.pallas import tpu as pltpu
from jax.experimental.pallas import tpu_sc as plsc

N = 10000
E = 320000
NC, NS = 2, 16
EPT = E // NS
C = 80
NCHUNK = EPT // C
RB = 624
REM = N - RB * NS
RZ = RB + REM
F1, F2, F3 = 128, 64, 64
H = F2 // 2
CW = 16

_SC_PARAMS = pltpu.CompilerParams(use_tc_tiling_on_sc=False)


def _mesh():
    return plsc.VectorSubcoreMesh(core_axis_name="c", subcore_axis_name="s")


def _zero_acc(sid, z_h, acc):
    pltpu.sync_copy(z_h.at[pl.ds(0, RB)], acc.at[pl.ds(sid * RB, RB)])

    @pl.when(sid == 0)
    def _():
        pltpu.sync_copy(z_h.at[pl.ds(0, REM)], acc.at[pl.ds(RB * NS, REM)])


def _copy_out(sid, acc, out2d):
    rows = pl.ds(sid * RB, RB)
    pltpu.sync_copy(acc.at[rows], out2d.at[rows])

    @pl.when(sid == 0)
    def _():
        tail = pl.ds(RB * NS, REM)
        pltpu.sync_copy(acc.at[tail], out2d.at[tail])


def _sc_degrees(e3, ones_h, zeros_h):

    @functools.partial(
        pl.kernel,
        out_type=jax.ShapeDtypeStruct((NC, N, CW), jnp.float32),
        mesh=_mesh(),
        compiler_params=_SC_PARAMS,
        scratch_types=[
            pltpu.VMEM((EPT,), jnp.int32),
            pltpu.VMEM((C, CW), jnp.float32),
            pltpu.VMEM_SHARED((N, CW), jnp.float32),
            pltpu.SemaphoreType.DMA,
        ],
    )
    def k(e_h, ones_hr, z_h, deg_h, idx_v, ones_v, acc_s, ssem):
        cid = lax.axis_index("c")
        sid = lax.axis_index("s")
        _zero_acc(sid, z_h, acc_s)
        pltpu.sync_copy(ones_hr, ones_v)
        pltpu.sync_copy(e_h.at[cid].at[sid], idx_v)
        plsc.subcore_barrier()

        @pl.loop(0, NCHUNK, step=5)
        def _(j):
            for o in range(5):
                pltpu.async_copy(
                    ones_v, acc_s.at[idx_v.at[pl.ds((j + o) * C, C)]], ssem,
                    add=True)
            for o in range(5):
                pltpu.make_async_copy(
                    ones_v, acc_s.at[idx_v.at[pl.ds(0, C)]], ssem).wait()

        plsc.subcore_barrier()
        _copy_out(sid, acc_s, deg_h.at[cid])

    return k(e3, ones_h, zeros_h)


def _sc_propagate(tables, e3, zeros_list, Ds, K, swaps, splits,
                  edge_split=False):
    NT = len(tables)
    NCH = NCHUNK // 2 if edge_split else NCHUNK
    NE_ = EPT // 2 if edge_split else EPT
    NB = NCH // K
    assert NCH % K == 0

    bufs_types = [pltpu.VMEM((C, D), jnp.float32)
                  for D in Ds for _k in range(K)]
    acc_types = [pltpu.VMEM_SHARED((N, D), jnp.float32) for D in Ds]
    sem_types = [pltpu.SemaphoreType.DMA] * (2 * NT)

    @functools.partial(
        pl.kernel,
        out_type=tuple(jax.ShapeDtypeStruct((NC, N, D), jnp.float32) for D in Ds),
        mesh=_mesh(),
        compiler_params=_SC_PARAMS,
        scratch_types=[
            pltpu.VMEM((NE_,), jnp.int32),
            pltpu.VMEM((NE_,), jnp.int32),
        ] + bufs_types + acc_types + sem_types,
    )
    def k(*refs):
        t_h = refs[:NT]
        e_h = refs[NT]
        z_h = refs[NT + 1:NT + 1 + NT]
        agg_h = refs[NT + 1 + NT:NT + 1 + 2 * NT]
        src_v, dst_v = refs[3 * NT + 1], refs[3 * NT + 2]
        p = 3 * NT + 3
        bufs = [[refs[p + i * K + k_] for k_ in range(K)] for i in range(NT)]
        p += NT * K
        accs = refs[p:p + NT]
        p += NT
        gsem = refs[p:p + NT]
        ssem = refs[p + NT:p + 2 * NT]

        cid = lax.axis_index("c")
        sid = lax.axis_index("s")
        for i in range(NT):
            _zero_acc(sid, z_h[i], accs[i])
        if edge_split:
            half = pl.ds(cid * NE_, NE_)
            pltpu.sync_copy(e_h.at[0].at[sid].at[half], src_v)
            pltpu.sync_copy(e_h.at[1].at[sid].at[half], dst_v)
        else:
            pltpu.sync_copy(e_h.at[0].at[sid], src_v)
            pltpu.sync_copy(e_h.at[1].at[sid], dst_v)
        plsc.subcore_barrier()

        def table(i):
            return t_h[i].at[cid] if splits[i] else t_h[i]

        def gidx(i, j):
            v = dst_v if swaps[i] else src_v
            return v.at[pl.ds(j * C, C)]

        def sidx(i, j):
            v = src_v if swaps[i] else dst_v
            return v.at[pl.ds(j * C, C)]

        @pl.loop(0, NB)
        def _(b):
            base = b * K
            for k_ in range(K):
                for i in range(NT):
                    pltpu.async_copy(table(i).at[gidx(i, base + k_)],
                                     bufs[i][k_], gsem[i])
            for k_ in range(K):
                for i in range(NT):
                    pltpu.make_async_copy(table(i).at[gidx(i, 0)],
                                          bufs[i][0], gsem[i]).wait()
            for k_ in range(K):
                for i in range(NT):
                    pltpu.async_copy(bufs[i][k_],
                                     accs[i].at[sidx(i, base + k_)],
                                     ssem[i], add=True)
            for k_ in range(K):
                for i in range(NT):
                    pltpu.make_async_copy(bufs[i][0],
                                          accs[i].at[sidx(i, 0)],
                                          ssem[i]).wait()

        plsc.subcore_barrier()
        for i in range(NT):
            _copy_out(sid, accs[i], agg_h[i].at[cid])

    return k(*tables, e3, *zeros_list)


def _sc_layer1(t1pair, e3, z64):
    return _sc_propagate([t1pair], e3, [z64], [F2], 5, [False], [True])[0]


def _sc_cpass(tnd, e3, z16):
    return _sc_propagate([tnd], e3, [z16], [CW], 5, [True], [False],
                         edge_split=True)[0]


def _sc_layer2(t2, e3, z64):
    return _sc_propagate([t2], e3, [z64], [F2], 5, [False], [False],
                         edge_split=True)[0]


G = 10
BR = N // G


def _bs(shape, im):
    return pl.BlockSpec(shape, im)


def _row(i):
    return (i, 0)


def _prow(i):
    return (0, i, 0)


def _full(i):
    return (0, 0)


def _dot(a, b):
    ah = a.astype(jnp.bfloat16)
    al = (a - ah.astype(jnp.float32)).astype(jnp.bfloat16)
    bh = b.astype(jnp.bfloat16)
    bl = (b - bh.astype(jnp.float32)).astype(jnp.bfloat16)

    def d(u, v):
        return lax.dot_general(u, v, (((1,), (0,)), ((), ())),
                               preferred_element_type=jnp.float32)

    return d(ah, bh) + d(ah, bl) + d(al, bh)


def _tc_prep(x, W1, deg):

    def body(x_ref, w_ref, dg_ref, t1p_ref, nrm_ref):
        dego = dg_ref[0, :, 0:1]
        degi = dg_ref[1, :, 0:1]
        ns = jnp.where(dego > 0, lax.rsqrt(dego), 0.0)
        nd = jnp.where(degi > 0, lax.rsqrt(degi), 0.0)
        xs = x_ref[...] * ns
        t1p_ref[0] = _dot(xs, w_ref[:, :F2])
        t1p_ref[1] = _dot(xs, w_ref[:, F2:])
        nrm_ref[0] = jnp.broadcast_to(ns, (BR, CW))
        nrm_ref[1] = jnp.broadcast_to(nd, (BR, CW))

    return pl.pallas_call(
        body,
        grid=(G,),
        in_specs=[_bs((BR, F1), _row), _bs((F1, F1), _full),
                  _bs((NC, BR, CW), _prow)],
        out_specs=(_bs((NC, BR, F2), _prow), _bs((NC, BR, CW), _prow)),
        out_shape=(jax.ShapeDtypeStruct((NC, N, F2), jnp.float32),
                   jax.ShapeDtypeStruct((NC, N, CW), jnp.float32)),
    )(x, W1, deg)


def _tc_mid(agg1, nrm, b1r, W2):
    def body(a_ref, n_ref, b_ref, w_ref, t2_ref):
        ns = n_ref[0, :, 0:1]
        nd = n_ref[1, :, 0:1]
        h1a = jnp.maximum(a_ref[0] * nd + b_ref[:, :F2], 0.0) * ns
        h1b = jnp.maximum(a_ref[1] * nd + b_ref[:, F2:], 0.0) * ns
        t2_ref[...] = _dot(h1a, w_ref[:F2]) + _dot(h1b, w_ref[F2:])

    return pl.pallas_call(
        body,
        grid=(G,),
        in_specs=[_bs((NC, BR, F2), _prow), _bs((NC, BR, CW), _prow),
                  _bs((1, F1), _full), _bs((F1, F2), _full)],
        out_specs=_bs((BR, F2), _row),
        out_shape=jax.ShapeDtypeStruct((N, F2), jnp.float32),
    )(agg1, nrm, b1r, W2)


def _tc_final(agg2, c_p, nrm, b2r, W3, b3r):
    def body(a_ref, c_ref, n_ref, b2_ref, w_ref, b3_ref, o_ref, acc_ref):
        i = pl.program_id(0)

        @pl.when(i == 0)
        def _():
            acc_ref[...] = jnp.zeros((1, F2), jnp.float32)

        ns = n_ref[0, :, 0:1]
        nd = n_ref[1, :, 0:1]
        h2 = jnp.maximum((a_ref[0] + a_ref[1]) * nd + b2_ref[...], 0.0)
        c = c_ref[0, :, 0:1] + c_ref[1, :, 0:1]
        wv = c * ns * (1.0 / N)
        acc_ref[...] += jnp.sum(h2 * wv, axis=0, keepdims=True)

        @pl.when(i == G - 1)
        def _():
            o_ref[...] = _dot(acc_ref[...], w_ref[...]) + b3_ref[...]

    return pl.pallas_call(
        body,
        grid=(G,),
        in_specs=[_bs((NC, BR, F2), _prow), _bs((NC, BR, CW), _prow),
                  _bs((NC, BR, CW), _prow),
                  _bs((1, F2), _full), _bs((F3, F3), _full),
                  _bs((1, F3), _full)],
        out_specs=_bs((1, F3), _full),
        out_shape=jax.ShapeDtypeStruct((1, F3), jnp.float32),
        scratch_shapes=[pltpu.VMEM((1, F2), jnp.float32)],
    )(agg2, c_p, nrm, b2r, W3, b3r)


def kernel(x, edge_index, W1, b1, W2, b2, W3, b3):
    e3 = edge_index.reshape(2, NS, EPT)
    ones16 = jnp.ones((C, CW), jnp.float32)
    z16 = jnp.zeros((RZ, CW), jnp.float32)
    z64 = jnp.zeros((RZ, F2), jnp.float32)

    deg = _sc_degrees(e3, ones16, z16)
    t1pair, nrm = _tc_prep(x, W1, deg)
    agg1 = _sc_layer1(t1pair, e3, z64)
    c_p = _sc_cpass(nrm[1], e3, z16)
    t2 = _tc_mid(agg1, nrm, b1.reshape(1, F1), W2)
    agg2 = _sc_layer2(t2, e3, z64)
    return _tc_final(agg2, c_p, nrm, b2.reshape(1, F2), W3, b3.reshape(1, F3))

# --- scband reference (transcript-rebuilt; emitter-appended) ---
"""Pipeline reference for scband-gcn-62139586839006 (READ-ONLY COPY).

The authoritative reference and input builder live on the scoring server;
editing this copy changes nothing except your own understanding.
"""

import jax, jax.numpy as jnp
import numpy as np

N_NODES = 10000
N_EDGES = 320000
IN_FEATS = 128
H_FEATS = 128
H_FEATS2 = 64


def _glorot(key, fan_in, fan_out):
    limit = float(np.sqrt(6.0 / (fan_in + fan_out)))
    return jax.random.uniform(key, (fan_in, fan_out), dtype=jnp.float32, minval=-limit, maxval=limit)


def setup_inputs(seed: int = 0) -> dict:
    key = jax.random.key(seed)
    ks = jax.random.split(key, 8)
    x = jax.random.normal(ks[0], (N_NODES, IN_FEATS), dtype=jnp.float32)
    edge_index = jax.random.randint(ks[1], (2, N_EDGES), 0, N_NODES, dtype=jnp.int32)
    W1 = _glorot(ks[2], IN_FEATS, H_FEATS)
    b1 = jnp.zeros((H_FEATS,), dtype=jnp.float32)
    W2 = _glorot(ks[3], H_FEATS, H_FEATS // 2)
    b2 = jnp.zeros((H_FEATS // 2,), dtype=jnp.float32)
    W3 = _glorot(ks[4], H_FEATS // 2, H_FEATS2)
    b3 = jnp.zeros((H_FEATS2,), dtype=jnp.float32)
    return {"x": x, "edge_index": edge_index, "W1": W1, "b1": b1, "W2": W2, "b2": b2, "W3": W3, "b3": b3}


def _graph_conv(h, W, b, src, dst, n):
    # DGL GraphConv with norm='both', allow_zero_in_degree=True:
    # out = D_in^{-1/2} A D_out^{-1/2} h W + b
    ones = jnp.ones((src.shape[0],), dtype=h.dtype)
    deg_out = jnp.zeros((n,), dtype=h.dtype).at[src].add(ones)
    deg_in = jnp.zeros((n,), dtype=h.dtype).at[dst].add(ones)
    norm_src = jnp.where(deg_out > 0, deg_out ** -0.5, 0.0)
    norm_dst = jnp.where(deg_in > 0, deg_in ** -0.5, 0.0)
    h = h * norm_src[:, None]
    h = h @ W
    msg = jnp.take(h, src, axis=0)
    agg = jnp.zeros((n, h.shape[1]), dtype=h.dtype).at[dst].add(msg)
    agg = agg * norm_dst[:, None]
    return agg + b


def reference(x, edge_index, W1, b1, W2, b2, W3, b3):
    src = edge_index[0]
    dst = edge_index[1]
    n = x.shape[0]
    h = _graph_conv(x.astype(jnp.float32), W1, b1, src, dst, n)
    h = jax.nn.relu(h)
    h = _graph_conv(h, W2, b2, src, dst, n)
    h = jax.nn.relu(h)
    h = _graph_conv(h, W3, b3, src, dst, n)
    # dgl.mean_nodes over a single graph -> mean over all nodes, shape [1, h_feats2]
    return jnp.mean(h, axis=0, keepdims=True)

if __name__ == "__main__":
    import jax
    _d = setup_inputs()
    print(jax.jit(kernel)(*tuple(_d.values())))

</pallas_src>

<mosaic_0001>
#map = affine_map<(d0, d1) -> (0, 0, 0)>
#map1 = affine_map<(d0, d1) -> (0, 0)>
module attributes {stable_mosaic.version = 14 : i64} {
  func.func @k(%arg0: i32, %arg1: i32, %arg2: memref<2x10000x64xf32, #tpu.memory_space<hbm>>, %arg3: memref<2x16x20000xi32, #tpu.memory_space<hbm>>, %arg4: memref<640x64xf32, #tpu.memory_space<hbm>>, %arg5: memref<2x10000x64xf32, #tpu.memory_space<hbm>>, %arg6: memref<20000xi32, #tpu.memory_space<vmem>>, %arg7: memref<20000xi32, #tpu.memory_space<vmem>>, %arg8: memref<80x64xf32, #tpu.memory_space<vmem>>, %arg9: memref<80x64xf32, #tpu.memory_space<vmem>>, %arg10: memref<80x64xf32, #tpu.memory_space<vmem>>, %arg11: memref<80x64xf32, #tpu.memory_space<vmem>>, %arg12: memref<80x64xf32, #tpu.memory_space<vmem>>, %arg13: memref<10000x64xf32, #tpu.memory_space<vmem_shared>>, %arg14: memref<!tpu.dma_semaphore, #tpu.memory_space<semaphore_mem>>, %arg15: memref<!tpu.dma_semaphore, #tpu.memory_space<semaphore_mem>>) attributes {dimension_semantics = [#tpu.dimension_semantics<core_parallel>, #tpu.dimension_semantics<subcore_parallel>], iteration_bounds = array<i64: 2, 16>, scalar_prefetch = 0 : i64, scratch_operands = 10 : i64, tpu.core_type = #tpu.core_type<sc_vector_subcore>, window_params = [{transform_indices = #map}, {transform_indices = #map}, {transform_indices = #map1}, {transform_indices = #map}]} {
    %mul3A = arith.constant 624 : i32
    %mul3A_0 = arith.muli %arg1, %mul3A : i32
    "tpu.region"() ({
      %run_scoped3A_16 = tpu.sem_alloc : memref<!tpu.dma_semaphore, #tpu.memory_space<semaphore_mem>>
      %dma_start3A = arith.constant 0 : i32
      %dma_start3A_17 = tpu.memref_slice %arg13[%mul3A_0, %dma_start3A] : memref<10000x64xf32, #tpu.memory_space<vmem_shared>> -> memref<624x64xf32, #tpu.memory_space<vmem_shared>>
      %dma_start3A_18 = arith.constant 0 : i32
      %dma_start3A_19 = arith.constant 0 : i32
      %dma_start3A_20 = tpu.memref_slice %arg4[%dma_start3A_18, %dma_start3A_19] : memref<640x64xf32, #tpu.memory_space<hbm>> -> memref<624x64xf32, #tpu.memory_space<hbm>>
      tpu.enqueue_dma source(%dma_start3A_20 : memref<624x64xf32, #tpu.memory_space<hbm>>) target(%dma_start3A_17 : memref<624x64xf32, #tpu.memory_space<vmem_shared>>) target_semaphore(%run_scoped3A_16 : memref<!tpu.dma_semaphore, #tpu.memory_space<semaphore_mem>>)
      %dma_wait3A = arith.constant 0 : i32
      %dma_wait3A_21 = tpu.memref_slice %arg13[%mul3A_0, %dma_wait3A] : memref<10000x64xf32, #tpu.memory_space<vmem_shared>> -> memref<624x64xf32, #tpu.memory_space<vmem_shared>>
      %dma_wait3A_22 = arith.constant 0 : i32
      %dma_wait3A_23 = arith.constant 0 : i32
      %dma_wait3A_24 = tpu.memref_slice %arg4[%dma_wait3A_22, %dma_wait3A_23] : memref<640x64xf32, #tpu.memory_space<hbm>> -> memref<624x64xf32, #tpu.memory_space<hbm>>
      tpu.wait_dma2 semaphore(%run_scoped3A_16 : memref<!tpu.dma_semaphore, #tpu.memory_space<semaphore_mem>>) src(%dma_wait3A_24 : memref<624x64xf32, #tpu.memory_space<hbm>>) dst(%dma_wait3A_21 : memref<624x64xf32, #tpu.memory_space<vmem_shared>>)
      tpu.yield
    }) : () -> ()
    %eq3A = arith.constant 0 : i32
    %eq3A_1 = arith.cmpi eq, %arg1, %eq3A : i32
    %convert_element_type3A = arith.extui %eq3A_1 : i1 to i32
    %cond3A = arith.constant 0 : i32
    %cond3A_2 = arith.cmpi ne, %convert_element_type3A, %cond3A : i32
    scf.if %cond3A_2 {
      "tpu.region"() ({
        %run_scoped3A_16 = tpu.sem_alloc : memref<!tpu.dma_semaphore, #tpu.memory_space<semaphore_mem>>
        %dma_start3A = arith.constant 9984 : i32
        %dma_start3A_17 = arith.constant 0 : i32
        %dma_start3A_18 = tpu.memref_slice %arg13[%dma_start3A, %dma_start3A_17] : memref<10000x64xf32, #tpu.memory_space<vmem_shared>> -> memref<16x64xf32, #tpu.memory_space<vmem_shared>>
        %dma_start3A_19 = arith.constant 0 : i32
        %dma_start3A_20 = arith.constant 0 : i32
        %dma_start3A_21 = tpu.memref_slice %arg4[%dma_start3A_19, %dma_start3A_20] : memref<640x64xf32, #tpu.memory_space<hbm>> -> memref<16x64xf32, #tpu.memory_space<hbm>>
        tpu.enqueue_dma source(%dma_start3A_21 : memref<16x64xf32, #tpu.memory_space<hbm>>) target(%dma_start3A_18 : memref<16x64xf32, #tpu.memory_space<vmem_shared>>) target_semaphore(%run_scoped3A_16 : memref<!tpu.dma_semaphore, #tpu.memory_space<semaphore_mem>>)
        %dma_wait3A = arith.constant 9984 : i32
        %dma_wait3A_22 = arith.constant 0 : i32
        %dma_wait3A_23 = tpu.memref_slice %arg13[%dma_wait3A, %dma_wait3A_22] : memref<10000x64xf32, #tpu.memory_space<vmem_shared>> -> memref<16x64xf32, #tpu.memory_space<vmem_shared>>
        %dma_wait3A_24 = arith.constant 0 : i32
        %dma_wait3A_25 = arith.constant 0 : i32
        %dma_wait3A_26 = tpu.memref_slice %arg4[%dma_wait3A_24, %dma_wait3A_25] : memref<640x64xf32, #tpu.memory_space<hbm>> -> memref<16x64xf32, #tpu.memory_space<hbm>>
        tpu.wait_dma2 semaphore(%run_scoped3A_16 : memref<!tpu.dma_semaphore, #tpu.memory_space<semaphore_mem>>) src(%dma_wait3A_26 : memref<16x64xf32, #tpu.memory_space<hbm>>) dst(%dma_wait3A_23 : memref<16x64xf32, #tpu.memory_space<vmem_shared>>)
        tpu.yield
      }) : () -> ()
    } else {
    }
    %run_scoped3A = arith.constant 0 : i32
    "tpu.region"() ({
      %run_scoped3A_16 = tpu.sem_alloc : memref<!tpu.dma_semaphore, #tpu.memory_space<semaphore_mem>>
      %dma_start3A = arith.constant 0 : i32
      %dma_start3A_17 = arith.constant 0 : i32
      %dma_start3A_18 = tpu.memref_slice %arg3[%run_scoped3A, %dma_start3A, %dma_start3A_17] : memref<2x16x20000xi32, #tpu.memory_space<hbm>> -> memref<1x16x20000xi32, #tpu.memory_space<hbm>>
      %dma_start3A_19 = tpu.memref_squeeze %dma_start3A_18 : memref<1x16x20000xi32, #tpu.memory_space<hbm>> -> memref<16x20000xi32, #tpu.memory_space<hbm>>
      %dma_start3A_20 = arith.constant 0 : i32
      %dma_start3A_21 = tpu.memref_slice %dma_start3A_19[%arg1, %dma_start3A_20] : memref<16x20000xi32, #tpu.memory_space<hbm>> -> memref<1x20000xi32, #tpu.memory_space<hbm>>
      %dma_start3A_22 = tpu.memref_squeeze %dma_start3A_21 : memref<1x20000xi32, #tpu.memory_space<hbm>> -> memref<20000xi32, #tpu.memory_space<hbm>>
      %dma_start3A_23 = arith.constant 0 : i32
      %dma_start3A_24 = arith.constant 0 : i32
      %dma_start3A_25 = tpu.memref_slice %arg3[%run_scoped3A, %dma_start3A_23, %dma_start3A_24] : memref<2x16x20000xi32, #tpu.memory_space<hbm>> -> memref<1x16x20000xi32, #tpu.memory_space<hbm>>
      %dma_start3A_26 = tpu.memref_squeeze %dma_start3A_25 : memref<1x16x20000xi32, #tpu.memory_space<hbm>> -> memref<16x20000xi32, #tpu.memory_space<hbm>>
      %dma_start3A_27 = arith.constant 0 : i32
      %dma_start3A_28 = tpu.memref_slice %dma_start3A_26[%arg1, %dma_start3A_27] : memref<16x20000xi32, #tpu.memory_space<hbm>> -> memref<1x20000xi32, #tpu.memory_space<hbm>>
      %dma_start3A_29 = tpu.memref_squeeze %dma_start3A_28 : memref<1x20000xi32, #tpu.memory_space<hbm>> -> memref<20000xi32, #tpu.memory_space<hbm>>
      tpu.enqueue_dma source(%dma_start3A_29 : memref<20000xi32, #tpu.memory_space<hbm>>) target(%arg6 : memref<20000xi32, #tpu.memory_space<vmem>>) target_semaphore(%run_scoped3A_16 : memref<!tpu.dma_semaphore, #tpu.memory_space<semaphore_mem>>)
      %dma_wait3A = arith.constant 0 : i32
      %dma_wait3A_30 = arith.constant 0 : i32
      %dma_wait3A_31 = tpu.memref_slice %arg3[%run_scoped3A, %dma_wait3A, %dma_wait3A_30] : memref<2x16x20000xi32, #tpu.memory_space<hbm>> -> memref<1x16x20000xi32, #tpu.memory_space<hbm>>
      %dma_wait3A_32 = tpu.memref_squeeze %dma_wait3A_31 : memref<1x16x20000xi32, #tpu.memory_space<hbm>> -> memref<16x20000xi32, #tpu.memory_space<hbm>>
      %dma_wait3A_33 = arith.constant 0 : i32
      %dma_wait3A_34 = tpu.memref_slice %dma_wait3A_32[%arg1, %dma_wait3A_33] : memref<16x20000xi32, #tpu.memory_space<hbm>> -> memref<1x20000xi32, #tpu.memory_space<hbm>>
      %dma_wait3A_35 = tpu.memref_squeeze %dma_wait3A_34 : memref<1x20000xi32, #tpu.memory_space<hbm>> -> memref<20000xi32, #tpu.memory_space<hbm>>
      %dma_wait3A_36 = arith.constant 0 : i32
      %dma_wait3A_37 = arith.constant 0 : i32
      %dma_wait3A_38 = tpu.memref_slice %arg3[%run_scoped3A, %dma_wait3A_36, %dma_wait3A_37] : memref<2x16x20000xi32, #tpu.memory_space<hbm>> -> memref<1x16x20000xi32, #tpu.memory_space<hbm>>
      %dma_wait3A_39 = tpu.memref_squeeze %dma_wait3A_38 : memref<1x16x20000xi32, #tpu.memory_space<hbm>> -> memref<16x20000xi32, #tpu.memory_space<hbm>>
      %dma_wait3A_40 = arith.constant 0 : i32
      %dma_wait3A_41 = tpu.memref_slice %dma_wait3A_39[%arg1, %dma_wait3A_40] : memref<16x20000xi32, #tpu.memory_space<hbm>> -> memref<1x20000xi32, #tpu.memory_space<hbm>>
      %dma_wait3A_42 = tpu.memref_squeeze %dma_wait3A_41 : memref<1x20000xi32, #tpu.memory_space<hbm>> -> memref<20000xi32, #tpu.memory_space<hbm>>
      tpu.wait_dma2 semaphore(%run_scoped3A_16 : memref<!tpu.dma_semaphore, #tpu.memory_space<semaphore_mem>>) src(%dma_wait3A_42 : memref<20000xi32, #tpu.memory_space<hbm>>) dst(%arg6 : memref<20000xi32, #tpu.memory_space<vmem>>)
      tpu.yield
    }) : () -> ()
    %run_scoped3A_3 = arith.constant 1 : i32
    "tpu.region"() ({
      %run_scoped3A_16 = tpu.sem_alloc : memref<!tpu.dma_semaphore, #tpu.memory_space<semaphore_mem>>
      %dma_start3A = arith.constant 0 : i32
      %dma_start3A_17 = arith.constant 0 : i32
      %dma_start3A_18 = tpu.memref_slice %arg3[%run_scoped3A_3, %dma_start3A, %dma_start3A_17] : memref<2x16x20000xi32, #tpu.memory_space<hbm>> -> memref<1x16x20000xi32, #tpu.memory_space<hbm>>
      %dma_start3A_19 = tpu.memref_squeeze %dma_start3A_18 : memref<1x16x20000xi32, #tpu.memory_space<hbm>> -> memref<16x20000xi32, #tpu.memory_space<hbm>>
      %dma_start3A_20 = arith.constant 0 : i32
      %dma_start3A_21 = tpu.memref_slice %dma_start3A_19[%arg1, %dma_start3A_20] : memref<16x20000xi32, #tpu.memory_space<hbm>> -> memref<1x20000xi32, #tpu.memory_space<hbm>>
      %dma_start3A_22 = tpu.memref_squeeze %dma_start3A_21 : memref<1x20000xi32, #tpu.memory_space<hbm>> -> memref<20000xi32, #tpu.memory_space<hbm>>
      %dma_start3A_23 = arith.constant 0 : i32
      %dma_start3A_24 = arith.constant 0 : i32
      %dma_start3A_25 = tpu.memref_slice %arg3[%run_scoped3A_3, %dma_start3A_23, %dma_start3A_24] : memref<2x16x20000xi32, #tpu.memory_space<hbm>> -> memref<1x16x20000xi32, #tpu.memory_space<hbm>>
      %dma_start3A_26 = tpu.memref_squeeze %dma_start3A_25 : memref<1x16x20000xi32, #tpu.memory_space<hbm>> -> memref<16x20000xi32, #tpu.memory_space<hbm>>
      %dma_start3A_27 = arith.constant 0 : i32
      %dma_start3A_28 = tpu.memref_slice %dma_start3A_26[%arg1, %dma_start3A_27] : memref<16x20000xi32, #tpu.memory_space<hbm>> -> memref<1x20000xi32, #tpu.memory_space<hbm>>
      %dma_start3A_29 = tpu.memref_squeeze %dma_start3A_28 : memref<1x20000xi32, #tpu.memory_space<hbm>> -> memref<20000xi32, #tpu.memory_space<hbm>>
      tpu.enqueue_dma source(%dma_start3A_29 : memref<20000xi32, #tpu.memory_space<hbm>>) target(%arg7 : memref<20000xi32, #tpu.memory_space<vmem>>) target_semaphore(%run_scoped3A_16 : memref<!tpu.dma_semaphore, #tpu.memory_space<semaphore_mem>>)
      %dma_wait3A = arith.constant 0 : i32
      %dma_wait3A_30 = arith.constant 0 : i32
      %dma_wait3A_31 = tpu.memref_slice %arg3[%run_scoped3A_3, %dma_wait3A, %dma_wait3A_30] : memref<2x16x20000xi32, #tpu.memory_space<hbm>> -> memref<1x16x20000xi32, #tpu.memory_space<hbm>>
      %dma_wait3A_32 = tpu.memref_squeeze %dma_wait3A_31 : memref<1x16x20000xi32, #tpu.memory_space<hbm>> -> memref<16x20000xi32, #tpu.memory_space<hbm>>
      %dma_wait3A_33 = arith.constant 0 : i32
      %dma_wait3A_34 = tpu.memref_slice %dma_wait3A_32[%arg1, %dma_wait3A_33] : memref<16x20000xi32, #tpu.memory_space<hbm>> -> memref<1x20000xi32, #tpu.memory_space<hbm>>
      %dma_wait3A_35 = tpu.memref_squeeze %dma_wait3A_34 : memref<1x20000xi32, #tpu.memory_space<hbm>> -> memref<20000xi32, #tpu.memory_space<hbm>>
      %dma_wait3A_36 = arith.constant 0 : i32
      %dma_wait3A_37 = arith.constant 0 : i32
      %dma_wait3A_38 = tpu.memref_slice %arg3[%run_scoped3A_3, %dma_wait3A_36, %dma_wait3A_37] : memref<2x16x20000xi32, #tpu.memory_space<hbm>> -> memref<1x16x20000xi32, #tpu.memory_space<hbm>>
      %dma_wait3A_39 = tpu.memref_squeeze %dma_wait3A_38 : memref<1x16x20000xi32, #tpu.memory_space<hbm>> -> memref<16x20000xi32, #tpu.memory_space<hbm>>
      %dma_wait3A_40 = arith.constant 0 : i32
      %dma_wait3A_41 = tpu.memref_slice %dma_wait3A_39[%arg1, %dma_wait3A_40] : memref<16x20000xi32, #tpu.memory_space<hbm>> -> memref<1x20000xi32, #tpu.memory_space<hbm>>
      %dma_wait3A_42 = tpu.memref_squeeze %dma_wait3A_41 : memref<1x20000xi32, #tpu.memory_space<hbm>> -> memref<20000xi32, #tpu.memory_space<hbm>>
      tpu.wait_dma2 semaphore(%run_scoped3A_16 : memref<!tpu.dma_semaphore, #tpu.memory_space<semaphore_mem>>) src(%dma_wait3A_42 : memref<20000xi32, #tpu.memory_space<hbm>>) dst(%arg7 : memref<20000xi32, #tpu.memory_space<vmem>>)
      tpu.yield
    }) : () -> ()
    %barrier3A = arith.constant 0 : index
    tpu.barrier barrier_id(%barrier3A)
    %scan3A = arith.constant 0 : i32
    %scan3A_4 = arith.constant 50 : i32
    %scan3A_5 = arith.addi %scan3A, %scan3A_4 : i32
    %scan3A_6 = arith.constant 1 : i32
    scf.for %scan3A_16 = %scan3A to %scan3A_5 step %scan3A_6  : i32 {
      %mul3A_17 = arith.constant 1 : i32
      %mul3A_18 = arith.muli %scan3A_16, %mul3A_17 : i32
      %add3A = arith.constant 0 : i32
      %add3A_19 = arith.addi %add3A, %mul3A_18 : i32
      %mul3A_20 = arith.constant 5 : i32
      %mul3A_21 = arith.muli %add3A_19, %mul3A_20 : i32
      %add3A_22 = arith.constant 0 : i32
      %add3A_23 = arith.addi %mul3A_21, %add3A_22 : i32
      %mul3A_24 = arith.constant 80 : i32
      %mul3A_25 = arith.muli %add3A_23, %mul3A_24 : i32
      %dma_start3A = tpu.memref_slice %arg6[%mul3A_25] : memref<20000xi32, #tpu.memory_space<vmem>> -> memref<80xi32, #tpu.memory_space<vmem>>
      %dma_start3A_26 = arith.constant 0 : i32
      %dma_start3A_27 = arith.constant 0 : i32
      %dma_start3A_28 = tpu.memref_slice %arg2[%arg0, %dma_start3A_26, %dma_start3A_27] : memref<2x10000x64xf32, #tpu.memory_space<hbm>> -> memref<1x10000x64xf32, #tpu.memory_space<hbm>>
      %dma_start3A_29 = tpu.memref_squeeze %dma_start3A_28 : memref<1x10000x64xf32, #tpu.memory_space<hbm>> -> memref<10000x64xf32, #tpu.memory_space<hbm>>
      %dma_start3A_30 = arith.constant 0 : i32
      %dma_start3A_31 = arith.constant 0 : i32
      %dma_start3A_32 = tpu.memref_slice %dma_start3A_29[%dma_start3A_30, %dma_start3A_31] : memref<10000x64xf32, #tpu.memory_space<hbm>> -> memref<10000x64xf32, #tpu.memory_space<hbm>>
      tpu.enqueue_indirect_dma source(%dma_start3A_32 : memref<10000x64xf32, #tpu.memory_space<hbm>>) target(%arg8 : memref<80x64xf32, #tpu.memory_space<vmem>>) offsets(%dma_start3A : memref<80xi32, #tpu.memory_space<vmem>>) semaphore(%arg14 : memref<!tpu.dma_semaphore, #tpu.memory_space<semaphore_mem>>)
      %add3A_33 = arith.constant 1 : i32
      %add3A_34 = arith.addi %mul3A_21, %add3A_33 : i32
      %mul3A_35 = arith.constant 80 : i32
      %mul3A_36 = arith.muli %add3A_34, %mul3A_35 : i32
      %dma_start3A_37 = tpu.memref_slice %arg6[%mul3A_36] : memref<20000xi32, #tpu.memory_space<vmem>> -> memref<80xi32, #tpu.memory_space<vmem>>
      %dma_start3A_38 = arith.constant 0 : i32
      %dma_start3A_39 = arith.constant 0 : i32
      %dma_start3A_40 = tpu.memref_slice %arg2[%arg0, %dma_start3A_38, %dma_start3A_39] : memref<2x10000x64xf32, #tpu.memory_space<hbm>> -> memref<1x10000x64xf32, #tpu.memory_space<hbm>>
      %dma_start3A_41 = tpu.memref_squeeze %dma_start3A_40 : memref<1x10000x64xf32, #tpu.memory_space<hbm>> -> memref<10000x64xf32, #tpu.memory_space<hbm>>
      %dma_start3A_42 = arith.constant 0 : i32
      %dma_start3A_43 = arith.constant 0 : i32
      %dma_start3A_44 = tpu.memref_slice %dma_start3A_41[%dma_start3A_42, %dma_start3A_43] : memref<10000x64xf32, #tpu.memory_space<hbm>> -> memref<10000x64xf32, #tpu.memory_space<hbm>>
      tpu.enqueue_indirect_dma source(%dma_start3A_44 : memref<10000x64xf32, #tpu.memory_space<hbm>>) target(%arg9 : memref<80x64xf32, #tpu.memory_space<vmem>>) offsets(%dma_start3A_37 : memref<80xi32, #tpu.memory_space<vmem>>) semaphore(%arg14 : memref<!tpu.dma_semaphore, #tpu.memory_space<semaphore_mem>>)
      %add3A_45 = arith.constant 2 : i32
      %add3A_46 = arith.addi %mul3A_21, %add3A_45 : i32
      %mul3A_47 = arith.constant 80 : i32
      %mul3A_48 = arith.muli %add3A_46, %mul3A_47 : i32
      %dma_start3A_49 = tpu.memref_slice %arg6[%mul3A_48] : memref<20000xi32, #tpu.memory_space<vmem>> -> memref<80xi32, #tpu.memory_space<vmem>>
      %dma_start3A_50 = arith.constant 0 : i32
      %dma_start3A_51 = arith.constant 0 : i32
      %dma_start3A_52 = tpu.memref_slice %arg2[%arg0, %dma_start3A_50, %dma_start3A_51] : memref<2x10000x64xf32, #tpu.memory_space<hbm>> -> memref<1x10000x64xf32, #tpu.memory_space<hbm>>
      %dma_start3A_53 = tpu.memref_squeeze %dma_start3A_52 : memref<1x10000x64xf32, #tpu.memory_space<hbm>> -> memref<10000x64xf32, #tpu.memory_space<hbm>>
      %dma_start3A_54 = arith.constant 0 : i32
      %dma_start3A_55 = arith.constant 0 : i32
      %dma_start3A_56 = tpu.memref_slice %dma_start3A_53[%dma_start3A_54, %dma_start3A_55] : memref<10000x64xf32, #tpu.memory_space<hbm>> -> memref<10000x64xf32, #tpu.memory_space<hbm>>
      tpu.enqueue_indirect_dma source(%dma_start3A_56 : memref<10000x64xf32, #tpu.memory_space<hbm>>) target(%arg10 : memref<80x64xf32, #tpu.memory_space<vmem>>) offsets(%dma_start3A_49 : memref<80xi32, #tpu.memory_space<vmem>>) semaphore(%arg14 : memref<!tpu.dma_semaphore, #tpu.memory_space<semaphore_mem>>)
      %add3A_57 = arith.constant 3 : i32
      %add3A_58 = arith.addi %mul3A_21, %add3A_57 : i32
      %mul3A_59 = arith.constant 80 : i32
      %mul3A_60 = arith.muli %add3A_58, %mul3A_59 : i32
      %dma_start3A_61 = tpu.memref_slice %arg6[%mul3A_60] : memref<20000xi32, #tpu.memory_space<vmem>> -> memref<80xi32, #tpu.memory_space<vmem>>
      %dma_start3A_62 = arith.constant 0 : i32
      %dma_start3A_63 = arith.constant 0 : i32
      %dma_start3A_64 = tpu.memref_slice %arg2[%arg0, %dma_start3A_62, %dma_start3A_63] : memref<2x10000x64xf32, #tpu.memory_space<hbm>> -> memref<1x10000x64xf32, #tpu.memory_space<hbm>>
      %dma_start3A_65 = tpu.memref_squeeze %dma_start3A_64 : memref<1x10000x64xf32, #tpu.memory_space<hbm>> -> memref<10000x64xf32, #tpu.memory_space<hbm>>
      %dma_start3A_66 = arith.constant 0 : i32
      %dma_start3A_67 = arith.constant 0 : i32
      %dma_start3A_68 = tpu.memref_slice %dma_start3A_65[%dma_start3A_66, %dma_start3A_67] : memref<10000x64xf32, #tpu.memory_space<hbm>> -> memref<10000x64xf32, #tpu.memory_space<hbm>>
      tpu.enqueue_indirect_dma source(%dma_start3A_68 : memref<10000x64xf32, #tpu.memory_space<hbm>>) target(%arg11 : memref<80x64xf32, #tpu.memory_space<vmem>>) offsets(%dma_start3A_61 : memref<80xi32, #tpu.memory_space<vmem>>) semaphore(%arg14 : memref<!tpu.dma_semaphore, #tpu.memory_space<semaphore_mem>>)
      %add3A_69 = arith.constant 4 : i32
      %add3A_70 = arith.addi %mul3A_21, %add3A_69 : i32
      %mul3A_71 = arith.constant 80 : i32
      %mul3A_72 = arith.muli %add3A_70, %mul3A_71 : i32
      %dma_start3A_73 = tpu.memref_slice %arg6[%mul3A_72] : memref<20000xi32, #tpu.memory_space<vmem>> -> memref<80xi32, #tpu.memory_space<vmem>>
      %dma_start3A_74 = arith.constant 0 : i32
      %dma_start3A_75 = arith.constant 0 : i32
      %dma_start3A_76 = tpu.memref_slice %arg2[%arg0, %dma_start3A_74, %dma_start3A_75] : memref<2x10000x64xf32, #tpu.memory_space<hbm>> -> memref<1x10000x64xf32, #tpu.memory_space<hbm>>
      %dma_start3A_77 = tpu.memref_squeeze %dma_start3A_76 : memref<1x10000x64xf32, #tpu.memory_space<hbm>> -> memref<10000x64xf32, #tpu.memory_space<hbm>>
      %dma_start3A_78 = arith.constant 0 : i32
      %dma_start3A_79 = arith.constant 0 : i32
      %dma_start3A_80 = tpu.memref_slice %dma_start3A_77[%dma_start3A_78, %dma_start3A_79] : memref<10000x64xf32, #tpu.memory_space<hbm>> -> memref<10000x64xf32, #tpu.memory_space<hbm>>
      tpu.enqueue_indirect_dma source(%dma_start3A_80 : memref<10000x64xf32, #tpu.memory_space<hbm>>) target(%arg12 : memref<80x64xf32, #tpu.memory_space<vmem>>) offsets(%dma_start3A_73 : memref<80xi32, #tpu.memory_space<vmem>>) semaphore(%arg14 : memref<!tpu.dma_semaphore, #tpu.memory_space<semaphore_mem>>)
      %dma_wait3A = arith.constant 0 : i32
      %dma_wait3A_81 = tpu.memref_slice %arg6[%dma_wait3A] : memref<20000xi32, #tpu.memory_space<vmem>> -> memref<80xi32, #tpu.memory_space<vmem>>
      %dma_wait3A_82 = arith.constant 0 : i32
      %dma_wait3A_83 = arith.constant 0 : i32
      %dma_wait3A_84 = tpu.memref_slice %arg2[%arg0, %dma_wait3A_82, %dma_wait3A_83] : memref<2x10000x64xf32, #tpu.memory_space<hbm>> -> memref<1x10000x64xf32, #tpu.memory_space<hbm>>
      %dma_wait3A_85 = tpu.memref_squeeze %dma_wait3A_84 : memref<1x10000x64xf32, #tpu.memory_space<hbm>> -> memref<10000x64xf32, #tpu.memory_space<hbm>>
      %dma_wait3A_86 = arith.constant 0 : i32
      %dma_wait3A_87 = arith.constant 0 : i32
      %dma_wait3A_88 = tpu.memref_slice %dma_wait3A_85[%dma_wait3A_86, %dma_wait3A_87] : memref<10000x64xf32, #tpu.memory_space<hbm>> -> memref<10000x64xf32, #tpu.memory_space<hbm>>
      tpu.wait_indirect_dma semaphore(%arg14 : memref<!tpu.dma_semaphore, #tpu.memory_space<semaphore_mem>>) src(%dma_wait3A_88 : memref<10000x64xf32, #tpu.memory_space<hbm>>) dst(%arg8 : memref<80x64xf32, #tpu.memory_space<vmem>>)
      %dma_wait3A_89 = arith.constant 0 : i32
      %dma_wait3A_90 = tpu.memref_slice %arg6[%dma_wait3A_89] : memref<20000xi32, #tpu.memory_space<vmem>> -> memref<80xi32, #tpu.memory_space<vmem>>
      %dma_wait3A_91 = arith.constant 0 : i32
      %dma_wait3A_92 = arith.constant 0 : i32
      %dma_wait3A_93 = tpu.memref_slice %arg2[%arg0, %dma_wait3A_91, %dma_wait3A_92] : memref<2x10000x64xf32, #tpu.memory_space<hbm>> -> memref<1x10000x64xf32, #tpu.memory_space<hbm>>
      %dma_wait3A_94 = tpu.memref_squeeze %dma_wait3A_93 : memref<1x10000x64xf32, #tpu.memory_space<hbm>> -> memref<10000x64xf32, #tpu.memory_space<hbm>>
      %dma_wait3A_95 = arith.constant 0 : i32
      %dma_wait3A_96 = arith.constant 0 : i32
      %dma_wait3A_97 = tpu.memref_slice %dma_wait3A_94[%dma_wait3A_95, %dma_wait3A_96] : memref<10000x64xf32, #tpu.memory_space<hbm>> -> memref<10000x64xf32, #tpu.memory_space<hbm>>
      tpu.wait_indirect_dma semaphore(%arg14 : memref<!tpu.dma_semaphore, #tpu.memory_space<semaphore_mem>>) src(%dma_wait3A_97 : memref<10000x64xf32, #tpu.memory_space<hbm>>) dst(%arg8 : memref<80x64xf32, #tpu.memory_space<vmem>>)
      %dma_wait3A_98 = arith.constant 0 : i32
      %dma_wait3A_99 = tpu.memref_slice %arg6[%dma_wait3A_98] : memref<20000xi32, #tpu.memory_space<vmem>> -> memref<80xi32, #tpu.memory_space<vmem>>
      %dma_wait3A_100 = arith.constant 0 : i32
      %dma_wait3A_101 = arith.constant 0 : i32
      %dma_wait3A_102 = tpu.memref_slice %arg2[%arg0, %dma_wait3A_100, %dma_wait3A_101] : memref<2x10000x64xf32, #tpu.memory_space<hbm>> -> memref<1x10000x64xf32, #tpu.memory_space<hbm>>
      %dma_wait3A_103 = tpu.memref_squeeze %dma_wait3A_102 : memref<1x10000x64xf32, #tpu.memory_space<hbm>> -> memref<10000x64xf32, #tpu.memory_space<hbm>>
      %dma_wait3A_104 = arith.constant 0 : i32
      %dma_wait3A_105 = arith.constant 0 : i32
      %dma_wait3A_106 = tpu.memref_slice %dma_wait3A_103[%dma_wait3A_104, %dma_wait3A_105] : memref<10000x64xf32, #tpu.memory_space<hbm>> -> memref<10000x64xf32, #tpu.memory_space<hbm>>
      tpu.wait_indirect_dma semaphore(%arg14 : memref<!tpu.dma_semaphore, #tpu.memory_space<semaphore_mem>>) src(%dma_wait3A_106 : memref<10000x64xf32, #tpu.memory_space<hbm>>) dst(%arg8 : memref<80x64xf32, #tpu.memory_space<vmem>>)
      %dma_wait3A_107 = arith.constant 0 : i32
      %dma_wait3A_108 = tpu.memref_slice %arg6[%dma_wait3A_107] : memref<20000xi32, #tpu.memory_space<vmem>> -> memref<80xi32, #tpu.memory_space<vmem>>
      %dma_wait3A_109 = arith.constant 0 : i32
      %dma_wait3A_110 = arith.constant 0 : i32
      %dma_wait3A_111 = tpu.memref_slice %arg2[%arg0, %dma_wait3A_109, %dma_wait3A_110] : memref<2x10000x64xf32, #tpu.memory_space<hbm>> -> memref<1x10000x64xf32, #tpu.memory_space<hbm>>
      %dma_wait3A_112 = tpu.memref_squeeze %dma_wait3A_111 : memref<1x10000x64xf32, #tpu.memory_space<hbm>> -> memref<10000x64xf32, #tpu.memory_space<hbm>>
      %dma_wait3A_113 = arith.constant 0 : i32
      %dma_wait3A_114 = arith.constant 0 : i32
      %dma_wait3A_115 = tpu.memref_slice %dma_wait3A_112[%dma_wait3A_113, %dma_wait3A_114] : memref<10000x64xf32, #tpu.memory_space<hbm>> -> memref<10000x64xf32, #tpu.memory_space<hbm>>
      tpu.wait_indirect_dma semaphore(%arg14 : memref<!tpu.dma_semaphore, #tpu.memory_space<semaphore_mem>>) src(%dma_wait3A_115 : memref<10000x64xf32, #tpu.memory_space<hbm>>) dst(%arg8 : memref<80x64xf32, #tpu.memory_space<vmem>>)
      %dma_wait3A_116 = arith.constant 0 : i32
      %dma_wait3A_117 = tpu.memref_slice %arg6[%dma_wait3A_116] : memref<20000xi32, #tpu.memory_space<vmem>> -> memref<80xi32, #tpu.memory_space<vmem>>
      %dma_wait3A_118 = arith.constant 0 : i32
      %dma_wait3A_119 = arith.constant 0 : i32
      %dma_wait3A_120 = tpu.memref_slice %arg2[%arg0, %dma_wait3A_118, %dma_wait3A_119] : memref<2x10000x64xf32, #tpu.memory_space<hbm>> -> memref<1x10000x64xf32, #tpu.memory_space<hbm>>
      %dma_wait3A_121 = tpu.memref_squeeze %dma_wait3A_120 : memref<1x10000x64xf32, #tpu.memory_space<hbm>> -> memref<10000x64xf32, #tpu.memory_space<hbm>>
      %dma_wait3A_122 = arith.constant 0 : i32
      %dma_wait3A_123 = arith.constant 0 : i32
      %dma_wait3A_124 = tpu.memref_slice %dma_wait3A_121[%dma_wait3A_122, %dma_wait3A_123] : memref<10000x64xf32, #tpu.memory_space<hbm>> -> memref<10000x64xf32, #tpu.memory_space<hbm>>
      tpu.wait_indirect_dma semaphore(%arg14 : memref<!tpu.dma_semaphore, #tpu.memory_space<semaphore_mem>>) src(%dma_wait3A_124 : memref<10000x64xf32, #tpu.memory_space<hbm>>) dst(%arg8 : memref<80x64xf32, #tpu.memory_space<vmem>>)
      %add3A_125 = arith.constant 0 : i32
      %add3A_126 = arith.addi %mul3A_21, %add3A_125 : i32
      %mul3A_127 = arith.constant 80 : i32
      %mul3A_128 = arith.muli %add3A_126, %mul3A_127 : i32
      %dma_start3A_129 = tpu.memref_slice %arg7[%mul3A_128] : memref<20000xi32, #tpu.memory_space<vmem>> -> memref<80xi32, #tpu.memory_space<vmem>>
      %dma_start3A_130 = arith.constant 0 : i32
      %dma_start3A_131 = arith.constant 0 : i32
      %dma_start3A_132 = tpu.memref_slice %arg13[%dma_start3A_130, %dma_start3A_131] : memref<10000x64xf32, #tpu.memory_space<vmem_shared>> -> memref<10000x64xf32, #tpu.memory_space<vmem_shared>>
      tpu.enqueue_indirect_dma source(%arg8 : memref<80x64xf32, #tpu.memory_space<vmem>>) target(%dma_start3A_132 : memref<10000x64xf32, #tpu.memory_space<vmem_shared>>) offsets(%dma_start3A_129 : memref<80xi32, #tpu.memory_space<vmem>>) semaphore(%arg15 : memref<!tpu.dma_semaphore, #tpu.memory_space<semaphore_mem>>) {add = true}
      %add3A_133 = arith.constant 1 : i32
      %add3A_134 = arith.addi %mul3A_21, %add3A_133 : i32
      %mul3A_135 = arith.constant 80 : i32
      %mul3A_136 = arith.muli %add3A_134, %mul3A_135 : i32
      %dma_start3A_137 = tpu.memref_slice %arg7[%mul3A_136] : memref<20000xi32, #tpu.memory_space<vmem>> -> memref<80xi32, #tpu.memory_space<vmem>>
      %dma_start3A_138 = arith.constant 0 : i32
      %dma_start3A_139 = arith.constant 0 : i32
      %dma_start3A_140 = tpu.memref_slice %arg13[%dma_start3A_138, %dma_start3A_139] : memref<10000x64xf32, #tpu.memory_space<vmem_shared>> -> memref<10000x64xf32, #tpu.memory_space<vmem_shared>>
      tpu.enqueue_indirect_dma source(%arg9 : memref<80x64xf32, #tpu.memory_space<vmem>>) target(%dma_start3A_140 : memref<10000x64xf32, #tpu.memory_space<vmem_shared>>) offsets(%dma_start3A_137 : memref<80xi32, #tpu.memory_space<vmem>>) semaphore(%arg15 : memref<!tpu.dma_semaphore, #tpu.memory_space<semaphore_mem>>) {add = true}
      %add3A_141 = arith.constant 2 : i32
      %add3A_142 = arith.addi %mul3A_21, %add3A_141 : i32
      %mul3A_143 = arith.constant 80 : i32
      %mul3A_144 = arith.muli %add3A_142, %mul3A_143 : i32
      %dma_start3A_145 = tpu.memref_slice %arg7[%mul3A_144] : memref<20000xi32, #tpu.memory_space<vmem>> -> memref<80xi32, #tpu.memory_space<vmem>>
      %dma_start3A_146 = arith.constant 0 : i32
      %dma_start3A_147 = arith.constant 0 : i32
      %dma_start3A_148 = tpu.memref_slice %arg13[%dma_start3A_146, %dma_start3A_147] : memref<10000x64xf32, #tpu.memory_space<vmem_shared>> -> memref<10000x64xf32, #tpu.memory_space<vmem_shared>>
      tpu.enqueue_indirect_dma source(%arg10 : memref<80x64xf32, #tpu.memory_space<vmem>>) target(%dma_start3A_148 : memref<10000x64xf32, #tpu.memory_space<vmem_shared>>) offsets(%dma_start3A_145 : memref<80xi32, #tpu.memory_space<vmem>>) semaphore(%arg15 : memref<!tpu.dma_semaphore, #tpu.memory_space<semaphore_mem>>) {add = true}
      %add3A_149 = arith.constant 3 : i32
      %add3A_150 = arith.addi %mul3A_21, %add3A_149 : i32
      %mul3A_151 = arith.constant 80 : i32
      %mul3A_152 = arith.muli %add3A_150, %mul3A_151 : i32
      %dma_start3A_153 = tpu.memref_slice %arg7[%mul3A_152] : memref<20000xi32, #tpu.memory_space<vmem>> -> memref<80xi32, #tpu.memory_space<vmem>>
      %dma_start3A_154 = arith.constant 0 : i32
      %dma_start3A_155 = arith.constant 0 : i32
      %dma_start3A_156 = tpu.memref_slice %arg13[%dma_start3A_154, %dma_start3A_155] : memref<10000x64xf32, #tpu.memory_space<vmem_shared>> -> memref<10000x64xf32, #tpu.memory_space<vmem_shared>>
      tpu.enqueue_indirect_dma source(%arg11 : memref<80x64xf32, #tpu.memory_space<vmem>>) target(%dma_start3A_156 : memref<10000x64xf32, #tpu.memory_space<vmem_shared>>) offsets(%dma_start3A_153 : memref<80xi32, #tpu.memory_space<vmem>>) semaphore(%arg15 : memref<!tpu.dma_semaphore, #tpu.memory_space<semaphore_mem>>) {add = true}
      %add3A_157 = arith.constant 4 : i32
      %add3A_158 = arith.addi %mul3A_21, %add3A_157 : i32
      %mul3A_159 = arith.constant 80 : i32
      %mul3A_160 = arith.muli %add3A_158, %mul3A_159 : i32
      %dma_start3A_161 = tpu.memref_slice %arg7[%mul3A_160] : memref<20000xi32, #tpu.memory_space<vmem>> -> memref<80xi32, #tpu.memory_space<vmem>>
      %dma_start3A_162 = arith.constant 0 : i32
      %dma_start3A_163 = arith.constant 0 : i32
      %dma_start3A_164 = tpu.memref_slice %arg13[%dma_start3A_162, %dma_start3A_163] : memref<10000x64xf32, #tpu.memory_space<vmem_shared>> -> memref<10000x64xf32, #tpu.memory_space<vmem_shared>>
      tpu.enqueue_indirect_dma source(%arg12 : memref<80x64xf32, #tpu.memory_space<vmem>>) target(%dma_start3A_164 : memref<10000x64xf32, #tpu.memory_space<vmem_shared>>) offsets(%dma_start3A_161 : memref<80xi32, #tpu.memory_space<vmem>>) semaphore(%arg15 : memref<!tpu.dma_semaphore, #tpu.memory_space<semaphore_mem>>) {add = true}
      %dma_wait3A_165 = arith.constant 0 : i32
      %dma_wait3A_166 = tpu.memref_slice %arg7[%dma_wait3A_165] : memref<20000xi32, #tpu.memory_space<vmem>> -> memref<80xi32, #tpu.memory_space<vmem>>
      %dma_wait3A_167 = arith.constant 0 : i32
      %dma_wait3A_168 = arith.constant 0 : i32
      %dma_wait3A_169 = tpu.memref_slice %arg13[%dma_wait3A_167, %dma_wait3A_168] : memref<10000x64xf32, #tpu.memory_space<vmem_shared>> -> memref<10000x64xf32, #tpu.memory_space<vmem_shared>>
      tpu.wait_indirect_dma semaphore(%arg15 : memref<!tpu.dma_semaphore, #tpu.memory_space<semaphore_mem>>) src(%arg8 : memref<80x64xf32, #tpu.memory_space<vmem>>) dst(%dma_wait3A_169 : memref<10000x64xf32, #tpu.memory_space<vmem_shared>>)
      %dma_wait3A_170 = arith.constant 0 : i32
      %dma_wait3A_171 = tpu.memref_slice %arg7[%dma_wait3A_170] : memref<20000xi32, #tpu.memory_space<vmem>> -> memref<80xi32, #tpu.memory_space<vmem>>
      %dma_wait3A_172 = arith.constant 0 : i32
      %dma_wait3A_173 = arith.constant 0 : i32
      %dma_wait3A_174 = tpu.memref_slice %arg13[%dma_wait3A_172, %dma_wait3A_173] : memref<10000x64xf32, #tpu.memory_space<vmem_shared>> -> memref<10000x64xf32, #tpu.memory_space<vmem_shared>>
      tpu.wait_indirect_dma semaphore(%arg15 : memref<!tpu.dma_semaphore, #tpu.memory_space<semaphore_mem>>) src(%arg8 : memref<80x64xf32, #tpu.memory_space<vmem>>) dst(%dma_wait3A_174 : memref<10000x64xf32, #tpu.memory_space<vmem_shared>>)
      %dma_wait3A_175 = arith.constant 0 : i32
      %dma_wait3A_176 = tpu.memref_slice %arg7[%dma_wait3A_175] : memref<20000xi32, #tpu.memory_space<vmem>> -> memref<80xi32, #tpu.memory_space<vmem>>
      %dma_wait3A_177 = arith.constant 0 : i32
      %dma_wait3A_178 = arith.constant 0 : i32
      %dma_wait3A_179 = tpu.memref_slice %arg13[%dma_wait3A_177, %dma_wait3A_178] : memref<10000x64xf32, #tpu.memory_space<vmem_shared>> -> memref<10000x64xf32, #tpu.memory_space<vmem_shared>>
      tpu.wait_indirect_dma semaphore(%arg15 : memref<!tpu.dma_semaphore, #tpu.memory_space<semaphore_mem>>) src(%arg8 : memref<80x64xf32, #tpu.memory_space<vmem>>) dst(%dma_wait3A_179 : memref<10000x64xf32, #tpu.memory_space<vmem_shared>>)
      %dma_wait3A_180 = arith.constant 0 : i32
      %dma_wait3A_181 = tpu.memref_slice %arg7[%dma_wait3A_180] : memref<20000xi32, #tpu.memory_space<vmem>> -> memref<80xi32, #tpu.memory_space<vmem>>
      %dma_wait3A_182 = arith.constant 0 : i32
      %dma_wait3A_183 = arith.constant 0 : i32
      %dma_wait3A_184 = tpu.memref_slice %arg13[%dma_wait3A_182, %dma_wait3A_183] : memref<10000x64xf32, #tpu.memory_space<vmem_shared>> -> memref<10000x64xf32, #tpu.memory_space<vmem_shared>>
      tpu.wait_indirect_dma semaphore(%arg15 : memref<!tpu.dma_semaphore, #tpu.memory_space<semaphore_mem>>) src(%arg8 : memref<80x64xf32, #tpu.memory_space<vmem>>) dst(%dma_wait3A_184 : memref<10000x64xf32, #tpu.memory_space<vmem_shared>>)
      %dma_wait3A_185 = arith.constant 0 : i32
      %dma_wait3A_186 = tpu.memref_slice %arg7[%dma_wait3A_185] : memref<20000xi32, #tpu.memory_space<vmem>> -> memref<80xi32, #tpu.memory_space<vmem>>
      %dma_wait3A_187 = arith.constant 0 : i32
      %dma_wait3A_188 = arith.constant 0 : i32
      %dma_wait3A_189 = tpu.memref_slice %arg13[%dma_wait3A_187, %dma_wait3A_188] : memref<10000x64xf32, #tpu.memory_space<vmem_shared>> -> memref<10000x64xf32, #tpu.memory_space<vmem_shared>>
      tpu.wait_indirect_dma semaphore(%arg15 : memref<!tpu.dma_semaphore, #tpu.memory_space<semaphore_mem>>) src(%arg8 : memref<80x64xf32, #tpu.memory_space<vmem>>) dst(%dma_wait3A_189 : memref<10000x64xf32, #tpu.memory_space<vmem_shared>>)
    }
    %scan3A_7 = arith.constant 50 : i32
    %barrier3A_8 = arith.constant 0 : index
    tpu.barrier barrier_id(%barrier3A_8)
    %mul3A_9 = arith.constant 624 : i32
    %mul3A_10 = arith.muli %arg1, %mul3A_9 : i32
    "tpu.region"() ({
      %run_scoped3A_16 = tpu.sem_alloc : memref<!tpu.dma_semaphore, #tpu.memory_space<semaphore_mem>>
      %dma_start3A = arith.constant 0 : i32
      %dma_start3A_17 = arith.constant 0 : i32
      %dma_start3A_18 = tpu.memref_slice %arg5[%arg0, %dma_start3A, %dma_start3A_17] : memref<2x10000x64xf32, #tpu.memory_space<hbm>> -> memref<1x10000x64xf32, #tpu.memory_space<hbm>>
      %dma_start3A_19 = tpu.memref_squeeze %dma_start3A_18 : memref<1x10000x64xf32, #tpu.memory_space<hbm>> -> memref<10000x64xf32, #tpu.memory_space<hbm>>
      %dma_start3A_20 = arith.constant 0 : i32
      %dma_start3A_21 = tpu.memref_slice %dma_start3A_19[%mul3A_10, %dma_start3A_20] : memref<10000x64xf32, #tpu.memory_space<hbm>> -> memref<624x64xf32, #tpu.memory_space<hbm>>
      %dma_start3A_22 = arith.constant 0 : i32
      %dma_start3A_23 = tpu.memref_slice %arg13[%mul3A_10, %dma_start3A_22] : memref<10000x64xf32, #tpu.memory_space<vmem_shared>> -> memref<624x64xf32, #tpu.memory_space<vmem_shared>>
      tpu.enqueue_dma source(%dma_start3A_23 : memref<624x64xf32, #tpu.memory_space<vmem_shared>>) target(%dma_start3A_21 : memref<624x64xf32, #tpu.memory_space<hbm>>) target_semaphore(%run_scoped3A_16 : memref<!tpu.dma_semaphore, #tpu.memory_space<semaphore_mem>>)
      %dma_wait3A = arith.constant 0 : i32
      %dma_wait3A_24 = arith.constant 0 : i32
      %dma_wait3A_25 = tpu.memref_slice %arg5[%arg0, %dma_wait3A, %dma_wait3A_24] : memref<2x10000x64xf32, #tpu.memory_space<hbm>> -> memref<1x10000x64xf32, #tpu.memory_space<hbm>>
      %dma_wait3A_26 = tpu.memref_squeeze %dma_wait3A_25 : memref<1x10000x64xf32, #tpu.memory_space<hbm>> -> memref<10000x64xf32, #tpu.memory_space<hbm>>
      %dma_wait3A_27 = arith.constant 0 : i32
      %dma_wait3A_28 = tpu.memref_slice %dma_wait3A_26[%mul3A_10, %dma_wait3A_27] : memref<10000x64xf32, #tpu.memory_space<hbm>> -> memref<624x64xf32, #tpu.memory_space<hbm>>
      %dma_wait3A_29 = arith.constant 0 : i32
      %dma_wait3A_30 = tpu.memref_slice %arg13[%mul3A_10, %dma_wait3A_29] : memref<10000x64xf32, #tpu.memory_space<vmem_shared>> -> memref<624x64xf32, #tpu.memory_space<vmem_shared>>
      tpu.wait_dma2 semaphore(%run_scoped3A_16 : memref<!tpu.dma_semaphore, #tpu.memory_space<semaphore_mem>>) src(%dma_wait3A_30 : memref<624x64xf32, #tpu.memory_space<vmem_shared>>) dst(%dma_wait3A_28 : memref<624x64xf32, #tpu.memory_space<hbm>>)
      tpu.yield
    }) : () -> ()
    %eq3A_11 = arith.constant 0 : i32
    %eq3A_12 = arith.cmpi eq, %arg1, %eq3A_11 : i32
    %convert_element_type3A_13 = arith.extui %eq3A_12 : i1 to i32
    %cond3A_14 = arith.constant 0 : i32
    %cond3A_15 = arith.cmpi ne, %convert_element_type3A_13, %cond3A_14 : i32
    scf.if %cond3A_15 {
      "tpu.region"() ({
        %run_scoped3A_16 = tpu.sem_alloc : memref<!tpu.dma_semaphore, #tpu.memory_space<semaphore_mem>>
        %dma_start3A = arith.constant 0 : i32
        %dma_start3A_17 = arith.constant 0 : i32
        %dma_start3A_18 = tpu.memref_slice %arg5[%arg0, %dma_start3A, %dma_start3A_17] : memref<2x10000x64xf32, #tpu.memory_space<hbm>> -> memref<1x10000x64xf32, #tpu.memory_space<hbm>>
        %dma_start3A_19 = tpu.memref_squeeze %dma_start3A_18 : memref<1x10000x64xf32, #tpu.memory_space<hbm>> -> memref<10000x64xf32, #tpu.memory_space<hbm>>
        %dma_start3A_20 = arith.constant 9984 : i32
        %dma_start3A_21 = arith.constant 0 : i32
        %dma_start3A_22 = tpu.memref_slice %dma_start3A_19[%dma_start3A_20, %dma_start3A_21] : memref<10000x64xf32, #tpu.memory_space<hbm>> -> memref<16x64xf32, #tpu.memory_space<hbm>>
        %dma_start3A_23 = arith.constant 9984 : i32
        %dma_start3A_24 = arith.constant 0 : i32
        %dma_start3A_25 = tpu.memref_slice %arg13[%dma_start3A_23, %dma_start3A_24] : memref<10000x64xf32, #tpu.memory_space<vmem_shared>> -> memref<16x64xf32, #tpu.memory_space<vmem_shared>>
        tpu.enqueue_dma source(%dma_start3A_25 : memref<16x64xf32, #tpu.memory_space<vmem_shared>>) target(%dma_start3A_22 : memref<16x64xf32, #tpu.memory_space<hbm>>) target_semaphore(%run_scoped3A_16 : memref<!tpu.dma_semaphore, #tpu.memory_space<semaphore_mem>>)
        %dma_wait3A = arith.constant 0 : i32
        %dma_wait3A_26 = arith.constant 0 : i32
        %dma_wait3A_27 = tpu.memref_slice %arg5[%arg0, %dma_wait3A, %dma_wait3A_26] : memref<2x10000x64xf32, #tpu.memory_space<hbm>> -> memref<1x10000x64xf32, #tpu.memory_space<hbm>>
        %dma_wait3A_28 = tpu.memref_squeeze %dma_wait3A_27 : memref<1x10000x64xf32, #tpu.memory_space<hbm>> -> memref<10000x64xf32, #tpu.memory_space<hbm>>
        %dma_wait3A_29 = arith.constant 9984 : i32
        %dma_wait3A_30 = arith.constant 0 : i32
        %dma_wait3A_31 = tpu.memref_slice %dma_wait3A_28[%dma_wait3A_29, %dma_wait3A_30] : memref<10000x64xf32, #tpu.memory_space<hbm>> -> memref<16x64xf32, #tpu.memory_space<hbm>>
        %dma_wait3A_32 = arith.constant 9984 : i32
        %dma_wait3A_33 = arith.constant 0 : i32
        %dma_wait3A_34 = tpu.memref_slice %arg13[%dma_wait3A_32, %dma_wait3A_33] : memref<10000x64xf32, #tpu.memory_space<vmem_shared>> -> memref<16x64xf32, #tpu.memory_space<vmem_shared>>
        tpu.wait_dma2 semaphore(%run_scoped3A_16 : memref<!tpu.dma_semaphore, #tpu.memory_space<semaphore_mem>>) src(%dma_wait3A_34 : memref<16x64xf32, #tpu.memory_space<vmem_shared>>) dst(%dma_wait3A_31 : memref<16x64xf32, #tpu.memory_space<hbm>>)
        tpu.yield
      }) : () -> ()
    } else {
    }
    return
  }
}

#map = affine_map<(d0, d1) -> (0, 0)>
#map1 = affine_map<(d0, d1) -> (0, 0, 0)>
module attributes {stable_mosaic.version = 14 : i64} {
  func.func @k(%arg0: i32, %arg1: i32, %arg2: memref<10000x16xf32, #tpu.memory_space<hbm>>, %arg3: memref<2x16x20000xi32, #tpu.memory_space<hbm>>, %arg4: memref<640x16xf32, #tpu.memory_space<hbm>>, %arg5: memref<2x10000x16xf32, #tpu.memory_space<hbm>>, %arg6: memref<10000xi32, #tpu.memory_space<vmem>>, %arg7: memref<10000xi32, #tpu.memory_space<vmem>>, %arg8: memref<80x16xf32, #tpu.memory_space<vmem>>, %arg9: memref<80x16xf32, #tpu.memory_space<vmem>>, %arg10: memref<80x16xf32, #tpu.memory_space<vmem>>, %arg11: memref<80x16xf32, #tpu.memory_space<vmem>>, %arg12: memref<80x16xf32, #tpu.memory_space<vmem>>, %arg13: memref<10000x16xf32, #tpu.memory_space<vmem_shared>>, %arg14: memref<!tpu.dma_semaphore, #tpu.memory_space<semaphore_mem>>, %arg15: memref<!tpu.dma_semaphore, #tpu.memory_space<semaphore_mem>>) attributes {dimension_semantics = [#tpu.dimension_semantics<core_parallel>, #tpu.dimension_semantics<subcore_parallel>], iteration_bounds = array<i64: 2, 16>, scalar_prefetch = 0 : i64, scratch_operands = 10 : i64, tpu.core_type = #tpu.core_type<sc_vector_subcore>, window_params = [{transform_indices = #map}, {transform_indices = #map1}, {transform_indices = #map}, {transform_indices = #map1}]} {
    %mul3A = arith.constant 624 : i32
    %mul3A_0 = arith.muli %arg1, %mul3A : i32
    "tpu.region"() ({
      %run_scoped3A_18 = tpu.sem_alloc : memref<!tpu.dma_semaphore, #tpu.memory_space<semaphore_mem>>
      %dma_start3A = arith.constant 0 : i32
      %dma_start3A_19 = tpu.memref_slice %arg13[%mul3A_0, %dma_start3A] : memref<10000x16xf32, #tpu.memory_space<vmem_shared>> -> memref<624x16xf32, #tpu.memory_space<vmem_shared>>
      %dma_start3A_20 = arith.constant 0 : i32
      %dma_start3A_21 = arith.constant 0 : i32
      %dma_start3A_22 = tpu.memref_slice %arg4[%dma_start3A_20, %dma_start3A_21] : memref<640x16xf32, #tpu.memory_space<hbm>> -> memref<624x16xf32, #tpu.memory_space<hbm>>
      tpu.enqueue_dma source(%dma_start3A_22 : memref<624x16xf32, #tpu.memory_space<hbm>>) target(%dma_start3A_19 : memref<624x16xf32, #tpu.memory_space<vmem_shared>>) target_semaphore(%run_scoped3A_18 : memref<!tpu.dma_semaphore, #tpu.memory_space<semaphore_mem>>)
      %dma_wait3A = arith.constant 0 : i32
      %dma_wait3A_23 = tpu.memref_slice %arg13[%mul3A_0, %dma_wait3A] : memref<10000x16xf32, #tpu.memory_space<vmem_shared>> -> memref<624x16xf32, #tpu.memory_space<vmem_shared>>
      %dma_wait3A_24 = arith.constant 0 : i32
      %dma_wait3A_25 = arith.constant 0 : i32
      %dma_wait3A_26 = tpu.memref_slice %arg4[%dma_wait3A_24, %dma_wait3A_25] : memref<640x16xf32, #tpu.memory_space<hbm>> -> memref<624x16xf32, #tpu.memory_space<hbm>>
      tpu.wait_dma2 semaphore(%run_scoped3A_18 : memref<!tpu.dma_semaphore, #tpu.memory_space<semaphore_mem>>) src(%dma_wait3A_26 : memref<624x16xf32, #tpu.memory_space<hbm>>) dst(%dma_wait3A_23 : memref<624x16xf32, #tpu.memory_space<vmem_shared>>)
      tpu.yield
    }) : () -> ()
    %eq3A = arith.constant 0 : i32
    %eq3A_1 = arith.cmpi eq, %arg1, %eq3A : i32
    %convert_element_type3A = arith.extui %eq3A_1 : i1 to i32
    %cond3A = arith.constant 0 : i32
    %cond3A_2 = arith.cmpi ne, %convert_element_type3A, %cond3A : i32
    scf.if %cond3A_2 {
      "tpu.region"() ({
        %run_scoped3A_18 = tpu.sem_alloc : memref<!tpu.dma_semaphore, #tpu.memory_space<semaphore_mem>>
        %dma_start3A = arith.constant 9984 : i32
        %dma_start3A_19 = arith.constant 0 : i32
        %dma_start3A_20 = tpu.memref_slice %arg13[%dma_start3A, %dma_start3A_19] : memref<10000x16xf32, #tpu.memory_space<vmem_shared>> -> memref<16x16xf32, #tpu.memory_space<vmem_shared>>
        %dma_start3A_21 = arith.constant 0 : i32
        %dma_start3A_22 = arith.constant 0 : i32
        %dma_start3A_23 = tpu.memref_slice %arg4[%dma_start3A_21, %dma_start3A_22] : memref<640x16xf32, #tpu.memory_space<hbm>> -> memref<16x16xf32, #tpu.memory_space<hbm>>
        tpu.enqueue_dma source(%dma_start3A_23 : memref<16x16xf32, #tpu.memory_space<hbm>>) target(%dma_start3A_20 : memref<16x16xf32, #tpu.memory_space<vmem_shared>>) target_semaphore(%run_scoped3A_18 : memref<!tpu.dma_semaphore, #tpu.memory_space<semaphore_mem>>)
        %dma_wait3A = arith.constant 9984 : i32
        %dma_wait3A_24 = arith.constant 0 : i32
        %dma_wait3A_25 = tpu.memref_slice %arg13[%dma_wait3A, %dma_wait3A_24] : memref<10000x16xf32, #tpu.memory_space<vmem_shared>> -> memref<16x16xf32, #tpu.memory_space<vmem_shared>>
        %dma_wait3A_26 = arith.constant 0 : i32
        %dma_wait3A_27 = arith.constant 0 : i32
        %dma_wait3A_28 = tpu.memref_slice %arg4[%dma_wait3A_26, %dma_wait3A_27] : memref<640x16xf32, #tpu.memory_space<hbm>> -> memref<16x16xf32, #tpu.memory_space<hbm>>
        tpu.wait_dma2 semaphore(%run_scoped3A_18 : memref<!tpu.dma_semaphore, #tpu.memory_space<semaphore_mem>>) src(%dma_wait3A_28 : memref<16x16xf32, #tpu.memory_space<hbm>>) dst(%dma_wait3A_25 : memref<16x16xf32, #tpu.memory_space<vmem_shared>>)
        tpu.yield
      }) : () -> ()
    } else {
    }
    %mul3A_3 = arith.constant 10000 : i32
    %mul3A_4 = arith.muli %arg0, %mul3A_3 : i32
    %run_scoped3A = arith.constant 0 : i32
    "tpu.region"() ({
      %run_scoped3A_18 = tpu.sem_alloc : memref<!tpu.dma_semaphore, #tpu.memory_space<semaphore_mem>>
      %dma_start3A = arith.constant 0 : i32
      %dma_start3A_19 = arith.constant 0 : i32
      %dma_start3A_20 = tpu.memref_slice %arg3[%run_scoped3A, %dma_start3A, %dma_start3A_19] : memref<2x16x20000xi32, #tpu.memory_space<hbm>> -> memref<1x16x20000xi32, #tpu.memory_space<hbm>>
      %dma_start3A_21 = tpu.memref_squeeze %dma_start3A_20 : memref<1x16x20000xi32, #tpu.memory_space<hbm>> -> memref<16x20000xi32, #tpu.memory_space<hbm>>
      %dma_start3A_22 = arith.constant 0 : i32
      %dma_start3A_23 = tpu.memref_slice %dma_start3A_21[%arg1, %dma_start3A_22] : memref<16x20000xi32, #tpu.memory_space<hbm>> -> memref<1x20000xi32, #tpu.memory_space<hbm>>
      %dma_start3A_24 = tpu.memref_squeeze %dma_start3A_23 : memref<1x20000xi32, #tpu.memory_space<hbm>> -> memref<20000xi32, #tpu.memory_space<hbm>>
      %dma_start3A_25 = tpu.memref_slice %dma_start3A_24[%mul3A_4] : memref<20000xi32, #tpu.memory_space<hbm>> -> memref<10000xi32, #tpu.memory_space<hbm>>
      %dma_start3A_26 = arith.constant 0 : i32
      %dma_start3A_27 = arith.constant 0 : i32
      %dma_start3A_28 = tpu.memref_slice %arg3[%run_scoped3A, %dma_start3A_26, %dma_start3A_27] : memref<2x16x20000xi32, #tpu.memory_space<hbm>> -> memref<1x16x20000xi32, #tpu.memory_space<hbm>>
      %dma_start3A_29 = tpu.memref_squeeze %dma_start3A_28 : memref<1x16x20000xi32, #tpu.memory_space<hbm>> -> memref<16x20000xi32, #tpu.memory_space<hbm>>
      %dma_start3A_30 = arith.constant 0 : i32
      %dma_start3A_31 = tpu.memref_slice %dma_start3A_29[%arg1, %dma_start3A_30] : memref<16x20000xi32, #tpu.memory_space<hbm>> -> memref<1x20000xi32, #tpu.memory_space<hbm>>
      %dma_start3A_32 = tpu.memref_squeeze %dma_start3A_31 : memref<1x20000xi32, #tpu.memory_space<hbm>> -> memref<20000xi32, #tpu.memory_space<hbm>>
      %dma_start3A_33 = tpu.memref_slice %dma_start3A_32[%mul3A_4] : memref<20000xi32, #tpu.memory_space<hbm>> -> memref<10000xi32, #tpu.memory_space<hbm>>
      tpu.enqueue_dma source(%dma_start3A_33 : memref<10000xi32, #tpu.memory_space<hbm>>) target(%arg6 : memref<10000xi32, #tpu.memory_space<vmem>>) target_semaphore(%run_scoped3A_18 : memref<!tpu.dma_semaphore, #tpu.memory_space<semaphore_mem>>)
      %dma_wait3A = arith.constant 0 : i32
      %dma_wait3A_34 = arith.constant 0 : i32
      %dma_wait3A_35 = tpu.memref_slice %arg3[%run_scoped3A, %dma_wait3A, %dma_wait3A_34] : memref<2x16x20000xi32, #tpu.memory_space<hbm>> -> memref<1x16x20000xi32, #tpu.memory_space<hbm>>
      %dma_wait3A_36 = tpu.memref_squeeze %dma_wait3A_35 : memref<1x16x20000xi32, #tpu.memory_space<hbm>> -> memref<16x20000xi32, #tpu.memory_space<hbm>>
      %dma_wait3A_37 = arith.constant 0 : i32
      %dma_wait3A_38 = tpu.memref_slice %dma_wait3A_36[%arg1, %dma_wait3A_37] : memref<16x20000xi32, #tpu.memory_space<hbm>> -> memref<1x20000xi32, #tpu.memory_space<hbm>>
      %dma_wait3A_39 = tpu.memref_squeeze %dma_wait3A_38 : memref<1x20000xi32, #tpu.memory_space<hbm>> -> memref<20000xi32, #tpu.memory_space<hbm>>
      %dma_wait3A_40 = tpu.memref_slice %dma_wait3A_39[%mul3A_4] : memref<20000xi32, #tpu.memory_space<hbm>> -> memref<10000xi32, #tpu.memory_space<hbm>>
      %dma_wait3A_41 = arith.constant 0 : i32
      %dma_wait3A_42 = arith.constant 0 : i32
      %dma_wait3A_43 = tpu.memref_slice %arg3[%run_scoped3A, %dma_wait3A_41, %dma_wait3A_42] : memref<2x16x20000xi32, #tpu.memory_space<hbm>> -> memref<1x16x20000xi32, #tpu.memory_space<hbm>>
      %dma_wait3A_44 = tpu.memref_squeeze %dma_wait3A_43 : memref<1x16x20000xi32, #tpu.memory_space<hbm>> -> memref<16x20000xi32, #tpu.memory_space<hbm>>
      %dma_wait3A_45 = arith.constant 0 : i32
      %dma_wait3A_46 = tpu.memref_slice %dma_wait3A_44[%arg1, %dma_wait3A_45] : memref<16x20000xi32, #tpu.memory_space<hbm>> -> memref<1x20000xi32, #tpu.memory_space<hbm>>
      %dma_wait3A_47 = tpu.memref_squeeze %dma_wait3A_46 : memref<1x20000xi32, #tpu.memory_space<hbm>> -> memref<20000xi32, #tpu.memory_space<hbm>>
      %dma_wait3A_48 = tpu.memref_slice %dma_wait3A_47[%mul3A_4] : memref<20000xi32, #tpu.memory_space<hbm>> -> memref<10000xi32, #tpu.memory_space<hbm>>
      tpu.wait_dma2 semaphore(%run_scoped3A_18 : memref<!tpu.dma_semaphore, #tpu.memory_space<semaphore_mem>>) src(%dma_wait3A_48 : memref<10000xi32, #tpu.memory_space<hbm>>) dst(%arg6 : memref<10000xi32, #tpu.memory_space<vmem>>)
      tpu.yield
    }) : () -> ()
    %run_scoped3A_5 = arith.constant 1 : i32
    "tpu.region"() ({
      %run_scoped3A_18 = tpu.sem_alloc : memref<!tpu.dma_semaphore, #tpu.memory_space<semaphore_mem>>
      %dma_start3A = arith.constant 0 : i32
      %dma_start3A_19 = arith.constant 0 : i32
      %dma_start3A_20 = tpu.memref_slice %arg3[%run_scoped3A_5, %dma_start3A, %dma_start3A_19] : memref<2x16x20000xi32, #tpu.memory_space<hbm>> -> memref<1x16x20000xi32, #tpu.memory_space<hbm>>
      %dma_start3A_21 = tpu.memref_squeeze %dma_start3A_20 : memref<1x16x20000xi32, #tpu.memory_space<hbm>> -> memref<16x20000xi32, #tpu.memory_space<hbm>>
      %dma_start3A_22 = arith.constant 0 : i32
      %dma_start3A_23 = tpu.memref_slice %dma_start3A_21[%arg1, %dma_start3A_22] : memref<16x20000xi32, #tpu.memory_space<hbm>> -> memref<1x20000xi32, #tpu.memory_space<hbm>>
      %dma_start3A_24 = tpu.memref_squeeze %dma_start3A_23 : memref<1x20000xi32, #tpu.memory_space<hbm>> -> memref<20000xi32, #tpu.memory_space<hbm>>
      %dma_start3A_25 = tpu.memref_slice %dma_start3A_24[%mul3A_4] : memref<20000xi32, #tpu.memory_space<hbm>> -> memref<10000xi32, #tpu.memory_space<hbm>>
      %dma_start3A_26 = arith.constant 0 : i32
      %dma_start3A_27 = arith.constant 0 : i32
      %dma_start3A_28 = tpu.memref_slice %arg3[%run_scoped3A_5, %dma_start3A_26, %dma_start3A_27] : memref<2x16x20000xi32, #tpu.memory_space<hbm>> -> memref<1x16x20000xi32, #tpu.memory_space<hbm>>
      %dma_start3A_29 = tpu.memref_squeeze %dma_start3A_28 : memref<1x16x20000xi32, #tpu.memory_space<hbm>> -> memref<16x20000xi32, #tpu.memory_space<hbm>>
      %dma_start3A_30 = arith.constant 0 : i32
      %dma_start3A_31 = tpu.memref_slice %dma_start3A_29[%arg1, %dma_start3A_30] : memref<16x20000xi32, #tpu.memory_space<hbm>> -> memref<1x20000xi32, #tpu.memory_space<hbm>>
      %dma_start3A_32 = tpu.memref_squeeze %dma_start3A_31 : memref<1x20000xi32, #tpu.memory_space<hbm>> -> memref<20000xi32, #tpu.memory_space<hbm>>
      %dma_start3A_33 = tpu.memref_slice %dma_start3A_32[%mul3A_4] : memref<20000xi32, #tpu.memory_space<hbm>> -> memref<10000xi32, #tpu.memory_space<hbm>>
      tpu.enqueue_dma source(%dma_start3A_33 : memref<10000xi32, #tpu.memory_space<hbm>>) target(%arg7 : memref<10000xi32, #tpu.memory_space<vmem>>) target_semaphore(%run_scoped3A_18 : memref<!tpu.dma_semaphore, #tpu.memory_space<semaphore_mem>>)
      %dma_wait3A = arith.constant 0 : i32
      %dma_wait3A_34 = arith.constant 0 : i32
      %dma_wait3A_35 = tpu.memref_slice %arg3[%run_scoped3A_5, %dma_wait3A, %dma_wait3A_34] : memref<2x16x20000xi32, #tpu.memory_space<hbm>> -> memref<1x16x20000xi32, #tpu.memory_space<hbm>>
      %dma_wait3A_36 = tpu.memref_squeeze %dma_wait3A_35 : memref<1x16x20000xi32, #tpu.memory_space<hbm>> -> memref<16x20000xi32, #tpu.memory_space<hbm>>
      %dma_wait3A_37 = arith.constant 0 : i32
      %dma_wait3A_38 = tpu.memref_slice %dma_wait3A_36[%arg1, %dma_wait3A_37] : memref<16x20000xi32, #tpu.memory_space<hbm>> -> memref<1x20000xi32, #tpu.memory_space<hbm>>
      %dma_wait3A_39 = tpu.memref_squeeze %dma_wait3A_38 : memref<1x20000xi32, #tpu.memory_space<hbm>> -> memref<20000xi32, #tpu.memory_space<hbm>>
      %dma_wait3A_40 = tpu.memref_slice %dma_wait3A_39[%mul3A_4] : memref<20000xi32, #tpu.memory_space<hbm>> -> memref<10000xi32, #tpu.memory_space<hbm>>
      %dma_wait3A_41 = arith.constant 0 : i32
      %dma_wait3A_42 = arith.constant 0 : i32
      %dma_wait3A_43 = tpu.memref_slice %arg3[%run_scoped3A_5, %dma_wait3A_41, %dma_wait3A_42] : memref<2x16x20000xi32, #tpu.memory_space<hbm>> -> memref<1x16x20000xi32, #tpu.memory_space<hbm>>
      %dma_wait3A_44 = tpu.memref_squeeze %dma_wait3A_43 : memref<1x16x20000xi32, #tpu.memory_space<hbm>> -> memref<16x20000xi32, #tpu.memory_space<hbm>>
      %dma_wait3A_45 = arith.constant 0 : i32
      %dma_wait3A_46 = tpu.memref_slice %dma_wait3A_44[%arg1, %dma_wait3A_45] : memref<16x20000xi32, #tpu.memory_space<hbm>> -> memref<1x20000xi32, #tpu.memory_space<hbm>>
      %dma_wait3A_47 = tpu.memref_squeeze %dma_wait3A_46 : memref<1x20000xi32, #tpu.memory_space<hbm>> -> memref<20000xi32, #tpu.memory_space<hbm>>
      %dma_wait3A_48 = tpu.memref_slice %dma_wait3A_47[%mul3A_4] : memref<20000xi32, #tpu.memory_space<hbm>> -> memref<10000xi32, #tpu.memory_space<hbm>>
      tpu.wait_dma2 semaphore(%run_scoped3A_18 : memref<!tpu.dma_semaphore, #tpu.memory_space<semaphore_mem>>) src(%dma_wait3A_48 : memref<10000xi32, #tpu.memory_space<hbm>>) dst(%arg7 : memref<10000xi32, #tpu.memory_space<vmem>>)
      tpu.yield
    }) : () -> ()
    %barrier3A = arith.constant 0 : index
    tpu.barrier barrier_id(%barrier3A)
    %scan3A = arith.constant 0 : i32
    %scan3A_6 = arith.constant 25 : i32
    %scan3A_7 = arith.addi %scan3A, %scan3A_6 : i32
    %scan3A_8 = arith.constant 1 : i32
    scf.for %scan3A_18 = %scan3A to %scan3A_7 step %scan3A_8  : i32 {
      %mul3A_19 = arith.constant 1 : i32
      %mul3A_20 = arith.muli %scan3A_18, %mul3A_19 : i32
      %add3A = arith.constant 0 : i32
      %add3A_21 = arith.addi %add3A, %mul3A_20 : i32
      %mul3A_22 = arith.constant 5 : i32
      %mul3A_23 = arith.muli %add3A_21, %mul3A_22 : i32
      %add3A_24 = arith.constant 0 : i32
      %add3A_25 = arith.addi %mul3A_23, %add3A_24 : i32
      %mul3A_26 = arith.constant 80 : i32
      %mul3A_27 = arith.muli %add3A_25, %mul3A_26 : i32
      %dma_start3A = tpu.memref_slice %arg7[%mul3A_27] : memref<10000xi32, #tpu.memory_space<vmem>> -> memref<80xi32, #tpu.memory_space<vmem>>
      %dma_start3A_28 = arith.constant 0 : i32
      %dma_start3A_29 = arith.constant 0 : i32
      %dma_start3A_30 = tpu.memref_slice %arg2[%dma_start3A_28, %dma_start3A_29] : memref<10000x16xf32, #tpu.memory_space<hbm>> -> memref<10000x16xf32, #tpu.memory_space<hbm>>
      tpu.enqueue_indirect_dma source(%dma_start3A_30 : memref<10000x16xf32, #tpu.memory_space<hbm>>) target(%arg8 : memref<80x16xf32, #tpu.memory_space<vmem>>) offsets(%dma_start3A : memref<80xi32, #tpu.memory_space<vmem>>) semaphore(%arg14 : memref<!tpu.dma_semaphore, #tpu.memory_space<semaphore_mem>>)
      %add3A_31 = arith.constant 1 : i32
      %add3A_32 = arith.addi %mul3A_23, %add3A_31 : i32
      %mul3A_33 = arith.constant 80 : i32
      %mul3A_34 = arith.muli %add3A_32, %mul3A_33 : i32
      %dma_start3A_35 = tpu.memref_slice %arg7[%mul3A_34] : memref<10000xi32, #tpu.memory_space<vmem>> -> memref<80xi32, #tpu.memory_space<vmem>>
      %dma_start3A_36 = arith.constant 0 : i32
      %dma_start3A_37 = arith.constant 0 : i32
      %dma_start3A_38 = tpu.memref_slice %arg2[%dma_start3A_36, %dma_start3A_37] : memref<10000x16xf32, #tpu.memory_space<hbm>> -> memref<10000x16xf32, #tpu.memory_space<hbm>>
      tpu.enqueue_indirect_dma source(%dma_start3A_38 : memref<10000x16xf32, #tpu.memory_space<hbm>>) target(%arg9 : memref<80x16xf32, #tpu.memory_space<vmem>>) offsets(%dma_start3A_35 : memref<80xi32, #tpu.memory_space<vmem>>) semaphore(%arg14 : memref<!tpu.dma_semaphore, #tpu.memory_space<semaphore_mem>>)
      %add3A_39 = arith.constant 2 : i32
      %add3A_40 = arith.addi %mul3A_23, %add3A_39 : i32
      %mul3A_41 = arith.constant 80 : i32
      %mul3A_42 = arith.muli %add3A_40, %mul3A_41 : i32
      %dma_start3A_43 = tpu.memref_slice %arg7[%mul3A_42] : memref<10000xi32, #tpu.memory_space<vmem>> -> memref<80xi32, #tpu.memory_space<vmem>>
      %dma_start3A_44 = arith.constant 0 : i32
      %dma_start3A_45 = arith.constant 0 : i32
      %dma_start3A_46 = tpu.memref_slice %arg2[%dma_start3A_44, %dma_start3A_45] : memref<10000x16xf32, #tpu.memory_space<hbm>> -> memref<10000x16xf32, #tpu.memory_space<hbm>>
      tpu.enqueue_indirect_dma source(%dma_start3A_46 : memref<10000x16xf32, #tpu.memory_space<hbm>>) target(%arg10 : memref<80x16xf32, #tpu.memory_space<vmem>>) offsets(%dma_start3A_43 : memref<80xi32, #tpu.memory_space<vmem>>) semaphore(%arg14 : memref<!tpu.dma_semaphore, #tpu.memory_space<semaphore_mem>>)
      %add3A_47 = arith.constant 3 : i32
      %add3A_48 = arith.addi %mul3A_23, %add3A_47 : i32
      %mul3A_49 = arith.constant 80 : i32
      %mul3A_50 = arith.muli %add3A_48, %mul3A_49 : i32
      %dma_start3A_51 = tpu.memref_slice %arg7[%mul3A_50] : memref<10000xi32, #tpu.memory_space<vmem>> -> memref<80xi32, #tpu.memory_space<vmem>>
      %dma_start3A_52 = arith.constant 0 : i32
      %dma_start3A_53 = arith.constant 0 : i32
      %dma_start3A_54 = tpu.memref_slice %arg2[%dma_start3A_52, %dma_start3A_53] : memref<10000x16xf32, #tpu.memory_space<hbm>> -> memref<10000x16xf32, #tpu.memory_space<hbm>>
      tpu.enqueue_indirect_dma source(%dma_start3A_54 : memref<10000x16xf32, #tpu.memory_space<hbm>>) target(%arg11 : memref<80x16xf32, #tpu.memory_space<vmem>>) offsets(%dma_start3A_51 : memref<80xi32, #tpu.memory_space<vmem>>) semaphore(%arg14 : memref<!tpu.dma_semaphore, #tpu.memory_space<semaphore_mem>>)
      %add3A_55 = arith.constant 4 : i32
      %add3A_56 = arith.addi %mul3A_23, %add3A_55 : i32
      %mul3A_57 = arith.constant 80 : i32
      %mul3A_58 = arith.muli %add3A_56, %mul3A_57 : i32
      %dma_start3A_59 = tpu.memref_slice %arg7[%mul3A_58] : memref<10000xi32, #tpu.memory_space<vmem>> -> memref<80xi32, #tpu.memory_space<vmem>>
      %dma_start3A_60 = arith.constant 0 : i32
      %dma_start3A_61 = arith.constant 0 : i32
      %dma_start3A_62 = tpu.memref_slice %arg2[%dma_start3A_60, %dma_start3A_61] : memref<10000x16xf32, #tpu.memory_space<hbm>> -> memref<10000x16xf32, #tpu.memory_space<hbm>>
      tpu.enqueue_indirect_dma source(%dma_start3A_62 : memref<10000x16xf32, #tpu.memory_space<hbm>>) target(%arg12 : memref<80x16xf32, #tpu.memory_space<vmem>>) offsets(%dma_start3A_59 : memref<80xi32, #tpu.memory_space<vmem>>) semaphore(%arg14 : memref<!tpu.dma_semaphore, #tpu.memory_space<semaphore_mem>>)
      %dma_wait3A = arith.constant 0 : i32
      %dma_wait3A_63 = tpu.memref_slice %arg7[%dma_wait3A] : memref<10000xi32, #tpu.memory_space<vmem>> -> memref<80xi32, #tpu.memory_space<vmem>>
      %dma_wait3A_64 = arith.constant 0 : i32
      %dma_wait3A_65 = arith.constant 0 : i32
      %dma_wait3A_66 = tpu.memref_slice %arg2[%dma_wait3A_64, %dma_wait3A_65] : memref<10000x16xf32, #tpu.memory_space<hbm>> -> memref<10000x16xf32, #tpu.memory_space<hbm>>
      tpu.wait_indirect_dma semaphore(%arg14 : memref<!tpu.dma_semaphore, #tpu.memory_space<semaphore_mem>>) src(%dma_wait3A_66 : memref<10000x16xf32, #tpu.memory_space<hbm>>) dst(%arg8 : memref<80x16xf32, #tpu.memory_space<vmem>>)
      %dma_wait3A_67 = arith.constant 0 : i32
      %dma_wait3A_68 = tpu.memref_slice %arg7[%dma_wait3A_67] : memref<10000xi32, #tpu.memory_space<vmem>> -> memref<80xi32, #tpu.memory_space<vmem>>
      %dma_wait3A_69 = arith.constant 0 : i32
      %dma_wait3A_70 = arith.constant 0 : i32
      %dma_wait3A_71 = tpu.memref_slice %arg2[%dma_wait3A_69, %dma_wait3A_70] : memref<10000x16xf32, #tpu.memory_space<hbm>> -> memref<10000x16xf32, #tpu.memory_space<hbm>>
      tpu.wait_indirect_dma semaphore(%arg14 : memref<!tpu.dma_semaphore, #tpu.memory_space<semaphore_mem>>) src(%dma_wait3A_71 : memref<10000x16xf32, #tpu.memory_space<hbm>>) dst(%arg8 : memref<80x16xf32, #tpu.memory_space<vmem>>)
      %dma_wait3A_72 = arith.constant 0 : i32
      %dma_wait3A_73 = tpu.memref_slice %arg7[%dma_wait3A_72] : memref<10000xi32, #tpu.memory_space<vmem>> -> memref<80xi32, #tpu.memory_space<vmem>>
      %dma_wait3A_74 = arith.constant 0 : i32
      %dma_wait3A_75 = arith.constant 0 : i32
      %dma_wait3A_76 = tpu.memref_slice %arg2[%dma_wait3A_74, %dma_wait3A_75] : memref<10000x16xf32, #tpu.memory_space<hbm>> -> memref<10000x16xf32, #tpu.memory_space<hbm>>
      tpu.wait_indirect_dma semaphore(%arg14 : memref<!tpu.dma_semaphore, #tpu.memory_space<semaphore_mem>>) src(%dma_wait3A_76 : memref<10000x16xf32, #tpu.memory_space<hbm>>) dst(%arg8 : memref<80x16xf32, #tpu.memory_space<vmem>>)
      %dma_wait3A_77 = arith.constant 0 : i32
      %dma_wait3A_78 = tpu.memref_slice %arg7[%dma_wait3A_77] : memref<10000xi32, #tpu.memory_space<vmem>> -> memref<80xi32, #tpu.memory_space<vmem>>
      %dma_wait3A_79 = arith.constant 0 : i32
      %dma_wait3A_80 = arith.constant 0 : i32
      %dma_wait3A_81 = tpu.memref_slice %arg2[%dma_wait3A_79, %dma_wait3A_80] : memref<10000x16xf32, #tpu.memory_space<hbm>> -> memref<10000x16xf32, #tpu.memory_space<hbm>>
      tpu.wait_indirect_dma semaphore(%arg14 : memref<!tpu.dma_semaphore, #tpu.memory_space<semaphore_mem>>) src(%dma_wait3A_81 : memref<10000x16xf32, #tpu.memory_space<hbm>>) dst(%arg8 : memref<80x16xf32, #tpu.memory_space<vmem>>)
      %dma_wait3A_82 = arith.constant 0 : i32
      %dma_wait3A_83 = tpu.memref_slice %arg7[%dma_wait3A_82] : memref<10000xi32, #tpu.memory_space<vmem>> -> memref<80xi32, #tpu.memory_space<vmem>>
      %dma_wait3A_84 = arith.constant 0 : i32
      %dma_wait3A_85 = arith.constant 0 : i32
      %dma_wait3A_86 = tpu.memref_slice %arg2[%dma_wait3A_84, %dma_wait3A_85] : memref<10000x16xf32, #tpu.memory_space<hbm>> -> memref<10000x16xf32, #tpu.memory_space<hbm>>
      tpu.wait_indirect_dma semaphore(%arg14 : memref<!tpu.dma_semaphore, #tpu.memory_space<semaphore_mem>>) src(%dma_wait3A_86 : memref<10000x16xf32, #tpu.memory_space<hbm>>) dst(%arg8 : memref<80x16xf32, #tpu.memory_space<vmem>>)
      %add3A_87 = arith.constant 0 : i32
      %add3A_88 = arith.addi %mul3A_23, %add3A_87 : i32
      %mul3A_89 = arith.constant 80 : i32
      %mul3A_90 = arith.muli %add3A_88, %mul3A_89 : i32
      %dma_start3A_91 = tpu.memref_slice %arg6[%mul3A_90] : memref<10000xi32, #tpu.memory_space<vmem>> -> memref<80xi32, #tpu.memory_space<vmem>>
      %dma_start3A_92 = arith.constant 0 : i32
      %dma_start3A_93 = arith.constant 0 : i32
      %dma_start3A_94 = tpu.memref_slice %arg13[%dma_start3A_92, %dma_start3A_93] : memref<10000x16xf32, #tpu.memory_space<vmem_shared>> -> memref<10000x16xf32, #tpu.memory_space<vmem_shared>>
      tpu.enqueue_indirect_dma source(%arg8 : memref<80x16xf32, #tpu.memory_space<vmem>>) target(%dma_start3A_94 : memref<10000x16xf32, #tpu.memory_space<vmem_shared>>) offsets(%dma_start3A_91 : memref<80xi32, #tpu.memory_space<vmem>>) semaphore(%arg15 : memref<!tpu.dma_semaphore, #tpu.memory_space<semaphore_mem>>) {add = true}
      %add3A_95 = arith.constant 1 : i32
      %add3A_96 = arith.addi %mul3A_23, %add3A_95 : i32
      %mul3A_97 = arith.constant 80 : i32
      %mul3A_98 = arith.muli %add3A_96, %mul3A_97 : i32
      %dma_start3A_99 = tpu.memref_slice %arg6[%mul3A_98] : memref<10000xi32, #tpu.memory_space<vmem>> -> memref<80xi32, #tpu.memory_space<vmem>>
      %dma_start3A_100 = arith.constant 0 : i32
      %dma_start3A_101 = arith.constant 0 : i32
      %dma_start3A_102 = tpu.memref_slice %arg13[%dma_start3A_100, %dma_start3A_101] : memref<10000x16xf32, #tpu.memory_space<vmem_shared>> -> memref<10000x16xf32, #tpu.memory_space<vmem_shared>>
      tpu.enqueue_indirect_dma source(%arg9 : memref<80x16xf32, #tpu.memory_space<vmem>>) target(%dma_start3A_102 : memref<10000x16xf32, #tpu.memory_space<vmem_shared>>) offsets(%dma_start3A_99 : memref<80xi32, #tpu.memory_space<vmem>>) semaphore(%arg15 : memref<!tpu.dma_semaphore, #tpu.memory_space<semaphore_mem>>) {add = true}
      %add3A_103 = arith.constant 2 : i32
      %add3A_104 = arith.addi %mul3A_23, %add3A_103 : i32
      %mul3A_105 = arith.constant 80 : i32
      %mul3A_106 = arith.muli %add3A_104, %mul3A_105 : i32
      %dma_start3A_107 = tpu.memref_slice %arg6[%mul3A_106] : memref<10000xi32, #tpu.memory_space<vmem>> -> memref<80xi32, #tpu.memory_space<vmem>>
      %dma_start3A_108 = arith.constant 0 : i32
      %dma_start3A_109 = arith.constant 0 : i32
      %dma_start3A_110 = tpu.memref_slice %arg13[%dma_start3A_108, %dma_start3A_109] : memref<10000x16xf32, #tpu.memory_space<vmem_shared>> -> memref<10000x16xf32, #tpu.memory_space<vmem_shared>>
      tpu.enqueue_indirect_dma source(%arg10 : memref<80x16xf32, #tpu.memory_space<vmem>>) target(%dma_start3A_110 : memref<10000x16xf32, #tpu.memory_space<vmem_shared>>) offsets(%dma_start3A_107 : memref<80xi32, #tpu.memory_space<vmem>>) semaphore(%arg15 : memref<!tpu.dma_semaphore, #tpu.memory_space<semaphore_mem>>) {add = true}
      %add3A_111 = arith.constant 3 : i32
      %add3A_112 = arith.addi %mul3A_23, %add3A_111 : i32
      %mul3A_113 = arith.constant 80 : i32
      %mul3A_114 = arith.muli %add3A_112, %mul3A_113 : i32
      %dma_start3A_115 = tpu.memref_slice %arg6[%mul3A_114] : memref<10000xi32, #tpu.memory_space<vmem>> -> memref<80xi32, #tpu.memory_space<vmem>>
      %dma_start3A_116 = arith.constant 0 : i32
      %dma_start3A_117 = arith.constant 0 : i32
      %dma_start3A_118 = tpu.memref_slice %arg13[%dma_start3A_116, %dma_start3A_117] : memref<10000x16xf32, #tpu.memory_space<vmem_shared>> -> memref<10000x16xf32, #tpu.memory_space<vmem_shared>>
      tpu.enqueue_indirect_dma source(%arg11 : memref<80x16xf32, #tpu.memory_space<vmem>>) target(%dma_start3A_118 : memref<10000x16xf32, #tpu.memory_space<vmem_shared>>) offsets(%dma_start3A_115 : memref<80xi32, #tpu.memory_space<vmem>>) semaphore(%arg15 : memref<!tpu.dma_semaphore, #tpu.memory_space<semaphore_mem>>) {add = true}
      %add3A_119 = arith.constant 4 : i32
      %add3A_120 = arith.addi %mul3A_23, %add3A_119 : i32
      %mul3A_121 = arith.constant 80 : i32
      %mul3A_122 = arith.muli %add3A_120, %mul3A_121 : i32
      %dma_start3A_123 = tpu.memref_slice %arg6[%mul3A_122] : memref<10000xi32, #tpu.memory_space<vmem>> -> memref<80xi32, #tpu.memory_space<vmem>>
      %dma_start3A_124 = arith.constant 0 : i32
      %dma_start3A_125 = arith.constant 0 : i32
      %dma_start3A_126 = tpu.memref_slice %arg13[%dma_start3A_124, %dma_start3A_125] : memref<10000x16xf32, #tpu.memory_space<vmem_shared>> -> memref<10000x16xf32, #tpu.memory_space<vmem_shared>>
      tpu.enqueue_indirect_dma source(%arg12 : memref<80x16xf32, #tpu.memory_space<vmem>>) target(%dma_start3A_126 : memref<10000x16xf32, #tpu.memory_space<vmem_shared>>) offsets(%dma_start3A_123 : memref<80xi32, #tpu.memory_space<vmem>>) semaphore(%arg15 : memref<!tpu.dma_semaphore, #tpu.memory_space<semaphore_mem>>) {add = true}
      %dma_wait3A_127 = arith.constant 0 : i32
      %dma_wait3A_128 = tpu.memref_slice %arg6[%dma_wait3A_127] : memref<10000xi32, #tpu.memory_space<vmem>> -> memref<80xi32, #tpu.memory_space<vmem>>
      %dma_wait3A_129 = arith.constant 0 : i32
      %dma_wait3A_130 = arith.constant 0 : i32
      %dma_wait3A_131 = tpu.memref_slice %arg13[%dma_wait3A_129, %dma_wait3A_130] : memref<10000x16xf32, #tpu.memory_space<vmem_shared>> -> memref<10000x16xf32, #tpu.memory_space<vmem_shared>>
      tpu.wait_indirect_dma semaphore(%arg15 : memref<!tpu.dma_semaphore, #tpu.memory_space<semaphore_mem>>) src(%arg8 : memref<80x16xf32, #tpu.memory_space<vmem>>) dst(%dma_wait3A_131 : memref<10000x16xf32, #tpu.memory_space<vmem_shared>>)
      %dma_wait3A_132 = arith.constant 0 : i32
      %dma_wait3A_133 = tpu.memref_slice %arg6[%dma_wait3A_132] : memref<10000xi32, #tpu.memory_space<vmem>> -> memref<80xi32, #tpu.memory_space<vmem>>
      %dma_wait3A_134 = arith.constant 0 : i32
      %dma_wait3A_135 = arith.constant 0 : i32
      %dma_wait3A_136 = tpu.memref_slice %arg13[%dma_wait3A_134, %dma_wait3A_135] : memref<10000x16xf32, #tpu.memory_space<vmem_shared>> -> memref<10000x16xf32, #tpu.memory_space<vmem_shared>>
      tpu.wait_indirect_dma semaphore(%arg15 : memref<!tpu.dma_semaphore, #tpu.memory_space<semaphore_mem>>) src(%arg8 : memref<80x16xf32, #tpu.memory_space<vmem>>) dst(%dma_wait3A_136 : memref<10000x16xf32, #tpu.memory_space<vmem_shared>>)
      %dma_wait3A_137 = arith.constant 0 : i32
      %dma_wait3A_138 = tpu.memref_slice %arg6[%dma_wait3A_137] : memref<10000xi32, #tpu.memory_space<vmem>> -> memref<80xi32, #tpu.memory_space<vmem>>
      %dma_wait3A_139 = arith.constant 0 : i32
      %dma_wait3A_140 = arith.constant 0 : i32
      %dma_wait3A_141 = tpu.memref_slice %arg13[%dma_wait3A_139, %dma_wait3A_140] : memref<10000x16xf32, #tpu.memory_space<vmem_shared>> -> memref<10000x16xf32, #tpu.memory_space<vmem_shared>>
      tpu.wait_indirect_dma semaphore(%arg15 : memref<!tpu.dma_semaphore, #tpu.memory_space<semaphore_mem>>) src(%arg8 : memref<80x16xf32, #tpu.memory_space<vmem>>) dst(%dma_wait3A_141 : memref<10000x16xf32, #tpu.memory_space<vmem_shared>>)
      %dma_wait3A_142 = arith.constant 0 : i32
      %dma_wait3A_143 = tpu.memref_slice %arg6[%dma_wait3A_142] : memref<10000xi32, #tpu.memory_space<vmem>> -> memref<80xi32, #tpu.memory_space<vmem>>
      %dma_wait3A_144 = arith.constant 0 : i32
      %dma_wait3A_145 = arith.constant 0 : i32
      %dma_wait3A_146 = tpu.memref_slice %arg13[%dma_wait3A_144, %dma_wait3A_145] : memref<10000x16xf32, #tpu.memory_space<vmem_shared>> -> memref<10000x16xf32, #tpu.memory_space<vmem_shared>>
      tpu.wait_indirect_dma semaphore(%arg15 : memref<!tpu.dma_semaphore, #tpu.memory_space<semaphore_mem>>) src(%arg8 : memref<80x16xf32, #tpu.memory_space<vmem>>) dst(%dma_wait3A_146 : memref<10000x16xf32, #tpu.memory_space<vmem_shared>>)
      %dma_wait3A_147 = arith.constant 0 : i32
      %dma_wait3A_148 = tpu.memref_slice %arg6[%dma_wait3A_147] : memref<10000xi32, #tpu.memory_space<vmem>> -> memref<80xi32, #tpu.memory_space<vmem>>
      %dma_wait3A_149 = arith.constant 0 : i32
      %dma_wait3A_150 = arith.constant 0 : i32
      %dma_wait3A_151 = tpu.memref_slice %arg13[%dma_wait3A_149, %dma_wait3A_150] : memref<10000x16xf32, #tpu.memory_space<vmem_shared>> -> memref<10000x16xf32, #tpu.memory_space<vmem_shared>>
      tpu.wait_indirect_dma semaphore(%arg15 : memref<!tpu.dma_semaphore, #tpu.memory_space<semaphore_mem>>) src(%arg8 : memref<80x16xf32, #tpu.memory_space<vmem>>) dst(%dma_wait3A_151 : memref<10000x16xf32, #tpu.memory_space<vmem_shared>>)
    }
    %scan3A_9 = arith.constant 25 : i32
    %barrier3A_10 = arith.constant 0 : index
    tpu.barrier barrier_id(%barrier3A_10)
    %mul3A_11 = arith.constant 624 : i32
    %mul3A_12 = arith.muli %arg1, %mul3A_11 : i32
    "tpu.region"() ({
      %run_scoped3A_18 = tpu.sem_alloc : memref<!tpu.dma_semaphore, #tpu.memory_space<semaphore_mem>>
      %dma_start3A = arith.constant 0 : i32
      %dma_start3A_19 = arith.constant 0 : i32
      %dma_start3A_20 = tpu.memref_slice %arg5[%arg0, %dma_start3A, %dma_start3A_19] : memref<2x10000x16xf32, #tpu.memory_space<hbm>> -> memref<1x10000x16xf32, #tpu.memory_space<hbm>>
      %dma_start3A_21 = tpu.memref_squeeze %dma_start3A_20 : memref<1x10000x16xf32, #tpu.memory_space<hbm>> -> memref<10000x16xf32, #tpu.memory_space<hbm>>
      %dma_start3A_22 = arith.constant 0 : i32
      %dma_start3A_23 = tpu.memref_slice %dma_start3A_21[%mul3A_12, %dma_start3A_22] : memref<10000x16xf32, #tpu.memory_space<hbm>> -> memref<624x16xf32, #tpu.memory_space<hbm>>
      %dma_start3A_24 = arith.constant 0 : i32
      %dma_start3A_25 = tpu.memref_slice %arg13[%mul3A_12, %dma_start3A_24] : memref<10000x16xf32, #tpu.memory_space<vmem_shared>> -> memref<624x16xf32, #tpu.memory_space<vmem_shared>>
      tpu.enqueue_dma source(%dma_start3A_25 : memref<624x16xf32, #tpu.memory_space<vmem_shared>>) target(%dma_start3A_23 : memref<624x16xf32, #tpu.memory_space<hbm>>) target_semaphore(%run_scoped3A_18 : memref<!tpu.dma_semaphore, #tpu.memory_space<semaphore_mem>>)
      %dma_wait3A = arith.constant 0 : i32
      %dma_wait3A_26 = arith.constant 0 : i32
      %dma_wait3A_27 = tpu.memref_slice %arg5[%arg0, %dma_wait3A, %dma_wait3A_26] : memref<2x10000x16xf32, #tpu.memory_space<hbm>> -> memref<1x10000x16xf32, #tpu.memory_space<hbm>>
      %dma_wait3A_28 = tpu.memref_squeeze %dma_wait3A_27 : memref<1x10000x16xf32, #tpu.memory_space<hbm>> -> memref<10000x16xf32, #tpu.memory_space<hbm>>
      %dma_wait3A_29 = arith.constant 0 : i32
      %dma_wait3A_30 = tpu.memref_slice %dma_wait3A_28[%mul3A_12, %dma_wait3A_29] : memref<10000x16xf32, #tpu.memory_space<hbm>> -> memref<624x16xf32, #tpu.memory_space<hbm>>
      %dma_wait3A_31 = arith.constant 0 : i32
      %dma_wait3A_32 = tpu.memref_slice %arg13[%mul3A_12, %dma_wait3A_31] : memref<10000x16xf32, #tpu.memory_space<vmem_shared>> -> memref<624x16xf32, #tpu.memory_space<vmem_shared>>
      tpu.wait_dma2 semaphore(%run_scoped3A_18 : memref<!tpu.dma_semaphore, #tpu.memory_space<semaphore_mem>>) src(%dma_wait3A_32 : memref<624x16xf32, #tpu.memory_space<vmem_shared>>) dst(%dma_wait3A_30 : memref<624x16xf32, #tpu.memory_space<hbm>>)
      tpu.yield
    }) : () -> ()
    %eq3A_13 = arith.constant 0 : i32
    %eq3A_14 = arith.cmpi eq, %arg1, %eq3A_13 : i32
    %convert_element_type3A_15 = arith.extui %eq3A_14 : i1 to i32
    %cond3A_16 = arith.constant 0 : i32
    %cond3A_17 = arith.cmpi ne, %convert_element_type3A_15, %cond3A_16 : i32
    scf.if %cond3A_17 {
      "tpu.region"() ({
        %run_scoped3A_18 = tpu.sem_alloc : memref<!tpu.dma_semaphore, #tpu.memory_space<semaphore_mem>>
        %dma_start3A = arith.constant 0 : i32
        %dma_start3A_19 = arith.constant 0 : i32
        %dma_start3A_20 = tpu.memref_slice %arg5[%arg0, %dma_start3A, %dma_start3A_19] : memref<2x10000x16xf32, #tpu.memory_space<hbm>> -> memref<1x10000x16xf32, #tpu.memory_space<hbm>>
        %dma_start3A_21 = tpu.memref_squeeze %dma_start3A_20 : memref<1x10000x16xf32, #tpu.memory_space<hbm>> -> memref<10000x16xf32, #tpu.memory_space<hbm>>
        %dma_start3A_22 = arith.constant 9984 : i32
        %dma_start3A_23 = arith.constant 0 : i32
        %dma_start3A_24 = tpu.memref_slice %dma_start3A_21[%dma_start3A_22, %dma_start3A_23] : memref<10000x16xf32, #tpu.memory_space<hbm>> -> memref<16x16xf32, #tpu.memory_space<hbm>>
        %dma_start3A_25 = arith.constant 9984 : i32
        %dma_start3A_26 = arith.constant 0 : i32
        %dma_start3A_27 = tpu.memref_slice %arg13[%dma_start3A_25, %dma_start3A_26] : memref<10000x16xf32, #tpu.memory_space<vmem_shared>> -> memref<16x16xf32, #tpu.memory_space<vmem_shared>>
        tpu.enqueue_dma source(%dma_start3A_27 : memref<16x16xf32, #tpu.memory_space<vmem_shared>>) target(%dma_start3A_24 : memref<16x16xf32, #tpu.memory_space<hbm>>) target_semaphore(%run_scoped3A_18 : memref<!tpu.dma_semaphore, #tpu.memory_space<semaphore_mem>>)
        %dma_wait3A = arith.constant 0 : i32
        %dma_wait3A_28 = arith.constant 0 : i32
        %dma_wait3A_29 = tpu.memref_slice %arg5[%arg0, %dma_wait3A, %dma_wait3A_28] : memref<2x10000x16xf32, #tpu.memory_space<hbm>> -> memref<1x10000x16xf32, #tpu.memory_space<hbm>>
        %dma_wait3A_30 = tpu.memref_squeeze %dma_wait3A_29 : memref<1x10000x16xf32, #tpu.memory_space<hbm>> -> memref<10000x16xf32, #tpu.memory_space<hbm>>
        %dma_wait3A_31 = arith.constant 9984 : i32
        %dma_wait3A_32 = arith.constant 0 : i32
        %dma_wait3A_33 = tpu.memref_slice %dma_wait3A_30[%dma_wait3A_31, %dma_wait3A_32] : memref<10000x16xf32, #tpu.memory_space<hbm>> -> memref<16x16xf32, #tpu.memory_space<hbm>>
        %dma_wait3A_34 = arith.constant 9984 : i32
        %dma_wait3A_35 = arith.constant 0 : i32
        %dma_wait3A_36 = tpu.memref_slice %arg13[%dma_wait3A_34, %dma_wait3A_35] : memref<10000x16xf32, #tpu.memory_space<vmem_shared>> -> memref<16x16xf32, #tpu.memory_space<vmem_shared>>
        tpu.wait_dma2 semaphore(%run_scoped3A_18 : memref<!tpu.dma_semaphore, #tpu.memory_space<semaphore_mem>>) src(%dma_wait3A_36 : memref<16x16xf32, #tpu.memory_space<vmem_shared>>) dst(%dma_wait3A_33 : memref<16x16xf32, #tpu.memory_space<hbm>>)
        tpu.yield
      }) : () -> ()
    } else {
    }
    return
  }
}

#map = affine_map<(d0, d1) -> (0, 0, 0)>
#map1 = affine_map<(d0, d1) -> (0, 0)>
module attributes {stable_mosaic.version = 14 : i64} {
  func.func @k(%arg0: i32, %arg1: i32, %arg2: memref<2x16x20000xi32, #tpu.memory_space<hbm>>, %arg3: memref<80x16xf32, #tpu.memory_space<hbm>>, %arg4: memref<640x16xf32, #tpu.memory_space<hbm>>, %arg5: memref<2x10000x16xf32, #tpu.memory_space<hbm>>, %arg6: memref<20000xi32, #tpu.memory_space<vmem>>, %arg7: memref<80x16xf32, #tpu.memory_space<vmem>>, %arg8: memref<10000x16xf32, #tpu.memory_space<vmem_shared>>, %arg9: memref<!tpu.dma_semaphore, #tpu.memory_space<semaphore_mem>>) attributes {dimension_semantics = [#tpu.dimension_semantics<core_parallel>, #tpu.dimension_semantics<subcore_parallel>], iteration_bounds = array<i64: 2, 16>, scalar_prefetch = 0 : i64, scratch_operands = 4 : i64, tpu.core_type = #tpu.core_type<sc_vector_subcore>, window_params = [{transform_indices = #map}, {transform_indices = #map1}, {transform_indices = #map1}, {transform_indices = #map}]} {
    %mul3A = arith.constant 624 : i32
    %mul3A_0 = arith.muli %arg1, %mul3A : i32
    "tpu.region"() ({
      %run_scoped3A = tpu.sem_alloc : memref<!tpu.dma_semaphore, #tpu.memory_space<semaphore_mem>>
      %dma_start3A = arith.constant 0 : i32
      %dma_start3A_15 = tpu.memref_slice %arg8[%mul3A_0, %dma_start3A] : memref<10000x16xf32, #tpu.memory_space<vmem_shared>> -> memref<624x16xf32, #tpu.memory_space<vmem_shared>>
      %dma_start3A_16 = arith.constant 0 : i32
      %dma_start3A_17 = arith.constant 0 : i32
      %dma_start3A_18 = tpu.memref_slice %arg4[%dma_start3A_16, %dma_start3A_17] : memref<640x16xf32, #tpu.memory_space<hbm>> -> memref<624x16xf32, #tpu.memory_space<hbm>>
      tpu.enqueue_dma source(%dma_start3A_18 : memref<624x16xf32, #tpu.memory_space<hbm>>) target(%dma_start3A_15 : memref<624x16xf32, #tpu.memory_space<vmem_shared>>) target_semaphore(%run_scoped3A : memref<!tpu.dma_semaphore, #tpu.memory_space<semaphore_mem>>)
      %dma_wait3A = arith.constant 0 : i32
      %dma_wait3A_19 = tpu.memref_slice %arg8[%mul3A_0, %dma_wait3A] : memref<10000x16xf32, #tpu.memory_space<vmem_shared>> -> memref<624x16xf32, #tpu.memory_space<vmem_shared>>
      %dma_wait3A_20 = arith.constant 0 : i32
      %dma_wait3A_21 = arith.constant 0 : i32
      %dma_wait3A_22 = tpu.memref_slice %arg4[%dma_wait3A_20, %dma_wait3A_21] : memref<640x16xf32, #tpu.memory_space<hbm>> -> memref<624x16xf32, #tpu.memory_space<hbm>>
      tpu.wait_dma2 semaphore(%run_scoped3A : memref<!tpu.dma_semaphore, #tpu.memory_space<semaphore_mem>>) src(%dma_wait3A_22 : memref<624x16xf32, #tpu.memory_space<hbm>>) dst(%dma_wait3A_19 : memref<624x16xf32, #tpu.memory_space<vmem_shared>>)
      tpu.yield
    }) : () -> ()
    %eq3A = arith.constant 0 : i32
    %eq3A_1 = arith.cmpi eq, %arg1, %eq3A : i32
    %convert_element_type3A = arith.extui %eq3A_1 : i1 to i32
    %cond3A = arith.constant 0 : i32
    %cond3A_2 = arith.cmpi ne, %convert_element_type3A, %cond3A : i32
    scf.if %cond3A_2 {
      "tpu.region"() ({
        %run_scoped3A = tpu.sem_alloc : memref<!tpu.dma_semaphore, #tpu.memory_space<semaphore_mem>>
        %dma_start3A = arith.constant 9984 : i32
        %dma_start3A_15 = arith.constant 0 : i32
        %dma_start3A_16 = tpu.memref_slice %arg8[%dma_start3A, %dma_start3A_15] : memref<10000x16xf32, #tpu.memory_space<vmem_shared>> -> memref<16x16xf32, #tpu.memory_space<vmem_shared>>
        %dma_start3A_17 = arith.constant 0 : i32
        %dma_start3A_18 = arith.constant 0 : i32
        %dma_start3A_19 = tpu.memref_slice %arg4[%dma_start3A_17, %dma_start3A_18] : memref<640x16xf32, #tpu.memory_space<hbm>> -> memref<16x16xf32, #tpu.memory_space<hbm>>
        tpu.enqueue_dma source(%dma_start3A_19 : memref<16x16xf32, #tpu.memory_space<hbm>>) target(%dma_start3A_16 : memref<16x16xf32, #tpu.memory_space<vmem_shared>>) target_semaphore(%run_scoped3A : memref<!tpu.dma_semaphore, #tpu.memory_space<semaphore_mem>>)
        %dma_wait3A = arith.constant 9984 : i32
        %dma_wait3A_20 = arith.constant 0 : i32
        %dma_wait3A_21 = tpu.memref_slice %arg8[%dma_wait3A, %dma_wait3A_20] : memref<10000x16xf32, #tpu.memory_space<vmem_shared>> -> memref<16x16xf32, #tpu.memory_space<vmem_shared>>
        %dma_wait3A_22 = arith.constant 0 : i32
        %dma_wait3A_23 = arith.constant 0 : i32
        %dma_wait3A_24 = tpu.memref_slice %arg4[%dma_wait3A_22, %dma_wait3A_23] : memref<640x16xf32, #tpu.memory_space<hbm>> -> memref<16x16xf32, #tpu.memory_space<hbm>>
        tpu.wait_dma2 semaphore(%run_scoped3A : memref<!tpu.dma_semaphore, #tpu.memory_space<semaphore_mem>>) src(%dma_wait3A_24 : memref<16x16xf32, #tpu.memory_space<hbm>>) dst(%dma_wait3A_21 : memref<16x16xf32, #tpu.memory_space<vmem_shared>>)
        tpu.yield
      }) : () -> ()
    } else {
    }
    "tpu.region"() ({
      %run_scoped3A = tpu.sem_alloc : memref<!tpu.dma_semaphore, #tpu.memory_space<semaphore_mem>>
      tpu.enqueue_dma source(%arg3 : memref<80x16xf32, #tpu.memory_space<hbm>>) target(%arg7 : memref<80x16xf32, #tpu.memory_space<vmem>>) target_semaphore(%run_scoped3A : memref<!tpu.dma_semaphore, #tpu.memory_space<semaphore_mem>>)
      tpu.wait_dma2 semaphore(%run_scoped3A : memref<!tpu.dma_semaphore, #tpu.memory_space<semaphore_mem>>) src(%arg3 : memref<80x16xf32, #tpu.memory_space<hbm>>) dst(%arg7 : memref<80x16xf32, #tpu.memory_space<vmem>>)
      tpu.yield
    }) : () -> ()
    "tpu.region"() ({
      %run_scoped3A = tpu.sem_alloc : memref<!tpu.dma_semaphore, #tpu.memory_space<semaphore_mem>>
      %dma_start3A = arith.constant 0 : i32
      %dma_start3A_15 = arith.constant 0 : i32
      %dma_start3A_16 = tpu.memref_slice %arg2[%arg0, %dma_start3A, %dma_start3A_15] : memref<2x16x20000xi32, #tpu.memory_space<hbm>> -> memref<1x16x20000xi32, #tpu.memory_space<hbm>>
      %dma_start3A_17 = tpu.memref_squeeze %dma_start3A_16 : memref<1x16x20000xi32, #tpu.memory_space<hbm>> -> memref<16x20000xi32, #tpu.memory_space<hbm>>
      %dma_start3A_18 = arith.constant 0 : i32
      %dma_start3A_19 = tpu.memref_slice %dma_start3A_17[%arg1, %dma_start3A_18] : memref<16x20000xi32, #tpu.memory_space<hbm>> -> memref<1x20000xi32, #tpu.memory_space<hbm>>
      %dma_start3A_20 = tpu.memref_squeeze %dma_start3A_19 : memref<1x20000xi32, #tpu.memory_space<hbm>> -> memref<20000xi32, #tpu.memory_space<hbm>>
      %dma_start3A_21 = arith.constant 0 : i32
      %dma_start3A_22 = arith.constant 0 : i32
      %dma_start3A_23 = tpu.memref_slice %arg2[%arg0, %dma_start3A_21, %dma_start3A_22] : memref<2x16x20000xi32, #tpu.memory_space<hbm>> -> memref<1x16x20000xi32, #tpu.memory_space<hbm>>
      %dma_start3A_24 = tpu.memref_squeeze %dma_start3A_23 : memref<1x16x20000xi32, #tpu.memory_space<hbm>> -> memref<16x20000xi32, #tpu.memory_space<hbm>>
      %dma_start3A_25 = arith.constant 0 : i32
      %dma_start3A_26 = tpu.memref_slice %dma_start3A_24[%arg1, %dma_start3A_25] : memref<16x20000xi32, #tpu.memory_space<hbm>> -> memref<1x20000xi32, #tpu.memory_space<hbm>>
      %dma_start3A_27 = tpu.memref_squeeze %dma_start3A_26 : memref<1x20000xi32, #tpu.memory_space<hbm>> -> memref<20000xi32, #tpu.memory_space<hbm>>
      tpu.enqueue_dma source(%dma_start3A_27 : memref<20000xi32, #tpu.memory_space<hbm>>) target(%arg6 : memref<20000xi32, #tpu.memory_space<vmem>>) target_semaphore(%run_scoped3A : memref<!tpu.dma_semaphore, #tpu.memory_space<semaphore_mem>>)
      %dma_wait3A = arith.constant 0 : i32
      %dma_wait3A_28 = arith.constant 0 : i32
      %dma_wait3A_29 = tpu.memref_slice %arg2[%arg0, %dma_wait3A, %dma_wait3A_28] : memref<2x16x20000xi32, #tpu.memory_space<hbm>> -> memref<1x16x20000xi32, #tpu.memory_space<hbm>>
      %dma_wait3A_30 = tpu.memref_squeeze %dma_wait3A_29 : memref<1x16x20000xi32, #tpu.memory_space<hbm>> -> memref<16x20000xi32, #tpu.memory_space<hbm>>
      %dma_wait3A_31 = arith.constant 0 : i32
      %dma_wait3A_32 = tpu.memref_slice %dma_wait3A_30[%arg1, %dma_wait3A_31] : memref<16x20000xi32, #tpu.memory_space<hbm>> -> memref<1x20000xi32, #tpu.memory_space<hbm>>
      %dma_wait3A_33 = tpu.memref_squeeze %dma_wait3A_32 : memref<1x20000xi32, #tpu.memory_space<hbm>> -> memref<20000xi32, #tpu.memory_space<hbm>>
      %dma_wait3A_34 = arith.constant 0 : i32
      %dma_wait3A_35 = arith.constant 0 : i32
      %dma_wait3A_36 = tpu.memref_slice %arg2[%arg0, %dma_wait3A_34, %dma_wait3A_35] : memref<2x16x20000xi32, #tpu.memory_space<hbm>> -> memref<1x16x20000xi32, #tpu.memory_space<hbm>>
      %dma_wait3A_37 = tpu.memref_squeeze %dma_wait3A_36 : memref<1x16x20000xi32, #tpu.memory_space<hbm>> -> memref<16x20000xi32, #tpu.memory_space<hbm>>
      %dma_wait3A_38 = arith.constant 0 : i32
      %dma_wait3A_39 = tpu.memref_slice %dma_wait3A_37[%arg1, %dma_wait3A_38] : memref<16x20000xi32, #tpu.memory_space<hbm>> -> memref<1x20000xi32, #tpu.memory_space<hbm>>
      %dma_wait3A_40 = tpu.memref_squeeze %dma_wait3A_39 : memref<1x20000xi32, #tpu.memory_space<hbm>> -> memref<20000xi32, #tpu.memory_space<hbm>>
      tpu.wait_dma2 semaphore(%run_scoped3A : memref<!tpu.dma_semaphore, #tpu.memory_space<semaphore_mem>>) src(%dma_wait3A_40 : memref<20000xi32, #tpu.memory_space<hbm>>) dst(%arg6 : memref<20000xi32, #tpu.memory_space<vmem>>)
      tpu.yield
    }) : () -> ()
    %barrier3A = arith.constant 0 : index
    tpu.barrier barrier_id(%barrier3A)
    %scan3A = arith.constant 0 : i32
    %scan3A_3 = arith.constant 50 : i32
    %scan3A_4 = arith.addi %scan3A, %scan3A_3 : i32
    %scan3A_5 = arith.constant 1 : i32
    scf.for %scan3A_15 = %scan3A to %scan3A_4 step %scan3A_5  : i32 {
      %mul3A_16 = arith.constant 5 : i32
      %mul3A_17 = arith.muli %scan3A_15, %mul3A_16 : i32
      %add3A = arith.constant 0 : i32
      %add3A_18 = arith.addi %add3A, %mul3A_17 : i32
      %add3A_19 = arith.constant 0 : i32
      %add3A_20 = arith.addi %add3A_18, %add3A_19 : i32
      %mul3A_21 = arith.constant 80 : i32
      %mul3A_22 = arith.muli %add3A_20, %mul3A_21 : i32
      %dma_start3A = tpu.memref_slice %arg6[%mul3A_22] : memref<20000xi32, #tpu.memory_space<vmem>> -> memref<80xi32, #tpu.memory_space<vmem>>
      %dma_start3A_23 = arith.constant 0 : i32
      %dma_start3A_24 = arith.constant 0 : i32
      %dma_start3A_25 = tpu.memref_slice %arg8[%dma_start3A_23, %dma_start3A_24] : memref<10000x16xf32, #tpu.memory_space<vmem_shared>> -> memref<10000x16xf32, #tpu.memory_space<vmem_shared>>
      tpu.enqueue_indirect_dma source(%arg7 : memref<80x16xf32, #tpu.memory_space<vmem>>) target(%dma_start3A_25 : memref<10000x16xf32, #tpu.memory_space<vmem_shared>>) offsets(%dma_start3A : memref<80xi32, #tpu.memory_space<vmem>>) semaphore(%arg9 : memref<!tpu.dma_semaphore, #tpu.memory_space<semaphore_mem>>) {add = true}
      %add3A_26 = arith.constant 1 : i32
      %add3A_27 = arith.addi %add3A_18, %add3A_26 : i32
      %mul3A_28 = arith.constant 80 : i32
      %mul3A_29 = arith.muli %add3A_27, %mul3A_28 : i32
      %dma_start3A_30 = tpu.memref_slice %arg6[%mul3A_29] : memref<20000xi32, #tpu.memory_space<vmem>> -> memref<80xi32, #tpu.memory_space<vmem>>
      %dma_start3A_31 = arith.constant 0 : i32
      %dma_start3A_32 = arith.constant 0 : i32
      %dma_start3A_33 = tpu.memref_slice %arg8[%dma_start3A_31, %dma_start3A_32] : memref<10000x16xf32, #tpu.memory_space<vmem_shared>> -> memref<10000x16xf32, #tpu.memory_space<vmem_shared>>
      tpu.enqueue_indirect_dma source(%arg7 : memref<80x16xf32, #tpu.memory_space<vmem>>) target(%dma_start3A_33 : memref<10000x16xf32, #tpu.memory_space<vmem_shared>>) offsets(%dma_start3A_30 : memref<80xi32, #tpu.memory_space<vmem>>) semaphore(%arg9 : memref<!tpu.dma_semaphore, #tpu.memory_space<semaphore_mem>>) {add = true}
      %add3A_34 = arith.constant 2 : i32
      %add3A_35 = arith.addi %add3A_18, %add3A_34 : i32
      %mul3A_36 = arith.constant 80 : i32
      %mul3A_37 = arith.muli %add3A_35, %mul3A_36 : i32
      %dma_start3A_38 = tpu.memref_slice %arg6[%mul3A_37] : memref<20000xi32, #tpu.memory_space<vmem>> -> memref<80xi32, #tpu.memory_space<vmem>>
      %dma_start3A_39 = arith.constant 0 : i32
      %dma_start3A_40 = arith.constant 0 : i32
      %dma_start3A_41 = tpu.memref_slice %arg8[%dma_start3A_39, %dma_start3A_40] : memref<10000x16xf32, #tpu.memory_space<vmem_shared>> -> memref<10000x16xf32, #tpu.memory_space<vmem_shared>>
      tpu.enqueue_indirect_dma source(%arg7 : memref<80x16xf32, #tpu.memory_space<vmem>>) target(%dma_start3A_41 : memref<10000x16xf32, #tpu.memory_space<vmem_shared>>) offsets(%dma_start3A_38 : memref<80xi32, #tpu.memory_space<vmem>>) semaphore(%arg9 : memref<!tpu.dma_semaphore, #tpu.memory_space<semaphore_mem>>) {add = true}
      %add3A_42 = arith.constant 3 : i32
      %add3A_43 = arith.addi %add3A_18, %add3A_42 : i32
      %mul3A_44 = arith.constant 80 : i32
      %mul3A_45 = arith.muli %add3A_43, %mul3A_44 : i32
      %dma_start3A_46 = tpu.memref_slice %arg6[%mul3A_45] : memref<20000xi32, #tpu.memory_space<vmem>> -> memref<80xi32, #tpu.memory_space<vmem>>
      %dma_start3A_47 = arith.constant 0 : i32
      %dma_start3A_48 = arith.constant 0 : i32
      %dma_start3A_49 = tpu.memref_slice %arg8[%dma_start3A_47, %dma_start3A_48] : memref<10000x16xf32, #tpu.memory_space<vmem_shared>> -> memref<10000x16xf32, #tpu.memory_space<vmem_shared>>
      tpu.enqueue_indirect_dma source(%arg7 : memref<80x16xf32, #tpu.memory_space<vmem>>) target(%dma_start3A_49 : memref<10000x16xf32, #tpu.memory_space<vmem_shared>>) offsets(%dma_start3A_46 : memref<80xi32, #tpu.memory_space<vmem>>) semaphore(%arg9 : memref<!tpu.dma_semaphore, #tpu.memory_space<semaphore_mem>>) {add = true}
      %add3A_50 = arith.constant 4 : i32
      %add3A_51 = arith.addi %add3A_18, %add3A_50 : i32
      %mul3A_52 = arith.constant 80 : i32
      %mul3A_53 = arith.muli %add3A_51, %mul3A_52 : i32
      %dma_start3A_54 = tpu.memref_slice %arg6[%mul3A_53] : memref<20000xi32, #tpu.memory_space<vmem>> -> memref<80xi32, #tpu.memory_space<vmem>>
      %dma_start3A_55 = arith.constant 0 : i32
      %dma_start3A_56 = arith.constant 0 : i32
      %dma_start3A_57 = tpu.memref_slice %arg8[%dma_start3A_55, %dma_start3A_56] : memref<10000x16xf32, #tpu.memory_space<vmem_shared>> -> memref<10000x16xf32, #tpu.memory_space<vmem_shared>>
      tpu.enqueue_indirect_dma source(%arg7 : memref<80x16xf32, #tpu.memory_space<vmem>>) target(%dma_start3A_57 : memref<10000x16xf32, #tpu.memory_space<vmem_shared>>) offsets(%dma_start3A_54 : memref<80xi32, #tpu.memory_space<vmem>>) semaphore(%arg9 : memref<!tpu.dma_semaphore, #tpu.memory_space<semaphore_mem>>) {add = true}
      %dma_wait3A = arith.constant 0 : i32
      %dma_wait3A_58 = tpu.memref_slice %arg6[%dma_wait3A] : memref<20000xi32, #tpu.memory_space<vmem>> -> memref<80xi32, #tpu.memory_space<vmem>>
      %dma_wait3A_59 = arith.constant 0 : i32
      %dma_wait3A_60 = arith.constant 0 : i32
      %dma_wait3A_61 = tpu.memref_slice %arg8[%dma_wait3A_59, %dma_wait3A_60] : memref<10000x16xf32, #tpu.memory_space<vmem_shared>> -> memref<10000x16xf32, #tpu.memory_space<vmem_shared>>
      tpu.wait_indirect_dma semaphore(%arg9 : memref<!tpu.dma_semaphore, #tpu.memory_space<semaphore_mem>>) src(%arg7 : memref<80x16xf32, #tpu.memory_space<vmem>>) dst(%dma_wait3A_61 : memref<10000x16xf32, #tpu.memory_space<vmem_shared>>)
      %dma_wait3A_62 = arith.constant 0 : i32
      %dma_wait3A_63 = tpu.memref_slice %arg6[%dma_wait3A_62] : memref<20000xi32, #tpu.memory_space<vmem>> -> memref<80xi32, #tpu.memory_space<vmem>>
      %dma_wait3A_64 = arith.constant 0 : i32
      %dma_wait3A_65 = arith.constant 0 : i32
      %dma_wait3A_66 = tpu.memref_slice %arg8[%dma_wait3A_64, %dma_wait3A_65] : memref<10000x16xf32, #tpu.memory_space<vmem_shared>> -> memref<10000x16xf32, #tpu.memory_space<vmem_shared>>
      tpu.wait_indirect_dma semaphore(%arg9 : memref<!tpu.dma_semaphore, #tpu.memory_space<semaphore_mem>>) src(%arg7 : memref<80x16xf32, #tpu.memory_space<vmem>>) dst(%dma_wait3A_66 : memref<10000x16xf32, #tpu.memory_space<vmem_shared>>)
      %dma_wait3A_67 = arith.constant 0 : i32
      %dma_wait3A_68 = tpu.memref_slice %arg6[%dma_wait3A_67] : memref<20000xi32, #tpu.memory_space<vmem>> -> memref<80xi32, #tpu.memory_space<vmem>>
      %dma_wait3A_69 = arith.constant 0 : i32
      %dma_wait3A_70 = arith.constant 0 : i32
      %dma_wait3A_71 = tpu.memref_slice %arg8[%dma_wait3A_69, %dma_wait3A_70] : memref<10000x16xf32, #tpu.memory_space<vmem_shared>> -> memref<10000x16xf32, #tpu.memory_space<vmem_shared>>
      tpu.wait_indirect_dma semaphore(%arg9 : memref<!tpu.dma_semaphore, #tpu.memory_space<semaphore_mem>>) src(%arg7 : memref<80x16xf32, #tpu.memory_space<vmem>>) dst(%dma_wait3A_71 : memref<10000x16xf32, #tpu.memory_space<vmem_shared>>)
      %dma_wait3A_72 = arith.constant 0 : i32
      %dma_wait3A_73 = tpu.memref_slice %arg6[%dma_wait3A_72] : memref<20000xi32, #tpu.memory_space<vmem>> -> memref<80xi32, #tpu.memory_space<vmem>>
      %dma_wait3A_74 = arith.constant 0 : i32
      %dma_wait3A_75 = arith.constant 0 : i32
      %dma_wait3A_76 = tpu.memref_slice %arg8[%dma_wait3A_74, %dma_wait3A_75] : memref<10000x16xf32, #tpu.memory_space<vmem_shared>> -> memref<10000x16xf32, #tpu.memory_space<vmem_shared>>
      tpu.wait_indirect_dma semaphore(%arg9 : memref<!tpu.dma_semaphore, #tpu.memory_space<semaphore_mem>>) src(%arg7 : memref<80x16xf32, #tpu.memory_space<vmem>>) dst(%dma_wait3A_76 : memref<10000x16xf32, #tpu.memory_space<vmem_shared>>)
      %dma_wait3A_77 = arith.constant 0 : i32
      %dma_wait3A_78 = tpu.memref_slice %arg6[%dma_wait3A_77] : memref<20000xi32, #tpu.memory_space<vmem>> -> memref<80xi32, #tpu.memory_space<vmem>>
      %dma_wait3A_79 = arith.constant 0 : i32
      %dma_wait3A_80 = arith.constant 0 : i32
      %dma_wait3A_81 = tpu.memref_slice %arg8[%dma_wait3A_79, %dma_wait3A_80] : memref<10000x16xf32, #tpu.memory_space<vmem_shared>> -> memref<10000x16xf32, #tpu.memory_space<vmem_shared>>
      tpu.wait_indirect_dma semaphore(%arg9 : memref<!tpu.dma_semaphore, #tpu.memory_space<semaphore_mem>>) src(%arg7 : memref<80x16xf32, #tpu.memory_space<vmem>>) dst(%dma_wait3A_81 : memref<10000x16xf32, #tpu.memory_space<vmem_shared>>)
    }
    %scan3A_6 = arith.constant 50 : i32
    %barrier3A_7 = arith.constant 0 : index
    tpu.barrier barrier_id(%barrier3A_7)
    %mul3A_8 = arith.constant 624 : i32
    %mul3A_9 = arith.muli %arg1, %mul3A_8 : i32
    "tpu.region"() ({
      %run_scoped3A = tpu.sem_alloc : memref<!tpu.dma_semaphore, #tpu.memory_space<semaphore_mem>>
      %dma_start3A = arith.constant 0 : i32
      %dma_start3A_15 = arith.constant 0 : i32
      %dma_start3A_16 = tpu.memref_slice %arg5[%arg0, %dma_start3A, %dma_start3A_15] : memref<2x10000x16xf32, #tpu.memory_space<hbm>> -> memref<1x10000x16xf32, #tpu.memory_space<hbm>>
      %dma_start3A_17 = tpu.memref_squeeze %dma_start3A_16 : memref<1x10000x16xf32, #tpu.memory_space<hbm>> -> memref<10000x16xf32, #tpu.memory_space<hbm>>
      %dma_start3A_18 = arith.constant 0 : i32
      %dma_start3A_19 = tpu.memref_slice %dma_start3A_17[%mul3A_9, %dma_start3A_18] : memref<10000x16xf32, #tpu.memory_space<hbm>> -> memref<624x16xf32, #tpu.memory_space<hbm>>
      %dma_start3A_20 = arith.constant 0 : i32
      %dma_start3A_21 = tpu.memref_slice %arg8[%mul3A_9, %dma_start3A_20] : memref<10000x16xf32, #tpu.memory_space<vmem_shared>> -> memref<624x16xf32, #tpu.memory_space<vmem_shared>>
      tpu.enqueue_dma source(%dma_start3A_21 : memref<624x16xf32, #tpu.memory_space<vmem_shared>>) target(%dma_start3A_19 : memref<624x16xf32, #tpu.memory_space<hbm>>) target_semaphore(%run_scoped3A : memref<!tpu.dma_semaphore, #tpu.memory_space<semaphore_mem>>)
      %dma_wait3A = arith.constant 0 : i32
      %dma_wait3A_22 = arith.constant 0 : i32
      %dma_wait3A_23 = tpu.memref_slice %arg5[%arg0, %dma_wait3A, %dma_wait3A_22] : memref<2x10000x16xf32, #tpu.memory_space<hbm>> -> memref<1x10000x16xf32, #tpu.memory_space<hbm>>
      %dma_wait3A_24 = tpu.memref_squeeze %dma_wait3A_23 : memref<1x10000x16xf32, #tpu.memory_space<hbm>> -> memref<10000x16xf32, #tpu.memory_space<hbm>>
      %dma_wait3A_25 = arith.constant 0 : i32
      %dma_wait3A_26 = tpu.memref_slice %dma_wait3A_24[%mul3A_9, %dma_wait3A_25] : memref<10000x16xf32, #tpu.memory_space<hbm>> -> memref<624x16xf32, #tpu.memory_space<hbm>>
      %dma_wait3A_27 = arith.constant 0 : i32
      %dma_wait3A_28 = tpu.memref_slice %arg8[%mul3A_9, %dma_wait3A_27] : memref<10000x16xf32, #tpu.memory_space<vmem_shared>> -> memref<624x16xf32, #tpu.memory_space<vmem_shared>>
      tpu.wait_dma2 semaphore(%run_scoped3A : memref<!tpu.dma_semaphore, #tpu.memory_space<semaphore_mem>>) src(%dma_wait3A_28 : memref<624x16xf32, #tpu.memory_space<vmem_shared>>) dst(%dma_wait3A_26 : memref<624x16xf32, #tpu.memory_space<hbm>>)
      tpu.yield
    }) : () -> ()
    %eq3A_10 = arith.constant 0 : i32
    %eq3A_11 = arith.cmpi eq, %arg1, %eq3A_10 : i32
    %convert_element_type3A_12 = arith.extui %eq3A_11 : i1 to i32
    %cond3A_13 = arith.constant 0 : i32
    %cond3A_14 = arith.cmpi ne, %convert_element_type3A_12, %cond3A_13 : i32
    scf.if %cond3A_14 {
      "tpu.region"() ({
        %run_scoped3A = tpu.sem_alloc : memref<!tpu.dma_semaphore, #tpu.memory_space<semaphore_mem>>
        %dma_start3A = arith.constant 0 : i32
        %dma_start3A_15 = arith.constant 0 : i32
        %dma_start3A_16 = tpu.memref_slice %arg5[%arg0, %dma_start3A, %dma_start3A_15] : memref<2x10000x16xf32, #tpu.memory_space<hbm>> -> memref<1x10000x16xf32, #tpu.memory_space<hbm>>
        %dma_start3A_17 = tpu.memref_squeeze %dma_start3A_16 : memref<1x10000x16xf32, #tpu.memory_space<hbm>> -> memref<10000x16xf32, #tpu.memory_space<hbm>>
        %dma_start3A_18 = arith.constant 9984 : i32
        %dma_start3A_19 = arith.constant 0 : i32
        %dma_start3A_20 = tpu.memref_slice %dma_start3A_17[%dma_start3A_18, %dma_start3A_19] : memref<10000x16xf32, #tpu.memory_space<hbm>> -> memref<16x16xf32, #tpu.memory_space<hbm>>
        %dma_start3A_21 = arith.constant 9984 : i32
        %dma_start3A_22 = arith.constant 0 : i32
        %dma_start3A_23 = tpu.memref_slice %arg8[%dma_start3A_21, %dma_start3A_22] : memref<10000x16xf32, #tpu.memory_space<vmem_shared>> -> memref<16x16xf32, #tpu.memory_space<vmem_shared>>
        tpu.enqueue_dma source(%dma_start3A_23 : memref<16x16xf32, #tpu.memory_space<vmem_shared>>) target(%dma_start3A_20 : memref<16x16xf32, #tpu.memory_space<hbm>>) target_semaphore(%run_scoped3A : memref<!tpu.dma_semaphore, #tpu.memory_space<semaphore_mem>>)
        %dma_wait3A = arith.constant 0 : i32
        %dma_wait3A_24 = arith.constant 0 : i32
        %dma_wait3A_25 = tpu.memref_slice %arg5[%arg0, %dma_wait3A, %dma_wait3A_24] : memref<2x10000x16xf32, #tpu.memory_space<hbm>> -> memref<1x10000x16xf32, #tpu.memory_space<hbm>>
        %dma_wait3A_26 = tpu.memref_squeeze %dma_wait3A_25 : memref<1x10000x16xf32, #tpu.memory_space<hbm>> -> memref<10000x16xf32, #tpu.memory_space<hbm>>
        %dma_wait3A_27 = arith.constant 9984 : i32
        %dma_wait3A_28 = arith.constant 0 : i32
        %dma_wait3A_29 = tpu.memref_slice %dma_wait3A_26[%dma_wait3A_27, %dma_wait3A_28] : memref<10000x16xf32, #tpu.memory_space<hbm>> -> memref<16x16xf32, #tpu.memory_space<hbm>>
        %dma_wait3A_30 = arith.constant 9984 : i32
        %dma_wait3A_31 = arith.constant 0 : i32
        %dma_wait3A_32 = tpu.memref_slice %arg8[%dma_wait3A_30, %dma_wait3A_31] : memref<10000x16xf32, #tpu.memory_space<vmem_shared>> -> memref<16x16xf32, #tpu.memory_space<vmem_shared>>
        tpu.wait_dma2 semaphore(%run_scoped3A : memref<!tpu.dma_semaphore, #tpu.memory_space<semaphore_mem>>) src(%dma_wait3A_32 : memref<16x16xf32, #tpu.memory_space<vmem_shared>>) dst(%dma_wait3A_29 : memref<16x16xf32, #tpu.memory_space<hbm>>)
        tpu.yield
      }) : () -> ()
    } else {
    }
    return
  }
}

#map = affine_map<(d0, d1) -> (0, 0)>
#map1 = affine_map<(d0, d1) -> (0, 0, 0)>
module attributes {stable_mosaic.version = 14 : i64} {
  func.func @k(%arg0: i32, %arg1: i32, %arg2: memref<10000x64xf32, #tpu.memory_space<hbm>>, %arg3: memref<2x16x20000xi32, #tpu.memory_space<hbm>>, %arg4: memref<640x64xf32, #tpu.memory_space<hbm>>, %arg5: memref<2x10000x64xf32, #tpu.memory_space<hbm>>, %arg6: memref<10000xi32, #tpu.memory_space<vmem>>, %arg7: memref<10000xi32, #tpu.memory_space<vmem>>, %arg8: memref<80x64xf32, #tpu.memory_space<vmem>>, %arg9: memref<80x64xf32, #tpu.memory_space<vmem>>, %arg10: memref<80x64xf32, #tpu.memory_space<vmem>>, %arg11: memref<80x64xf32, #tpu.memory_space<vmem>>, %arg12: memref<80x64xf32, #tpu.memory_space<vmem>>, %arg13: memref<10000x64xf32, #tpu.memory_space<vmem_shared>>, %arg14: memref<!tpu.dma_semaphore, #tpu.memory_space<semaphore_mem>>, %arg15: memref<!tpu.dma_semaphore, #tpu.memory_space<semaphore_mem>>) attributes {dimension_semantics = [#tpu.dimension_semantics<core_parallel>, #tpu.dimension_semantics<subcore_parallel>], iteration_bounds = array<i64: 2, 16>, scalar_prefetch = 0 : i64, scratch_operands = 10 : i64, tpu.core_type = #tpu.core_type<sc_vector_subcore>, window_params = [{transform_indices = #map}, {transform_indices = #map1}, {transform_indices = #map}, {transform_indices = #map1}]} {
    %mul3A = arith.constant 624 : i32
    %mul3A_0 = arith.muli %arg1, %mul3A : i32
    "tpu.region"() ({
      %run_scoped3A_18 = tpu.sem_alloc : memref<!tpu.dma_semaphore, #tpu.memory_space<semaphore_mem>>
      %dma_start3A = arith.constant 0 : i32
      %dma_start3A_19 = tpu.memref_slice %arg13[%mul3A_0, %dma_start3A] : memref<10000x64xf32, #tpu.memory_space<vmem_shared>> -> memref<624x64xf32, #tpu.memory_space<vmem_shared>>
      %dma_start3A_20 = arith.constant 0 : i32
      %dma_start3A_21 = arith.constant 0 : i32
      %dma_start3A_22 = tpu.memref_slice %arg4[%dma_start3A_20, %dma_start3A_21] : memref<640x64xf32, #tpu.memory_space<hbm>> -> memref<624x64xf32, #tpu.memory_space<hbm>>
      tpu.enqueue_dma source(%dma_start3A_22 : memref<624x64xf32, #tpu.memory_space<hbm>>) target(%dma_start3A_19 : memref<624x64xf32, #tpu.memory_space<vmem_shared>>) target_semaphore(%run_scoped3A_18 : memref<!tpu.dma_semaphore, #tpu.memory_space<semaphore_mem>>)
      %dma_wait3A = arith.constant 0 : i32
      %dma_wait3A_23 = tpu.memref_slice %arg13[%mul3A_0, %dma_wait3A] : memref<10000x64xf32, #tpu.memory_space<vmem_shared>> -> memref<624x64xf32, #tpu.memory_space<vmem_shared>>
      %dma_wait3A_24 = arith.constant 0 : i32
      %dma_wait3A_25 = arith.constant 0 : i32
      %dma_wait3A_26 = tpu.memref_slice %arg4[%dma_wait3A_24, %dma_wait3A_25] : memref<640x64xf32, #tpu.memory_space<hbm>> -> memref<624x64xf32, #tpu.memory_space<hbm>>
      tpu.wait_dma2 semaphore(%run_scoped3A_18 : memref<!tpu.dma_semaphore, #tpu.memory_space<semaphore_mem>>) src(%dma_wait3A_26 : memref<624x64xf32, #tpu.memory_space<hbm>>) dst(%dma_wait3A_23 : memref<624x64xf32, #tpu.memory_space<vmem_shared>>)
      tpu.yield
    }) : () -> ()
    %eq3A = arith.constant 0 : i32
    %eq3A_1 = arith.cmpi eq, %arg1, %eq3A : i32
    %convert_element_type3A = arith.extui %eq3A_1 : i1 to i32
    %cond3A = arith.constant 0 : i32
    %cond3A_2 = arith.cmpi ne, %convert_element_type3A, %cond3A : i32
    scf.if %cond3A_2 {
      "tpu.region"() ({
        %run_scoped3A_18 = tpu.sem_alloc : memref<!tpu.dma_semaphore, #tpu.memory_space<semaphore_mem>>
        %dma_start3A = arith.constant 9984 : i32
        %dma_start3A_19 = arith.constant 0 : i32
        %dma_start3A_20 = tpu.memref_slice %arg13[%dma_start3A, %dma_start3A_19] : memref<10000x64xf32, #tpu.memory_space<vmem_shared>> -> memref<16x64xf32, #tpu.memory_space<vmem_shared>>
        %dma_start3A_21 = arith.constant 0 : i32
        %dma_start3A_22 = arith.constant 0 : i32
        %dma_start3A_23 = tpu.memref_slice %arg4[%dma_start3A_21, %dma_start3A_22] : memref<640x64xf32, #tpu.memory_space<hbm>> -> memref<16x64xf32, #tpu.memory_space<hbm>>
        tpu.enqueue_dma source(%dma_start3A_23 : memref<16x64xf32, #tpu.memory_space<hbm>>) target(%dma_start3A_20 : memref<16x64xf32, #tpu.memory_space<vmem_shared>>) target_semaphore(%run_scoped3A_18 : memref<!tpu.dma_semaphore, #tpu.memory_space<semaphore_mem>>)
        %dma_wait3A = arith.constant 9984 : i32
        %dma_wait3A_24 = arith.constant 0 : i32
        %dma_wait3A_25 = tpu.memref_slice %arg13[%dma_wait3A, %dma_wait3A_24] : memref<10000x64xf32, #tpu.memory_space<vmem_shared>> -> memref<16x64xf32, #tpu.memory_space<vmem_shared>>
        %dma_wait3A_26 = arith.constant 0 : i32
        %dma_wait3A_27 = arith.constant 0 : i32
        %dma_wait3A_28 = tpu.memref_slice %arg4[%dma_wait3A_26, %dma_wait3A_27] : memref<640x64xf32, #tpu.memory_space<hbm>> -> memref<16x64xf32, #tpu.memory_space<hbm>>
        tpu.wait_dma2 semaphore(%run_scoped3A_18 : memref<!tpu.dma_semaphore, #tpu.memory_space<semaphore_mem>>) src(%dma_wait3A_28 : memref<16x64xf32, #tpu.memory_space<hbm>>) dst(%dma_wait3A_25 : memref<16x64xf32, #tpu.memory_space<vmem_shared>>)
        tpu.yield
      }) : () -> ()
    } else {
    }
    %mul3A_3 = arith.constant 10000 : i32
    %mul3A_4 = arith.muli %arg0, %mul3A_3 : i32
    %run_scoped3A = arith.constant 0 : i32
    "tpu.region"() ({
      %run_scoped3A_18 = tpu.sem_alloc : memref<!tpu.dma_semaphore, #tpu.memory_space<semaphore_mem>>
      %dma_start3A = arith.constant 0 : i32
      %dma_start3A_19 = arith.constant 0 : i32
      %dma_start3A_20 = tpu.memref_slice %arg3[%run_scoped3A, %dma_start3A, %dma_start3A_19] : memref<2x16x20000xi32, #tpu.memory_space<hbm>> -> memref<1x16x20000xi32, #tpu.memory_space<hbm>>
      %dma_start3A_21 = tpu.memref_squeeze %dma_start3A_20 : memref<1x16x20000xi32, #tpu.memory_space<hbm>> -> memref<16x20000xi32, #tpu.memory_space<hbm>>
      %dma_start3A_22 = arith.constant 0 : i32
      %dma_start3A_23 = tpu.memref_slice %dma_start3A_21[%arg1, %dma_start3A_22] : memref<16x20000xi32, #tpu.memory_space<hbm>> -> memref<1x20000xi32, #tpu.memory_space<hbm>>
      %dma_start3A_24 = tpu.memref_squeeze %dma_start3A_23 : memref<1x20000xi32, #tpu.memory_space<hbm>> -> memref<20000xi32, #tpu.memory_space<hbm>>
      %dma_start3A_25 = tpu.memref_slice %dma_start3A_24[%mul3A_4] : memref<20000xi32, #tpu.memory_space<hbm>> -> memref<10000xi32, #tpu.memory_space<hbm>>
      %dma_start3A_26 = arith.constant 0 : i32
      %dma_start3A_27 = arith.constant 0 : i32
      %dma_start3A_28 = tpu.memref_slice %arg3[%run_scoped3A, %dma_start3A_26, %dma_start3A_27] : memref<2x16x20000xi32, #tpu.memory_space<hbm>> -> memref<1x16x20000xi32, #tpu.memory_space<hbm>>
      %dma_start3A_29 = tpu.memref_squeeze %dma_start3A_28 : memref<1x16x20000xi32, #tpu.memory_space<hbm>> -> memref<16x20000xi32, #tpu.memory_space<hbm>>
      %dma_start3A_30 = arith.constant 0 : i32
      %dma_start3A_31 = tpu.memref_slice %dma_start3A_29[%arg1, %dma_start3A_30] : memref<16x20000xi32, #tpu.memory_space<hbm>> -> memref<1x20000xi32, #tpu.memory_space<hbm>>
      %dma_start3A_32 = tpu.memref_squeeze %dma_start3A_31 : memref<1x20000xi32, #tpu.memory_space<hbm>> -> memref<20000xi32, #tpu.memory_space<hbm>>
      %dma_start3A_33 = tpu.memref_slice %dma_start3A_32[%mul3A_4] : memref<20000xi32, #tpu.memory_space<hbm>> -> memref<10000xi32, #tpu.memory_space<hbm>>
      tpu.enqueue_dma source(%dma_start3A_33 : memref<10000xi32, #tpu.memory_space<hbm>>) target(%arg6 : memref<10000xi32, #tpu.memory_space<vmem>>) target_semaphore(%run_scoped3A_18 : memref<!tpu.dma_semaphore, #tpu.memory_space<semaphore_mem>>)
      %dma_wait3A = arith.constant 0 : i32
      %dma_wait3A_34 = arith.constant 0 : i32
      %dma_wait3A_35 = tpu.memref_slice %arg3[%run_scoped3A, %dma_wait3A, %dma_wait3A_34] : memref<2x16x20000xi32, #tpu.memory_space<hbm>> -> memref<1x16x20000xi32, #tpu.memory_space<hbm>>
      %dma_wait3A_36 = tpu.memref_squeeze %dma_wait3A_35 : memref<1x16x20000xi32, #tpu.memory_space<hbm>> -> memref<16x20000xi32, #tpu.memory_space<hbm>>
      %dma_wait3A_37 = arith.constant 0 : i32
      %dma_wait3A_38 = tpu.memref_slice %dma_wait3A_36[%arg1, %dma_wait3A_37] : memref<16x20000xi32, #tpu.memory_space<hbm>> -> memref<1x20000xi32, #tpu.memory_space<hbm>>
      %dma_wait3A_39 = tpu.memref_squeeze %dma_wait3A_38 : memref<1x20000xi32, #tpu.memory_space<hbm>> -> memref<20000xi32, #tpu.memory_space<hbm>>
      %dma_wait3A_40 = tpu.memref_slice %dma_wait3A_39[%mul3A_4] : memref<20000xi32, #tpu.memory_space<hbm>> -> memref<10000xi32, #tpu.memory_space<hbm>>
      %dma_wait3A_41 = arith.constant 0 : i32
      %dma_wait3A_42 = arith.constant 0 : i32
      %dma_wait3A_43 = tpu.memref_slice %arg3[%run_scoped3A, %dma_wait3A_41, %dma_wait3A_42] : memref<2x16x20000xi32, #tpu.memory_space<hbm>> -> memref<1x16x20000xi32, #tpu.memory_space<hbm>>
      %dma_wait3A_44 = tpu.memref_squeeze %dma_wait3A_43 : memref<1x16x20000xi32, #tpu.memory_space<hbm>> -> memref<16x20000xi32, #tpu.memory_space<hbm>>
      %dma_wait3A_45 = arith.constant 0 : i32
      %dma_wait3A_46 = tpu.memref_slice %dma_wait3A_44[%arg1, %dma_wait3A_45] : memref<16x20000xi32, #tpu.memory_space<hbm>> -> memref<1x20000xi32, #tpu.memory_space<hbm>>
      %dma_wait3A_47 = tpu.memref_squeeze %dma_wait3A_46 : memref<1x20000xi32, #tpu.memory_space<hbm>> -> memref<20000xi32, #tpu.memory_space<hbm>>
      %dma_wait3A_48 = tpu.memref_slice %dma_wait3A_47[%mul3A_4] : memref<20000xi32, #tpu.memory_space<hbm>> -> memref<10000xi32, #tpu.memory_space<hbm>>
      tpu.wait_dma2 semaphore(%run_scoped3A_18 : memref<!tpu.dma_semaphore, #tpu.memory_space<semaphore_mem>>) src(%dma_wait3A_48 : memref<10000xi32, #tpu.memory_space<hbm>>) dst(%arg6 : memref<10000xi32, #tpu.memory_space<vmem>>)
      tpu.yield
    }) : () -> ()
    %run_scoped3A_5 = arith.constant 1 : i32
    "tpu.region"() ({
      %run_scoped3A_18 = tpu.sem_alloc : memref<!tpu.dma_semaphore, #tpu.memory_space<semaphore_mem>>
      %dma_start3A = arith.constant 0 : i32
      %dma_start3A_19 = arith.constant 0 : i32
      %dma_start3A_20 = tpu.memref_slice %arg3[%run_scoped3A_5, %dma_start3A, %dma_start3A_19] : memref<2x16x20000xi32, #tpu.memory_space<hbm>> -> memref<1x16x20000xi32, #tpu.memory_space<hbm>>
      %dma_start3A_21 = tpu.memref_squeeze %dma_start3A_20 : memref<1x16x20000xi32, #tpu.memory_space<hbm>> -> memref<16x20000xi32, #tpu.memory_space<hbm>>
      %dma_start3A_22 = arith.constant 0 : i32
      %dma_start3A_23 = tpu.memref_slice %dma_start3A_21[%arg1, %dma_start3A_22] : memref<16x20000xi32, #tpu.memory_space<hbm>> -> memref<1x20000xi32, #tpu.memory_space<hbm>>
      %dma_start3A_24 = tpu.memref_squeeze %dma_start3A_23 : memref<1x20000xi32, #tpu.memory_space<hbm>> -> memref<20000xi32, #tpu.memory_space<hbm>>
      %dma_start3A_25 = tpu.memref_slice %dma_start3A_24[%mul3A_4] : memref<20000xi32, #tpu.memory_space<hbm>> -> memref<10000xi32, #tpu.memory_space<hbm>>
      %dma_start3A_26 = arith.constant 0 : i32
      %dma_start3A_27 = arith.constant 0 : i32
      %dma_start3A_28 = tpu.memref_slice %arg3[%run_scoped3A_5, %dma_start3A_26, %dma_start3A_27] : memref<2x16x20000xi32, #tpu.memory_space<hbm>> -> memref<1x16x20000xi32, #tpu.memory_space<hbm>>
      %dma_start3A_29 = tpu.memref_squeeze %dma_start3A_28 : memref<1x16x20000xi32, #tpu.memory_space<hbm>> -> memref<16x20000xi32, #tpu.memory_space<hbm>>
      %dma_start3A_30 = arith.constant 0 : i32
      %dma_start3A_31 = tpu.memref_slice %dma_start3A_29[%arg1, %dma_start3A_30] : memref<16x20000xi32, #tpu.memory_space<hbm>> -> memref<1x20000xi32, #tpu.memory_space<hbm>>
      %dma_start3A_32 = tpu.memref_squeeze %dma_start3A_31 : memref<1x20000xi32, #tpu.memory_space<hbm>> -> memref<20000xi32, #tpu.memory_space<hbm>>
      %dma_start3A_33 = tpu.memref_slice %dma_start3A_32[%mul3A_4] : memref<20000xi32, #tpu.memory_space<hbm>> -> memref<10000xi32, #tpu.memory_space<hbm>>
      tpu.enqueue_dma source(%dma_start3A_33 : memref<10000xi32, #tpu.memory_space<hbm>>) target(%arg7 : memref<10000xi32, #tpu.memory_space<vmem>>) target_semaphore(%run_scoped3A_18 : memref<!tpu.dma_semaphore, #tpu.memory_space<semaphore_mem>>)
      %dma_wait3A = arith.constant 0 : i32
      %dma_wait3A_34 = arith.constant 0 : i32
      %dma_wait3A_35 = tpu.memref_slice %arg3[%run_scoped3A_5, %dma_wait3A, %dma_wait3A_34] : memref<2x16x20000xi32, #tpu.memory_space<hbm>> -> memref<1x16x20000xi32, #tpu.memory_space<hbm>>
      %dma_wait3A_36 = tpu.memref_squeeze %dma_wait3A_35 : memref<1x16x20000xi32, #tpu.memory_space<hbm>> -> memref<16x20000xi32, #tpu.memory_space<hbm>>
      %dma_wait3A_37 = arith.constant 0 : i32
      %dma_wait3A_38 = tpu.memref_slice %dma_wait3A_36[%arg1, %dma_wait3A_37] : memref<16x20000xi32, #tpu.memory_space<hbm>> -> memref<1x20000xi32, #tpu.memory_space<hbm>>
      %dma_wait3A_39 = tpu.memref_squeeze %dma_wait3A_38 : memref<1x20000xi32, #tpu.memory_space<hbm>> -> memref<20000xi32, #tpu.memory_space<hbm>>
      %dma_wait3A_40 = tpu.memref_slice %dma_wait3A_39[%mul3A_4] : memref<20000xi32, #tpu.memory_space<hbm>> -> memref<10000xi32, #tpu.memory_space<hbm>>
      %dma_wait3A_41 = arith.constant 0 : i32
      %dma_wait3A_42 = arith.constant 0 : i32
      %dma_wait3A_43 = tpu.memref_slice %arg3[%run_scoped3A_5, %dma_wait3A_41, %dma_wait3A_42] : memref<2x16x20000xi32, #tpu.memory_space<hbm>> -> memref<1x16x20000xi32, #tpu.memory_space<hbm>>
      %dma_wait3A_44 = tpu.memref_squeeze %dma_wait3A_43 : memref<1x16x20000xi32, #tpu.memory_space<hbm>> -> memref<16x20000xi32, #tpu.memory_space<hbm>>
      %dma_wait3A_45 = arith.constant 0 : i32
      %dma_wait3A_46 = tpu.memref_slice %dma_wait3A_44[%arg1, %dma_wait3A_45] : memref<16x20000xi32, #tpu.memory_space<hbm>> -> memref<1x20000xi32, #tpu.memory_space<hbm>>
      %dma_wait3A_47 = tpu.memref_squeeze %dma_wait3A_46 : memref<1x20000xi32, #tpu.memory_space<hbm>> -> memref<20000xi32, #tpu.memory_space<hbm>>
      %dma_wait3A_48 = tpu.memref_slice %dma_wait3A_47[%mul3A_4] : memref<20000xi32, #tpu.memory_space<hbm>> -> memref<10000xi32, #tpu.memory_space<hbm>>
      tpu.wait_dma2 semaphore(%run_scoped3A_18 : memref<!tpu.dma_semaphore, #tpu.memory_space<semaphore_mem>>) src(%dma_wait3A_48 : memref<10000xi32, #tpu.memory_space<hbm>>) dst(%arg7 : memref<10000xi32, #tpu.memory_space<vmem>>)
      tpu.yield
    }) : () -> ()
    %barrier3A = arith.constant 0 : index
    tpu.barrier barrier_id(%barrier3A)
    %scan3A = arith.constant 0 : i32
    %scan3A_6 = arith.constant 25 : i32
    %scan3A_7 = arith.addi %scan3A, %scan3A_6 : i32
    %scan3A_8 = arith.constant 1 : i32
    scf.for %scan3A_18 = %scan3A to %scan3A_7 step %scan3A_8  : i32 {
      %mul3A_19 = arith.constant 1 : i32
      %mul3A_20 = arith.muli %scan3A_18, %mul3A_19 : i32
      %add3A = arith.constant 0 : i32
      %add3A_21 = arith.addi %add3A, %mul3A_20 : i32
      %mul3A_22 = arith.constant 5 : i32
      %mul3A_23 = arith.muli %add3A_21, %mul3A_22 : i32
      %add3A_24 = arith.constant 0 : i32
      %add3A_25 = arith.addi %mul3A_23, %add3A_24 : i32
      %mul3A_26 = arith.constant 80 : i32
      %mul3A_27 = arith.muli %add3A_25, %mul3A_26 : i32
      %dma_start3A = tpu.memref_slice %arg6[%mul3A_27] : memref<10000xi32, #tpu.memory_space<vmem>> -> memref<80xi32, #tpu.memory_space<vmem>>
      %dma_start3A_28 = arith.constant 0 : i32
      %dma_start3A_29 = arith.constant 0 : i32
      %dma_start3A_30 = tpu.memref_slice %arg2[%dma_start3A_28, %dma_start3A_29] : memref<10000x64xf32, #tpu.memory_space<hbm>> -> memref<10000x64xf32, #tpu.memory_space<hbm>>
      tpu.enqueue_indirect_dma source(%dma_start3A_30 : memref<10000x64xf32, #tpu.memory_space<hbm>>) target(%arg8 : memref<80x64xf32, #tpu.memory_space<vmem>>) offsets(%dma_start3A : memref<80xi32, #tpu.memory_space<vmem>>) semaphore(%arg14 : memref<!tpu.dma_semaphore, #tpu.memory_space<semaphore_mem>>)
      %add3A_31 = arith.constant 1 : i32
      %add3A_32 = arith.addi %mul3A_23, %add3A_31 : i32
      %mul3A_33 = arith.constant 80 : i32
      %mul3A_34 = arith.muli %add3A_32, %mul3A_33 : i32
      %dma_start3A_35 = tpu.memref_slice %arg6[%mul3A_34] : memref<10000xi32, #tpu.memory_space<vmem>> -> memref<80xi32, #tpu.memory_space<vmem>>
      %dma_start3A_36 = arith.constant 0 : i32
      %dma_start3A_37 = arith.constant 0 : i32
      %dma_start3A_38 = tpu.memref_slice %arg2[%dma_start3A_36, %dma_start3A_37] : memref<10000x64xf32, #tpu.memory_space<hbm>> -> memref<10000x64xf32, #tpu.memory_space<hbm>>
      tpu.enqueue_indirect_dma source(%dma_start3A_38 : memref<10000x64xf32, #tpu.memory_space<hbm>>) target(%arg9 : memref<80x64xf32, #tpu.memory_space<vmem>>) offsets(%dma_start3A_35 : memref<80xi32, #tpu.memory_space<vmem>>) semaphore(%arg14 : memref<!tpu.dma_semaphore, #tpu.memory_space<semaphore_mem>>)
      %add3A_39 = arith.constant 2 : i32
      %add3A_40 = arith.addi %mul3A_23, %add3A_39 : i32
      %mul3A_41 = arith.constant 80 : i32
      %mul3A_42 = arith.muli %add3A_40, %mul3A_41 : i32
      %dma_start3A_43 = tpu.memref_slice %arg6[%mul3A_42] : memref<10000xi32, #tpu.memory_space<vmem>> -> memref<80xi32, #tpu.memory_space<vmem>>
      %dma_start3A_44 = arith.constant 0 : i32
      %dma_start3A_45 = arith.constant 0 : i32
      %dma_start3A_46 = tpu.memref_slice %arg2[%dma_start3A_44, %dma_start3A_45] : memref<10000x64xf32, #tpu.memory_space<hbm>> -> memref<10000x64xf32, #tpu.memory_space<hbm>>
      tpu.enqueue_indirect_dma source(%dma_start3A_46 : memref<10000x64xf32, #tpu.memory_space<hbm>>) target(%arg10 : memref<80x64xf32, #tpu.memory_space<vmem>>) offsets(%dma_start3A_43 : memref<80xi32, #tpu.memory_space<vmem>>) semaphore(%arg14 : memref<!tpu.dma_semaphore, #tpu.memory_space<semaphore_mem>>)
      %add3A_47 = arith.constant 3 : i32
      %add3A_48 = arith.addi %mul3A_23, %add3A_47 : i32
      %mul3A_49 = arith.constant 80 : i32
      %mul3A_50 = arith.muli %add3A_48, %mul3A_49 : i32
      %dma_start3A_51 = tpu.memref_slice %arg6[%mul3A_50] : memref<10000xi32, #tpu.memory_space<vmem>> -> memref<80xi32, #tpu.memory_space<vmem>>
      %dma_start3A_52 = arith.constant 0 : i32
      %dma_start3A_53 = arith.constant 0 : i32
      %dma_start3A_54 = tpu.memref_slice %arg2[%dma_start3A_52, %dma_start3A_53] : memref<10000x64xf32, #tpu.memory_space<hbm>> -> memref<10000x64xf32, #tpu.memory_space<hbm>>
      tpu.enqueue_indirect_dma source(%dma_start3A_54 : memref<10000x64xf32, #tpu.memory_space<hbm>>) target(%arg11 : memref<80x64xf32, #tpu.memory_space<vmem>>) offsets(%dma_start3A_51 : memref<80xi32, #tpu.memory_space<vmem>>) semaphore(%arg14 : memref<!tpu.dma_semaphore, #tpu.memory_space<semaphore_mem>>)
      %add3A_55 = arith.constant 4 : i32
      %add3A_56 = arith.addi %mul3A_23, %add3A_55 : i32
      %mul3A_57 = arith.constant 80 : i32
      %mul3A_58 = arith.muli %add3A_56, %mul3A_57 : i32
      %dma_start3A_59 = tpu.memref_slice %arg6[%mul3A_58] : memref<10000xi32, #tpu.memory_space<vmem>> -> memref<80xi32, #tpu.memory_space<vmem>>
      %dma_start3A_60 = arith.constant 0 : i32
      %dma_start3A_61 = arith.constant 0 : i32
      %dma_start3A_62 = tpu.memref_slice %arg2[%dma_start3A_60, %dma_start3A_61] : memref<10000x64xf32, #tpu.memory_space<hbm>> -> memref<10000x64xf32, #tpu.memory_space<hbm>>
      tpu.enqueue_indirect_dma source(%dma_start3A_62 : memref<10000x64xf32, #tpu.memory_space<hbm>>) target(%arg12 : memref<80x64xf32, #tpu.memory_space<vmem>>) offsets(%dma_start3A_59 : memref<80xi32, #tpu.memory_space<vmem>>) semaphore(%arg14 : memref<!tpu.dma_semaphore, #tpu.memory_space<semaphore_mem>>)
      %dma_wait3A = arith.constant 0 : i32
      %dma_wait3A_63 = tpu.memref_slice %arg6[%dma_wait3A] : memref<10000xi32, #tpu.memory_space<vmem>> -> memref<80xi32, #tpu.memory_space<vmem>>
      %dma_wait3A_64 = arith.constant 0 : i32
      %dma_wait3A_65 = arith.constant 0 : i32
      %dma_wait3A_66 = tpu.memref_slice %arg2[%dma_wait3A_64, %dma_wait3A_65] : memref<10000x64xf32, #tpu.memory_space<hbm>> -> memref<10000x64xf32, #tpu.memory_space<hbm>>
      tpu.wait_indirect_dma semaphore(%arg14 : memref<!tpu.dma_semaphore, #tpu.memory_space<semaphore_mem>>) src(%dma_wait3A_66 : memref<10000x64xf32, #tpu.memory_space<hbm>>) dst(%arg8 : memref<80x64xf32, #tpu.memory_space<vmem>>)
      %dma_wait3A_67 = arith.constant 0 : i32
      %dma_wait3A_68 = tpu.memref_slice %arg6[%dma_wait3A_67] : memref<10000xi32, #tpu.memory_space<vmem>> -> memref<80xi32, #tpu.memory_space<vmem>>
      %dma_wait3A_69 = arith.constant 0 : i32
      %dma_wait3A_70 = arith.constant 0 : i32
      %dma_wait3A_71 = tpu.memref_slice %arg2[%dma_wait3A_69, %dma_wait3A_70] : memref<10000x64xf32, #tpu.memory_space<hbm>> -> memref<10000x64xf32, #tpu.memory_space<hbm>>
      tpu.wait_indirect_dma semaphore(%arg14 : memref<!tpu.dma_semaphore, #tpu.memory_space<semaphore_mem>>) src(%dma_wait3A_71 : memref<10000x64xf32, #tpu.memory_space<hbm>>) dst(%arg8 : memref<80x64xf32, #tpu.memory_space<vmem>>)
      %dma_wait3A_72 = arith.constant 0 : i32
      %dma_wait3A_73 = tpu.memref_slice %arg6[%dma_wait3A_72] : memref<10000xi32, #tpu.memory_space<vmem>> -> memref<80xi32, #tpu.memory_space<vmem>>
      %dma_wait3A_74 = arith.constant 0 : i32
      %dma_wait3A_75 = arith.constant 0 : i32
      %dma_wait3A_76 = tpu.memref_slice %arg2[%dma_wait3A_74, %dma_wait3A_75] : memref<10000x64xf32, #tpu.memory_space<hbm>> -> memref<10000x64xf32, #tpu.memory_space<hbm>>
      tpu.wait_indirect_dma semaphore(%arg14 : memref<!tpu.dma_semaphore, #tpu.memory_space<semaphore_mem>>) src(%dma_wait3A_76 : memref<10000x64xf32, #tpu.memory_space<hbm>>) dst(%arg8 : memref<80x64xf32, #tpu.memory_space<vmem>>)
      %dma_wait3A_77 = arith.constant 0 : i32
      %dma_wait3A_78 = tpu.memref_slice %arg6[%dma_wait3A_77] : memref<10000xi32, #tpu.memory_space<vmem>> -> memref<80xi32, #tpu.memory_space<vmem>>
      %dma_wait3A_79 = arith.constant 0 : i32
      %dma_wait3A_80 = arith.constant 0 : i32
      %dma_wait3A_81 = tpu.memref_slice %arg2[%dma_wait3A_79, %dma_wait3A_80] : memref<10000x64xf32, #tpu.memory_space<hbm>> -> memref<10000x64xf32, #tpu.memory_space<hbm>>
      tpu.wait_indirect_dma semaphore(%arg14 : memref<!tpu.dma_semaphore, #tpu.memory_space<semaphore_mem>>) src(%dma_wait3A_81 : memref<10000x64xf32, #tpu.memory_space<hbm>>) dst(%arg8 : memref<80x64xf32, #tpu.memory_space<vmem>>)
      %dma_wait3A_82 = arith.constant 0 : i32
      %dma_wait3A_83 = tpu.memref_slice %arg6[%dma_wait3A_82] : memref<10000xi32, #tpu.memory_space<vmem>> -> memref<80xi32, #tpu.memory_space<vmem>>
      %dma_wait3A_84 = arith.constant 0 : i32
      %dma_wait3A_85 = arith.constant 0 : i32
      %dma_wait3A_86 = tpu.memref_slice %arg2[%dma_wait3A_84, %dma_wait3A_85] : memref<10000x64xf32, #tpu.memory_space<hbm>> -> memref<10000x64xf32, #tpu.memory_space<hbm>>
      tpu.wait_indirect_dma semaphore(%arg14 : memref<!tpu.dma_semaphore, #tpu.memory_space<semaphore_mem>>) src(%dma_wait3A_86 : memref<10000x64xf32, #tpu.memory_space<hbm>>) dst(%arg8 : memref<80x64xf32, #tpu.memory_space<vmem>>)
      %add3A_87 = arith.constant 0 : i32
      %add3A_88 = arith.addi %mul3A_23, %add3A_87 : i32
      %mul3A_89 = arith.constant 80 : i32
      %mul3A_90 = arith.muli %add3A_88, %mul3A_89 : i32
      %dma_start3A_91 = tpu.memref_slice %arg7[%mul3A_90] : memref<10000xi32, #tpu.memory_space<vmem>> -> memref<80xi32, #tpu.memory_space<vmem>>
      %dma_start3A_92 = arith.constant 0 : i32
      %dma_start3A_93 = arith.constant 0 : i32
      %dma_start3A_94 = tpu.memref_slice %arg13[%dma_start3A_92, %dma_start3A_93] : memref<10000x64xf32, #tpu.memory_space<vmem_shared>> -> memref<10000x64xf32, #tpu.memory_space<vmem_shared>>
      tpu.enqueue_indirect_dma source(%arg8 : memref<80x64xf32, #tpu.memory_space<vmem>>) target(%dma_start3A_94 : memref<10000x64xf32, #tpu.memory_space<vmem_shared>>) offsets(%dma_start3A_91 : memref<80xi32, #tpu.memory_space<vmem>>) semaphore(%arg15 : memref<!tpu.dma_semaphore, #tpu.memory_space<semaphore_mem>>) {add = true}
      %add3A_95 = arith.constant 1 : i32
      %add3A_96 = arith.addi %mul3A_23, %add3A_95 : i32
      %mul3A_97 = arith.constant 80 : i32
      %mul3A_98 = arith.muli %add3A_96, %mul3A_97 : i32
      %dma_start3A_99 = tpu.memref_slice %arg7[%mul3A_98] : memref<10000xi32, #tpu.memory_space<vmem>> -> memref<80xi32, #tpu.memory_space<vmem>>
      %dma_start3A_100 = arith.constant 0 : i32
      %dma_start3A_101 = arith.constant 0 : i32
      %dma_start3A_102 = tpu.memref_slice %arg13[%dma_start3A_100, %dma_start3A_101] : memref<10000x64xf32, #tpu.memory_space<vmem_shared>> -> memref<10000x64xf32, #tpu.memory_space<vmem_shared>>
      tpu.enqueue_indirect_dma source(%arg9 : memref<80x64xf32, #tpu.memory_space<vmem>>) target(%dma_start3A_102 : memref<10000x64xf32, #tpu.memory_space<vmem_shared>>) offsets(%dma_start3A_99 : memref<80xi32, #tpu.memory_space<vmem>>) semaphore(%arg15 : memref<!tpu.dma_semaphore, #tpu.memory_space<semaphore_mem>>) {add = true}
      %add3A_103 = arith.constant 2 : i32
      %add3A_104 = arith.addi %mul3A_23, %add3A_103 : i32
      %mul3A_105 = arith.constant 80 : i32
      %mul3A_106 = arith.muli %add3A_104, %mul3A_105 : i32
      %dma_start3A_107 = tpu.memref_slice %arg7[%mul3A_106] : memref<10000xi32, #tpu.memory_space<vmem>> -> memref<80xi32, #tpu.memory_space<vmem>>
      %dma_start3A_108 = arith.constant 0 : i32
      %dma_start3A_109 = arith.constant 0 : i32
      %dma_start3A_110 = tpu.memref_slice %arg13[%dma_start3A_108, %dma_start3A_109] : memref<10000x64xf32, #tpu.memory_space<vmem_shared>> -> memref<10000x64xf32, #tpu.memory_space<vmem_shared>>
      tpu.enqueue_indirect_dma source(%arg10 : memref<80x64xf32, #tpu.memory_space<vmem>>) target(%dma_start3A_110 : memref<10000x64xf32, #tpu.memory_space<vmem_shared>>) offsets(%dma_start3A_107 : memref<80xi32, #tpu.memory_space<vmem>>) semaphore(%arg15 : memref<!tpu.dma_semaphore, #tpu.memory_space<semaphore_mem>>) {add = true}
      %add3A_111 = arith.constant 3 : i32
      %add3A_112 = arith.addi %mul3A_23, %add3A_111 : i32
      %mul3A_113 = arith.constant 80 : i32
      %mul3A_114 = arith.muli %add3A_112, %mul3A_113 : i32
      %dma_start3A_115 = tpu.memref_slice %arg7[%mul3A_114] : memref<10000xi32, #tpu.memory_space<vmem>> -> memref<80xi32, #tpu.memory_space<vmem>>
      %dma_start3A_116 = arith.constant 0 : i32
      %dma_start3A_117 = arith.constant 0 : i32
      %dma_start3A_118 = tpu.memref_slice %arg13[%dma_start3A_116, %dma_start3A_117] : memref<10000x64xf32, #tpu.memory_space<vmem_shared>> -> memref<10000x64xf32, #tpu.memory_space<vmem_shared>>
      tpu.enqueue_indirect_dma source(%arg11 : memref<80x64xf32, #tpu.memory_space<vmem>>) target(%dma_start3A_118 : memref<10000x64xf32, #tpu.memory_space<vmem_shared>>) offsets(%dma_start3A_115 : memref<80xi32, #tpu.memory_space<vmem>>) semaphore(%arg15 : memref<!tpu.dma_semaphore, #tpu.memory_space<semaphore_mem>>) {add = true}
      %add3A_119 = arith.constant 4 : i32
      %add3A_120 = arith.addi %mul3A_23, %add3A_119 : i32
      %mul3A_121 = arith.constant 80 : i32
      %mul3A_122 = arith.muli %add3A_120, %mul3A_121 : i32
      %dma_start3A_123 = tpu.memref_slice %arg7[%mul3A_122] : memref<10000xi32, #tpu.memory_space<vmem>> -> memref<80xi32, #tpu.memory_space<vmem>>
      %dma_start3A_124 = arith.constant 0 : i32
      %dma_start3A_125 = arith.constant 0 : i32
      %dma_start3A_126 = tpu.memref_slice %arg13[%dma_start3A_124, %dma_start3A_125] : memref<10000x64xf32, #tpu.memory_space<vmem_shared>> -> memref<10000x64xf32, #tpu.memory_space<vmem_shared>>
      tpu.enqueue_indirect_dma source(%arg12 : memref<80x64xf32, #tpu.memory_space<vmem>>) target(%dma_start3A_126 : memref<10000x64xf32, #tpu.memory_space<vmem_shared>>) offsets(%dma_start3A_123 : memref<80xi32, #tpu.memory_space<vmem>>) semaphore(%arg15 : memref<!tpu.dma_semaphore, #tpu.memory_space<semaphore_mem>>) {add = true}
      %dma_wait3A_127 = arith.constant 0 : i32
      %dma_wait3A_128 = tpu.memref_slice %arg7[%dma_wait3A_127] : memref<10000xi32, #tpu.memory_space<vmem>> -> memref<80xi32, #tpu.memory_space<vmem>>
      %dma_wait3A_129 = arith.constant 0 : i32
      %dma_wait3A_130 = arith.constant 0 : i32
      %dma_wait3A_131 = tpu.memref_slice %arg13[%dma_wait3A_129, %dma_wait3A_130] : memref<10000x64xf32, #tpu.memory_space<vmem_shared>> -> memref<10000x64xf32, #tpu.memory_space<vmem_shared>>
      tpu.wait_indirect_dma semaphore(%arg15 : memref<!tpu.dma_semaphore, #tpu.memory_space<semaphore_mem>>) src(%arg8 : memref<80x64xf32, #tpu.memory_space<vmem>>) dst(%dma_wait3A_131 : memref<10000x64xf32, #tpu.memory_space<vmem_shared>>)
      %dma_wait3A_132 = arith.constant 0 : i32
      %dma_wait3A_133 = tpu.memref_slice %arg7[%dma_wait3A_132] : memref<10000xi32, #tpu.memory_space<vmem>> -> memref<80xi32, #tpu.memory_space<vmem>>
      %dma_wait3A_134 = arith.constant 0 : i32
      %dma_wait3A_135 = arith.constant 0 : i32
      %dma_wait3A_136 = tpu.memref_slice %arg13[%dma_wait3A_134, %dma_wait3A_135] : memref<10000x64xf32, #tpu.memory_space<vmem_shared>> -> memref<10000x64xf32, #tpu.memory_space<vmem_shared>>
      tpu.wait_indirect_dma semaphore(%arg15 : memref<!tpu.dma_semaphore, #tpu.memory_space<semaphore_mem>>) src(%arg8 : memref<80x64xf32, #tpu.memory_space<vmem>>) dst(%dma_wait3A_136 : memref<10000x64xf32, #tpu.memory_space<vmem_shared>>)
      %dma_wait3A_137 = arith.constant 0 : i32
      %dma_wait3A_138 = tpu.memref_slice %arg7[%dma_wait3A_137] : memref<10000xi32, #tpu.memory_space<vmem>> -> memref<80xi32, #tpu.memory_space<vmem>>
      %dma_wait3A_139 = arith.constant 0 : i32
      %dma_wait3A_140 = arith.constant 0 : i32
      %dma_wait3A_141 = tpu.memref_slice %arg13[%dma_wait3A_139, %dma_wait3A_140] : memref<10000x64xf32, #tpu.memory_space<vmem_shared>> -> memref<10000x64xf32, #tpu.memory_space<vmem_shared>>
      tpu.wait_indirect_dma semaphore(%arg15 : memref<!tpu.dma_semaphore, #tpu.memory_space<semaphore_mem>>) src(%arg8 : memref<80x64xf32, #tpu.memory_space<vmem>>) dst(%dma_wait3A_141 : memref<10000x64xf32, #tpu.memory_space<vmem_shared>>)
      %dma_wait3A_142 = arith.constant 0 : i32
      %dma_wait3A_143 = tpu.memref_slice %arg7[%dma_wait3A_142] : memref<10000xi32, #tpu.memory_space<vmem>> -> memref<80xi32, #tpu.memory_space<vmem>>
      %dma_wait3A_144 = arith.constant 0 : i32
      %dma_wait3A_145 = arith.constant 0 : i32
      %dma_wait3A_146 = tpu.memref_slice %arg13[%dma_wait3A_144, %dma_wait3A_145] : memref<10000x64xf32, #tpu.memory_space<vmem_shared>> -> memref<10000x64xf32, #tpu.memory_space<vmem_shared>>
      tpu.wait_indirect_dma semaphore(%arg15 : memref<!tpu.dma_semaphore, #tpu.memory_space<semaphore_mem>>) src(%arg8 : memref<80x64xf32, #tpu.memory_space<vmem>>) dst(%dma_wait3A_146 : memref<10000x64xf32, #tpu.memory_space<vmem_shared>>)
      %dma_wait3A_147 = arith.constant 0 : i32
      %dma_wait3A_148 = tpu.memref_slice %arg7[%dma_wait3A_147] : memref<10000xi32, #tpu.memory_space<vmem>> -> memref<80xi32, #tpu.memory_space<vmem>>
      %dma_wait3A_149 = arith.constant 0 : i32
      %dma_wait3A_150 = arith.constant 0 : i32
      %dma_wait3A_151 = tpu.memref_slice %arg13[%dma_wait3A_149, %dma_wait3A_150] : memref<10000x64xf32, #tpu.memory_space<vmem_shared>> -> memref<10000x64xf32, #tpu.memory_space<vmem_shared>>
      tpu.wait_indirect_dma semaphore(%arg15 : memref<!tpu.dma_semaphore, #tpu.memory_space<semaphore_mem>>) src(%arg8 : memref<80x64xf32, #tpu.memory_space<vmem>>) dst(%dma_wait3A_151 : memref<10000x64xf32, #tpu.memory_space<vmem_shared>>)
    }
    %scan3A_9 = arith.constant 25 : i32
    %barrier3A_10 = arith.constant 0 : index
    tpu.barrier barrier_id(%barrier3A_10)
    %mul3A_11 = arith.constant 624 : i32
    %mul3A_12 = arith.muli %arg1, %mul3A_11 : i32
    "tpu.region"() ({
      %run_scoped3A_18 = tpu.sem_alloc : memref<!tpu.dma_semaphore, #tpu.memory_space<semaphore_mem>>
      %dma_start3A = arith.constant 0 : i32
      %dma_start3A_19 = arith.constant 0 : i32
      %dma_start3A_20 = tpu.memref_slice %arg5[%arg0, %dma_start3A, %dma_start3A_19] : memref<2x10000x64xf32, #tpu.memory_space<hbm>> -> memref<1x10000x64xf32, #tpu.memory_space<hbm>>
      %dma_start3A_21 = tpu.memref_squeeze %dma_start3A_20 : memref<1x10000x64xf32, #tpu.memory_space<hbm>> -> memref<10000x64xf32, #tpu.memory_space<hbm>>
      %dma_start3A_22 = arith.constant 0 : i32
      %dma_start3A_23 = tpu.memref_slice %dma_start3A_21[%mul3A_12, %dma_start3A_22] : memref<10000x64xf32, #tpu.memory_space<hbm>> -> memref<624x64xf32, #tpu.memory_space<hbm>>
      %dma_start3A_24 = arith.constant 0 : i32
      %dma_start3A_25 = tpu.memref_slice %arg13[%mul3A_12, %dma_start3A_24] : memref<10000x64xf32, #tpu.memory_space<vmem_shared>> -> memref<624x64xf32, #tpu.memory_space<vmem_shared>>
      tpu.enqueue_dma source(%dma_start3A_25 : memref<624x64xf32, #tpu.memory_space<vmem_shared>>) target(%dma_start3A_23 : memref<624x64xf32, #tpu.memory_space<hbm>>) target_semaphore(%run_scoped3A_18 : memref<!tpu.dma_semaphore, #tpu.memory_space<semaphore_mem>>)
      %dma_wait3A = arith.constant 0 : i32
      %dma_wait3A_26 = arith.constant 0 : i32
      %dma_wait3A_27 = tpu.memref_slice %arg5[%arg0, %dma_wait3A, %dma_wait3A_26] : memref<2x10000x64xf32, #tpu.memory_space<hbm>> -> memref<1x10000x64xf32, #tpu.memory_space<hbm>>
      %dma_wait3A_28 = tpu.memref_squeeze %dma_wait3A_27 : memref<1x10000x64xf32, #tpu.memory_space<hbm>> -> memref<10000x64xf32, #tpu.memory_space<hbm>>
      %dma_wait3A_29 = arith.constant 0 : i32
      %dma_wait3A_30 = tpu.memref_slice %dma_wait3A_28[%mul3A_12, %dma_wait3A_29] : memref<10000x64xf32, #tpu.memory_space<hbm>> -> memref<624x64xf32, #tpu.memory_space<hbm>>
      %dma_wait3A_31 = arith.constant 0 : i32
      %dma_wait3A_32 = tpu.memref_slice %arg13[%mul3A_12, %dma_wait3A_31] : memref<10000x64xf32, #tpu.memory_space<vmem_shared>> -> memref<624x64xf32, #tpu.memory_space<vmem_shared>>
      tpu.wait_dma2 semaphore(%run_scoped3A_18 : memref<!tpu.dma_semaphore, #tpu.memory_space<semaphore_mem>>) src(%dma_wait3A_32 : memref<624x64xf32, #tpu.memory_space<vmem_shared>>) dst(%dma_wait3A_30 : memref<624x64xf32, #tpu.memory_space<hbm>>)
      tpu.yield
    }) : () -> ()
    %eq3A_13 = arith.constant 0 : i32
    %eq3A_14 = arith.cmpi eq, %arg1, %eq3A_13 : i32
    %convert_element_type3A_15 = arith.extui %eq3A_14 : i1 to i32
    %cond3A_16 = arith.constant 0 : i32
    %cond3A_17 = arith.cmpi ne, %convert_element_type3A_15, %cond3A_16 : i32
    scf.if %cond3A_17 {
      "tpu.region"() ({
        %run_scoped3A_18 = tpu.sem_alloc : memref<!tpu.dma_semaphore, #tpu.memory_space<semaphore_mem>>
        %dma_start3A = arith.constant 0 : i32
        %dma_start3A_19 = arith.constant 0 : i32
        %dma_start3A_20 = tpu.memref_slice %arg5[%arg0, %dma_start3A, %dma_start3A_19] : memref<2x10000x64xf32, #tpu.memory_space<hbm>> -> memref<1x10000x64xf32, #tpu.memory_space<hbm>>
        %dma_start3A_21 = tpu.memref_squeeze %dma_start3A_20 : memref<1x10000x64xf32, #tpu.memory_space<hbm>> -> memref<10000x64xf32, #tpu.memory_space<hbm>>
        %dma_start3A_22 = arith.constant 9984 : i32
        %dma_start3A_23 = arith.constant 0 : i32
        %dma_start3A_24 = tpu.memref_slice %dma_start3A_21[%dma_start3A_22, %dma_start3A_23] : memref<10000x64xf32, #tpu.memory_space<hbm>> -> memref<16x64xf32, #tpu.memory_space<hbm>>
        %dma_start3A_25 = arith.constant 9984 : i32
        %dma_start3A_26 = arith.constant 0 : i32
        %dma_start3A_27 = tpu.memref_slice %arg13[%dma_start3A_25, %dma_start3A_26] : memref<10000x64xf32, #tpu.memory_space<vmem_shared>> -> memref<16x64xf32, #tpu.memory_space<vmem_shared>>
        tpu.enqueue_dma source(%dma_start3A_27 : memref<16x64xf32, #tpu.memory_space<vmem_shared>>) target(%dma_start3A_24 : memref<16x64xf32, #tpu.memory_space<hbm>>) target_semaphore(%run_scoped3A_18 : memref<!tpu.dma_semaphore, #tpu.memory_space<semaphore_mem>>)
        %dma_wait3A = arith.constant 0 : i32
        %dma_wait3A_28 = arith.constant 0 : i32
        %dma_wait3A_29 = tpu.memref_slice %arg5[%arg0, %dma_wait3A, %dma_wait3A_28] : memref<2x10000x64xf32, #tpu.memory_space<hbm>> -> memref<1x10000x64xf32, #tpu.memory_space<hbm>>
        %dma_wait3A_30 = tpu.memref_squeeze %dma_wait3A_29 : memref<1x10000x64xf32, #tpu.memory_space<hbm>> -> memref<10000x64xf32, #tpu.memory_space<hbm>>
        %dma_wait3A_31 = arith.constant 9984 : i32
        %dma_wait3A_32 = arith.constant 0 : i32
        %dma_wait3A_33 = tpu.memref_slice %dma_wait3A_30[%dma_wait3A_31, %dma_wait3A_32] : memref<10000x64xf32, #tpu.memory_space<hbm>> -> memref<16x64xf32, #tpu.memory_space<hbm>>
        %dma_wait3A_34 = arith.constant 9984 : i32
        %dma_wait3A_35 = arith.constant 0 : i32
        %dma_wait3A_36 = tpu.memref_slice %arg13[%dma_wait3A_34, %dma_wait3A_35] : memref<10000x64xf32, #tpu.memory_space<vmem_shared>> -> memref<16x64xf32, #tpu.memory_space<vmem_shared>>
        tpu.wait_dma2 semaphore(%run_scoped3A_18 : memref<!tpu.dma_semaphore, #tpu.memory_space<semaphore_mem>>) src(%dma_wait3A_36 : memref<16x64xf32, #tpu.memory_space<vmem_shared>>) dst(%dma_wait3A_33 : memref<16x64xf32, #tpu.memory_space<hbm>>)
        tpu.yield
      }) : () -> ()
    } else {
    }
    return
  }
}

module attributes {stable_mosaic.version = 14 : i64} {
  func.func @body(%arg0: i32, %arg1: memref<1000x128xf32, #tpu.memory_space<vmem>>, %arg2: memref<128x128xf32, #tpu.memory_space<vmem>>, %arg3: memref<2x1000x16xf32, #tpu.memory_space<vmem>>, %arg4: memref<2x1000x64xf32, #tpu.memory_space<vmem>>, %arg5: memref<2x1000x16xf32, #tpu.memory_space<vmem>>) attributes {dimension_semantics = [#tpu.dimension_semantics<arbitrary>], iteration_bounds = array<i64: 10>, scalar_prefetch = 0 : i64, scratch_operands = 0 : i64, tpu.core_type = #tpu.core_type<tc>, window_params = [{transform_indices = @transform_0, window_bounds = array<i64: 1000, 128>}, {pipeline_mode = #tpu.pipeline_mode<synchronous>, transform_indices = @transform_1, window_bounds = array<i64: 128, 128>}, {transform_indices = @transform_2, window_bounds = array<i64: 2, 1000, 16>}, {transform_indices = @transform_3, window_bounds = array<i64: 2, 1000, 64>}, {transform_indices = @transform_4, window_bounds = array<i64: 2, 1000, 16>}]} {
    %get3A = arith.constant 0 : index
    %get3A_0 = arith.constant 0 : index
    %get3A_1 = arith.constant 0 : index
    %get3A_2 = vector.load %arg3[%get3A, %get3A_0, %get3A_1] : memref<2x1000x16xf32, #tpu.memory_space<vmem>>, vector<1x1000x1xf32>
    %get3A_3 = vector.shape_cast %get3A_2 : vector<1x1000x1xf32> to vector<1000x1xf32>
    %get3A_4 = arith.constant 1 : index
    %get3A_5 = arith.constant 0 : index
    %get3A_6 = arith.constant 0 : index
    %get3A_7 = vector.load %arg3[%get3A_4, %get3A_5, %get3A_6] : memref<2x1000x16xf32, #tpu.memory_space<vmem>>, vector<1x1000x1xf32>
    %get3A_8 = vector.shape_cast %get3A_7 : vector<1x1000x1xf32> to vector<1000x1xf32>
    %gt3A = arith.constant 0.000000e+00 : f32
    %gt3A_9 = vector.broadcast %gt3A : f32 to vector<1000x1xf32>
    %gt3A_10 = arith.cmpf ogt, %get3A_3, %gt3A_9 : vector<1000x1xf32>
    %rsqrt3A = math.rsqrt %get3A_3 : vector<1000x1xf32>
    %jit3A = arith.constant 0.000000e+00 : f32
    %broadcast_in_dim3A = vector.broadcast %jit3A : f32 to vector<1000x1xf32>
    %select_n3A = arith.select %gt3A_10, %rsqrt3A, %broadcast_in_dim3A : vector<1000x1xi1>, vector<1000x1xf32>
    %gt3A_11 = arith.constant 0.000000e+00 : f32
    %gt3A_12 = vector.broadcast %gt3A_11 : f32 to vector<1000x1xf32>
    %gt3A_13 = arith.cmpf ogt, %get3A_8, %gt3A_12 : vector<1000x1xf32>
    %rsqrt3A_14 = math.rsqrt %get3A_8 : vector<1000x1xf32>
    %jit3A_15 = arith.constant 0.000000e+00 : f32
    %broadcast_in_dim3A_16 = vector.broadcast %jit3A_15 : f32 to vector<1000x1xf32>
    %select_n3A_17 = arith.select %gt3A_13, %rsqrt3A_14, %broadcast_in_dim3A_16 : vector<1000x1xi1>, vector<1000x1xf32>
    %get3A_18 = arith.constant 0 : index
    %get3A_19 = arith.constant 0 : index
    %get3A_20 = vector.load %arg1[%get3A_18, %get3A_19] : memref<1000x128xf32, #tpu.memory_space<vmem>>, vector<1000x128xf32>
    %mul3A = vector.broadcast %select_n3A : vector<1000x1xf32> to vector<1000x128xf32>
    %mul3A_21 = arith.mulf %get3A_20, %mul3A : vector<1000x128xf32>
    %get3A_22 = arith.constant 0 : index
    %get3A_23 = arith.constant 0 : index
    %get3A_24 = vector.load %arg2[%get3A_22, %get3A_23] : memref<128x128xf32, #tpu.memory_space<vmem>>, vector<128x64xf32>
    %convert_element_type3A = arith.truncf %mul3A_21 : vector<1000x128xf32> to vector<1000x128xbf16>
    %convert_element_type3A_25 = arith.extf %convert_element_type3A : vector<1000x128xbf16> to vector<1000x128xf32>
    %sub3A = arith.subf %mul3A_21, %convert_element_type3A_25 : vector<1000x128xf32>
    %convert_element_type3A_26 = arith.truncf %sub3A : vector<1000x128xf32> to vector<1000x128xbf16>
    %convert_element_type3A_27 = arith.truncf %get3A_24 : vector<128x64xf32> to vector<128x64xbf16>
    %convert_element_type3A_28 = arith.extf %convert_element_type3A_27 : vector<128x64xbf16> to vector<128x64xf32>
    %sub3A_29 = arith.subf %get3A_24, %convert_element_type3A_28 : vector<128x64xf32>
    %convert_element_type3A_30 = arith.truncf %sub3A_29 : vector<128x64xf32> to vector<128x64xbf16>
    %dot_general3A = arith.constant dense<0.000000e+00> : vector<1000x64xf32>
    %dot_general3A_31 = tpu.matmul %convert_element_type3A, %convert_element_type3A_27, %dot_general3A {dimension_numbers = #tpu.dot_dimension_numbers<[1], [0], [0], [1], [0, 0, 1, 1], [], []>, transpose_lhs_hint = false} : vector<1000x128xbf16>, vector<128x64xbf16>, vector<1000x64xf32> -> vector<1000x64xf32>
    %dot_general3A_32 = arith.constant dense<0.000000e+00> : vector<1000x64xf32>
    %dot_general3A_33 = tpu.matmul %convert_element_type3A, %convert_element_type3A_30, %dot_general3A_32 {dimension_numbers = #tpu.dot_dimension_numbers<[1], [0], [0], [1], [0, 0, 1, 1], [], []>, transpose_lhs_hint = false} : vector<1000x128xbf16>, vector<128x64xbf16>, vector<1000x64xf32> -> vector<1000x64xf32>
    %add3A = arith.addf %dot_general3A_31, %dot_general3A_33 : vector<1000x64xf32>
    %dot_general3A_34 = arith.constant dense<0.000000e+00> : vector<1000x64xf32>
    %dot_general3A_35 = tpu.matmul %convert_element_type3A_26, %convert_element_type3A_27, %dot_general3A_34 {dimension_numbers = #tpu.dot_dimension_numbers<[1], [0], [0], [1], [0, 0, 1, 1], [], []>, transpose_lhs_hint = false} : vector<1000x128xbf16>, vector<128x64xbf16>, vector<1000x64xf32> -> vector<1000x64xf32>
    %add3A_36 = arith.addf %add3A, %dot_general3A_35 : vector<1000x64xf32>
    %swap3A = arith.constant 0 : index
    %swap3A_37 = arith.constant 0 : index
    %swap3A_38 = arith.constant 0 : index
    %swap3A_39 = vector.load %arg4[%swap3A, %swap3A_37, %swap3A_38] : memref<2x1000x64xf32, #tpu.memory_space<vmem>>, vector<1x1000x64xf32>
    %swap3A_40 = vector.shape_cast %swap3A_39 : vector<1x1000x64xf32> to vector<1000x64xf32>
    %swap3A_41 = vector.shape_cast %add3A_36 : vector<1000x64xf32> to vector<1x1000x64xf32>
    tpu.vector_store %arg4[%swap3A, %swap3A_37, %swap3A_38], %swap3A_41 {strides = array<i32>} : memref<2x1000x64xf32, #tpu.memory_space<vmem>>, vector<1x1000x64xf32>,
    %get3A_42 = arith.constant 0 : index
    %get3A_43 = arith.constant 64 : index
    %get3A_44 = vector.load %arg2[%get3A_42, %get3A_43] : memref<128x128xf32, #tpu.memory_space<vmem>>, vector<128x64xf32>
    %convert_element_type3A_45 = arith.truncf %mul3A_21 : vector<1000x128xf32> to vector<1000x128xbf16>
    %convert_element_type3A_46 = arith.extf %convert_element_type3A_45 : vector<1000x128xbf16> to vector<1000x128xf32>
    %sub3A_47 = arith.subf %mul3A_21, %convert_element_type3A_46 : vector<1000x128xf32>
    %convert_element_type3A_48 = arith.truncf %sub3A_47 : vector<1000x128xf32> to vector<1000x128xbf16>
    %convert_element_type3A_49 = arith.truncf %get3A_44 : vector<128x64xf32> to vector<128x64xbf16>
    %convert_element_type3A_50 = arith.extf %convert_element_type3A_49 : vector<128x64xbf16> to vector<128x64xf32>
    %sub3A_51 = arith.subf %get3A_44, %convert_element_type3A_50 : vector<128x64xf32>
    %convert_element_type3A_52 = arith.truncf %sub3A_51 : vector<128x64xf32> to vector<128x64xbf16>
    %dot_general3A_53 = arith.constant dense<0.000000e+00> : vector<1000x64xf32>
    %dot_general3A_54 = tpu.matmul %convert_element_type3A_45, %convert_element_type3A_49, %dot_general3A_53 {dimension_numbers = #tpu.dot_dimension_numbers<[1], [0], [0], [1], [0, 0, 1, 1], [], []>, transpose_lhs_hint = false} : vector<1000x128xbf16>, vector<128x64xbf16>, vector<1000x64xf32> -> vector<1000x64xf32>
    %dot_general3A_55 = arith.constant dense<0.000000e+00> : vector<1000x64xf32>
    %dot_general3A_56 = tpu.matmul %convert_element_type3A_45, %convert_element_type3A_52, %dot_general3A_55 {dimension_numbers = #tpu.dot_dimension_numbers<[1], [0], [0], [1], [0, 0, 1, 1], [], []>, transpose_lhs_hint = false} : vector<1000x128xbf16>, vector<128x64xbf16>, vector<1000x64xf32> -> vector<1000x64xf32>
    %add3A_57 = arith.addf %dot_general3A_54, %dot_general3A_56 : vector<1000x64xf32>
    %dot_general3A_58 = arith.constant dense<0.000000e+00> : vector<1000x64xf32>
    %dot_general3A_59 = tpu.matmul %convert_element_type3A_48, %convert_element_type3A_49, %dot_general3A_58 {dimension_numbers = #tpu.dot_dimension_numbers<[1], [0], [0], [1], [0, 0, 1, 1], [], []>, transpose_lhs_hint = false} : vector<1000x128xbf16>, vector<128x64xbf16>, vector<1000x64xf32> -> vector<1000x64xf32>
    %add3A_60 = arith.addf %add3A_57, %dot_general3A_59 : vector<1000x64xf32>
    %swap3A_61 = arith.constant 1 : index
    %swap3A_62 = arith.constant 0 : index
    %swap3A_63 = arith.constant 0 : index
    %swap3A_64 = vector.load %arg4[%swap3A_61, %swap3A_62, %swap3A_63] : memref<2x1000x64xf32, #tpu.memory_space<vmem>>, vector<1x1000x64xf32>
    %swap3A_65 = vector.shape_cast %swap3A_64 : vector<1x1000x64xf32> to vector<1000x64xf32>
    %swap3A_66 = vector.shape_cast %add3A_60 : vector<1000x64xf32> to vector<1x1000x64xf32>
    tpu.vector_store %arg4[%swap3A_61, %swap3A_62, %swap3A_63], %swap3A_66 {strides = array<i32>} : memref<2x1000x64xf32, #tpu.memory_space<vmem>>, vector<1x1000x64xf32>,
    %broadcast_in_dim3A_67 = vector.shape_cast %select_n3A : vector<1000x1xf32> to vector<1000x1xf32>
    %broadcast_in_dim3A_68 = vector.broadcast %broadcast_in_dim3A_67 : vector<1000x1xf32> to vector<1000x16xf32>
    %swap3A_69 = arith.constant 0 : index
    %swap3A_70 = arith.constant 0 : index
    %swap3A_71 = arith.constant 0 : index
    %swap3A_72 = vector.load %arg5[%swap3A_69, %swap3A_70, %swap3A_71] : memref<2x1000x16xf32, #tpu.memory_space<vmem>>, vector<1x1000x16xf32>
    %swap3A_73 = vector.shape_cast %swap3A_72 : vector<1x1000x16xf32> to vector<1000x16xf32>
    %swap3A_74 = vector.shape_cast %broadcast_in_dim3A_68 : vector<1000x16xf32> to vector<1x1000x16xf32>
    tpu.vector_store %arg5[%swap3A_69, %swap3A_70, %swap3A_71], %swap3A_74 {strides = array<i32>} : memref<2x1000x16xf32, #tpu.memory_space<vmem>>, vector<1x1000x16xf32>,
    %broadcast_in_dim3A_75 = vector.shape_cast %select_n3A_17 : vector<1000x1xf32> to vector<1000x1xf32>
    %broadcast_in_dim3A_76 = vector.broadcast %broadcast_in_dim3A_75 : vector<1000x1xf32> to vector<1000x16xf32>
    %swap3A_77 = arith.constant 1 : index
    %swap3A_78 = arith.constant 0 : index
    %swap3A_79 = arith.constant 0 : index
    %swap3A_80 = vector.load %arg5[%swap3A_77, %swap3A_78, %swap3A_79] : memref<2x1000x16xf32, #tpu.memory_space<vmem>>, vector<1x1000x16xf32>
    %swap3A_81 = vector.shape_cast %swap3A_80 : vector<1x1000x16xf32> to vector<1000x16xf32>
    %swap3A_82 = vector.shape_cast %broadcast_in_dim3A_76 : vector<1000x16xf32> to vector<1x1000x16xf32>
    tpu.vector_store %arg5[%swap3A_77, %swap3A_78, %swap3A_79], %swap3A_82 {strides = array<i32>} : memref<2x1000x16xf32, #tpu.memory_space<vmem>>, vector<1x1000x16xf32>,
    return
  }
  func.func @transform_0(%arg0: i32) -> (i32, i32) {
    %c0_i32 = arith.constant 0 : i32
    %c0_i32_0 = arith.constant 0 : i32
    return %arg0, %c0_i32 : i32, i32
  }
  func.func @transform_1(%arg0: i32) -> (i32, i32) {
    %c0_i32 = arith.constant 0 : i32
    %c0_i32_0 = arith.constant 0 : i32
    %c0_i32_1 = arith.constant 0 : i32
    return %c0_i32, %c0_i32_0 : i32, i32
  }
  func.func @transform_2(%arg0: i32) -> (i32, i32, i32) {
    %c0_i32 = arith.constant 0 : i32
    %c0_i32_0 = arith.constant 0 : i32
    %c0_i32_1 = arith.constant 0 : i32
    return %c0_i32, %arg0, %c0_i32_0 : i32, i32, i32
  }
  func.func @transform_3(%arg0: i32) -> (i32, i32, i32) {
    %c0_i32 = arith.constant 0 : i32
    %c0_i32_0 = arith.constant 0 : i32
    %c0_i32_1 = arith.constant 0 : i32
    return %c0_i32, %arg0, %c0_i32_0 : i32, i32, i32
  }
  func.func @transform_4(%arg0: i32) -> (i32, i32, i32) {
    %c0_i32 = arith.constant 0 : i32
    %c0_i32_0 = arith.constant 0 : i32
    %c0_i32_1 = arith.constant 0 : i32
    return %c0_i32, %arg0, %c0_i32_0 : i32, i32, i32
  }
}

module attributes {stable_mosaic.version = 14 : i64} {
  func.func @body(%arg0: i32, %arg1: memref<2x1000x64xf32, #tpu.memory_space<vmem>>, %arg2: memref<2x1000x16xf32, #tpu.memory_space<vmem>>, %arg3: memref<1x128xf32, #tpu.memory_space<vmem>>, %arg4: memref<128x64xf32, #tpu.memory_space<vmem>>, %arg5: memref<1000x64xf32, #tpu.memory_space<vmem>>) attributes {dimension_semantics = [#tpu.dimension_semantics<arbitrary>], iteration_bounds = array<i64: 10>, scalar_prefetch = 0 : i64, scratch_operands = 0 : i64, tpu.core_type = #tpu.core_type<tc>, window_params = [{transform_indices = @transform_0, window_bounds = array<i64: 2, 1000, 64>}, {transform_indices = @transform_1, window_bounds = array<i64: 2, 1000, 16>}, {pipeline_mode = #tpu.pipeline_mode<synchronous>, transform_indices = @transform_2, window_bounds = array<i64: 1, 128>}, {pipeline_mode = #tpu.pipeline_mode<synchronous>, transform_indices = @transform_3, window_bounds = array<i64: 128, 64>}, {transform_indices = @transform_4, window_bounds = array<i64: 1000, 64>}]} {
    %get3A = arith.constant 0 : index
    %get3A_0 = arith.constant 0 : index
    %get3A_1 = arith.constant 0 : index
    %get3A_2 = vector.load %arg2[%get3A, %get3A_0, %get3A_1] : memref<2x1000x16xf32, #tpu.memory_space<vmem>>, vector<1x1000x1xf32>
    %get3A_3 = vector.shape_cast %get3A_2 : vector<1x1000x1xf32> to vector<1000x1xf32>
    %get3A_4 = arith.constant 1 : index
    %get3A_5 = arith.constant 0 : index
    %get3A_6 = arith.constant 0 : index
    %get3A_7 = vector.load %arg2[%get3A_4, %get3A_5, %get3A_6] : memref<2x1000x16xf32, #tpu.memory_space<vmem>>, vector<1x1000x1xf32>
    %get3A_8 = vector.shape_cast %get3A_7 : vector<1x1000x1xf32> to vector<1000x1xf32>
    %get3A_9 = arith.constant 0 : index
    %get3A_10 = arith.constant 0 : index
    %get3A_11 = arith.constant 0 : index
    %get3A_12 = vector.load %arg1[%get3A_9, %get3A_10, %get3A_11] : memref<2x1000x64xf32, #tpu.memory_space<vmem>>, vector<1x1000x64xf32>
    %get3A_13 = vector.shape_cast %get3A_12 : vector<1x1000x64xf32> to vector<1000x64xf32>
    %mul3A = vector.broadcast %get3A_8 : vector<1000x1xf32> to vector<1000x64xf32>
    %mul3A_14 = arith.mulf %get3A_13, %mul3A : vector<1000x64xf32>
    %get3A_15 = arith.constant 0 : index
    %get3A_16 = arith.constant 0 : index
    %get3A_17 = vector.load %arg3[%get3A_15, %get3A_16] : memref<1x128xf32, #tpu.memory_space<vmem>>, vector<1x64xf32>
    %add3A = vector.broadcast %get3A_17 : vector<1x64xf32> to vector<1000x64xf32>
    %add3A_18 = arith.addf %mul3A_14, %add3A : vector<1000x64xf32>
    %max3A = arith.constant 0.000000e+00 : f32
    %max3A_19 = vector.broadcast %max3A : f32 to vector<1000x64xf32>
    %max3A_20 = arith.maximumf %add3A_18, %max3A_19 : vector<1000x64xf32>
    %mul3A_21 = vector.broadcast %get3A_3 : vector<1000x1xf32> to vector<1000x64xf32>
    %mul3A_22 = arith.mulf %max3A_20, %mul3A_21 : vector<1000x64xf32>
    %get3A_23 = arith.constant 1 : index
    %get3A_24 = arith.constant 0 : index
    %get3A_25 = arith.constant 0 : index
    %get3A_26 = vector.load %arg1[%get3A_23, %get3A_24, %get3A_25] : memref<2x1000x64xf32, #tpu.memory_space<vmem>>, vector<1x1000x64xf32>
    %get3A_27 = vector.shape_cast %get3A_26 : vector<1x1000x64xf32> to vector<1000x64xf32>
    %mul3A_28 = vector.broadcast %get3A_8 : vector<1000x1xf32> to vector<1000x64xf32>
    %mul3A_29 = arith.mulf %get3A_27, %mul3A_28 : vector<1000x64xf32>
    %get3A_30 = arith.constant 0 : index
    %get3A_31 = arith.constant 64 : index
    %get3A_32 = vector.load %arg3[%get3A_30, %get3A_31] : memref<1x128xf32, #tpu.memory_space<vmem>>, vector<1x64xf32>
    %add3A_33 = vector.broadcast %get3A_32 : vector<1x64xf32> to vector<1000x64xf32>
    %add3A_34 = arith.addf %mul3A_29, %add3A_33 : vector<1000x64xf32>
    %max3A_35 = arith.constant 0.000000e+00 : f32
    %max3A_36 = vector.broadcast %max3A_35 : f32 to vector<1000x64xf32>
    %max3A_37 = arith.maximumf %add3A_34, %max3A_36 : vector<1000x64xf32>
    %mul3A_38 = vector.broadcast %get3A_3 : vector<1000x1xf32> to vector<1000x64xf32>
    %mul3A_39 = arith.mulf %max3A_37, %mul3A_38 : vector<1000x64xf32>
    %get3A_40 = arith.constant 0 : index
    %get3A_41 = arith.constant 0 : index
    %get3A_42 = vector.load %arg4[%get3A_40, %get3A_41] : memref<128x64xf32, #tpu.memory_space<vmem>>, vector<64x64xf32>
    %convert_element_type3A = arith.truncf %mul3A_22 : vector<1000x64xf32> to vector<1000x64xbf16>
    %convert_element_type3A_43 = arith.extf %convert_element_type3A : vector<1000x64xbf16> to vector<1000x64xf32>
    %sub3A = arith.subf %mul3A_22, %convert_element_type3A_43 : vector<1000x64xf32>
    %convert_element_type3A_44 = arith.truncf %sub3A : vector<1000x64xf32> to vector<1000x64xbf16>
    %convert_element_type3A_45 = arith.truncf %get3A_42 : vector<64x64xf32> to vector<64x64xbf16>
    %convert_element_type3A_46 = arith.extf %convert_element_type3A_45 : vector<64x64xbf16> to vector<64x64xf32>
    %sub3A_47 = arith.subf %get3A_42, %convert_element_type3A_46 : vector<64x64xf32>
    %convert_element_type3A_48 = arith.truncf %sub3A_47 : vector<64x64xf32> to vector<64x64xbf16>
    %dot_general3A = arith.constant dense<0.000000e+00> : vector<1000x64xf32>
    %dot_general3A_49 = tpu.matmul %convert_element_type3A, %convert_element_type3A_45, %dot_general3A {dimension_numbers = #tpu.dot_dimension_numbers<[1], [0], [0], [1], [0, 0, 1, 1], [], []>, transpose_lhs_hint = false} : vector<1000x64xbf16>, vector<64x64xbf16>, vector<1000x64xf32> -> vector<1000x64xf32>
    %dot_general3A_50 = arith.constant dense<0.000000e+00> : vector<1000x64xf32>
    %dot_general3A_51 = tpu.matmul %convert_element_type3A, %convert_element_type3A_48, %dot_general3A_50 {dimension_numbers = #tpu.dot_dimension_numbers<[1], [0], [0], [1], [0, 0, 1, 1], [], []>, transpose_lhs_hint = false} : vector<1000x64xbf16>, vector<64x64xbf16>, vector<1000x64xf32> -> vector<1000x64xf32>
    %add3A_52 = arith.addf %dot_general3A_49, %dot_general3A_51 : vector<1000x64xf32>
    %dot_general3A_53 = arith.constant dense<0.000000e+00> : vector<1000x64xf32>
    %dot_general3A_54 = tpu.matmul %convert_element_type3A_44, %convert_element_type3A_45, %dot_general3A_53 {dimension_numbers = #tpu.dot_dimension_numbers<[1], [0], [0], [1], [0, 0, 1, 1], [], []>, transpose_lhs_hint = false} : vector<1000x64xbf16>, vector<64x64xbf16>, vector<1000x64xf32> -> vector<1000x64xf32>
    %add3A_55 = arith.addf %add3A_52, %dot_general3A_54 : vector<1000x64xf32>
    %get3A_56 = arith.constant 64 : index
    %get3A_57 = arith.constant 0 : index
    %get3A_58 = vector.load %arg4[%get3A_56, %get3A_57] : memref<128x64xf32, #tpu.memory_space<vmem>>, vector<64x64xf32>
    %convert_element_type3A_59 = arith.truncf %mul3A_39 : vector<1000x64xf32> to vector<1000x64xbf16>
    %convert_element_type3A_60 = arith.extf %convert_element_type3A_59 : vector<1000x64xbf16> to vector<1000x64xf32>
    %sub3A_61 = arith.subf %mul3A_39, %convert_element_type3A_60 : vector<1000x64xf32>
    %convert_element_type3A_62 = arith.truncf %sub3A_61 : vector<1000x64xf32> to vector<1000x64xbf16>
    %convert_element_type3A_63 = arith.truncf %get3A_58 : vector<64x64xf32> to vector<64x64xbf16>
    %convert_element_type3A_64 = arith.extf %convert_element_type3A_63 : vector<64x64xbf16> to vector<64x64xf32>
    %sub3A_65 = arith.subf %get3A_58, %convert_element_type3A_64 : vector<64x64xf32>
    %convert_element_type3A_66 = arith.truncf %sub3A_65 : vector<64x64xf32> to vector<64x64xbf16>
    %dot_general3A_67 = arith.constant dense<0.000000e+00> : vector<1000x64xf32>
    %dot_general3A_68 = tpu.matmul %convert_element_type3A_59, %convert_element_type3A_63, %dot_general3A_67 {dimension_numbers = #tpu.dot_dimension_numbers<[1], [0], [0], [1], [0, 0, 1, 1], [], []>, transpose_lhs_hint = false} : vector<1000x64xbf16>, vector<64x64xbf16>, vector<1000x64xf32> -> vector<1000x64xf32>
    %dot_general3A_69 = arith.constant dense<0.000000e+00> : vector<1000x64xf32>
    %dot_general3A_70 = tpu.matmul %convert_element_type3A_59, %convert_element_type3A_66, %dot_general3A_69 {dimension_numbers = #tpu.dot_dimension_numbers<[1], [0], [0], [1], [0, 0, 1, 1], [], []>, transpose_lhs_hint = false} : vector<1000x64xbf16>, vector<64x64xbf16>, vector<1000x64xf32> -> vector<1000x64xf32>
    %add3A_71 = arith.addf %dot_general3A_68, %dot_general3A_70 : vector<1000x64xf32>
    %dot_general3A_72 = arith.constant dense<0.000000e+00> : vector<1000x64xf32>
    %dot_general3A_73 = tpu.matmul %convert_element_type3A_62, %convert_element_type3A_63, %dot_general3A_72 {dimension_numbers = #tpu.dot_dimension_numbers<[1], [0], [0], [1], [0, 0, 1, 1], [], []>, transpose_lhs_hint = false} : vector<1000x64xbf16>, vector<64x64xbf16>, vector<1000x64xf32> -> vector<1000x64xf32>
    %add3A_74 = arith.addf %add3A_71, %dot_general3A_73 : vector<1000x64xf32>
    %add3A_75 = arith.addf %add3A_55, %add3A_74 : vector<1000x64xf32>
    %swap3A = arith.constant 0 : index
    %swap3A_76 = arith.constant 0 : index
    %swap3A_77 = vector.load %arg5[%swap3A, %swap3A_76] : memref<1000x64xf32, #tpu.memory_space<vmem>>, vector<1000x64xf32>
    tpu.vector_store %arg5[%swap3A, %swap3A_76], %add3A_75 {strides = array<i32>} : memref<1000x64xf32, #tpu.memory_space<vmem>>, vector<1000x64xf32>,
    return
  }
  func.func @transform_0(%arg0: i32) -> (i32, i32, i32) {
    %c0_i32 = arith.constant 0 : i32
    %c0_i32_0 = arith.constant 0 : i32
    %c0_i32_1 = arith.constant 0 : i32
    return %c0_i32, %arg0, %c0_i32_0 : i32, i32, i32
  }
  func.func @transform_1(%arg0: i32) -> (i32, i32, i32) {
    %c0_i32 = arith.constant 0 : i32
    %c0_i32_0 = arith.constant 0 : i32
    %c0_i32_1 = arith.constant 0 : i32
    return %c0_i32, %arg0, %c0_i32_0 : i32, i32, i32
  }
  func.func @transform_2(%arg0: i32) -> (i32, i32) {
    %c0_i32 = arith.constant 0 : i32
    %c0_i32_0 = arith.constant 0 : i32
    %c0_i32_1 = arith.constant 0 : i32
    return %c0_i32, %c0_i32_0 : i32, i32
  }
  func.func @transform_3(%arg0: i32) -> (i32, i32) {
    %c0_i32 = arith.constant 0 : i32
    %c0_i32_0 = arith.constant 0 : i32
    %c0_i32_1 = arith.constant 0 : i32
    return %c0_i32, %c0_i32_0 : i32, i32
  }
  func.func @transform_4(%arg0: i32) -> (i32, i32) {
    %c0_i32 = arith.constant 0 : i32
    %c0_i32_0 = arith.constant 0 : i32
    return %arg0, %c0_i32 : i32, i32
  }
}

module attributes {stable_mosaic.version = 14 : i64} {
  func.func @body(%arg0: i32, %arg1: memref<2x1000x64xf32, #tpu.memory_space<vmem>>, %arg2: memref<2x1000x16xf32, #tpu.memory_space<vmem>>, %arg3: memref<2x1000x16xf32, #tpu.memory_space<vmem>>, %arg4: memref<1x64xf32, #tpu.memory_space<vmem>>, %arg5: memref<64x64xf32, #tpu.memory_space<vmem>>, %arg6: memref<1x64xf32, #tpu.memory_space<vmem>>, %arg7: memref<1x64xf32, #tpu.memory_space<vmem>>, %arg8: memref<1x64xf32, #tpu.memory_space<vmem>>) attributes {dimension_semantics = [#tpu.dimension_semantics<arbitrary>], iteration_bounds = array<i64: 10>, scalar_prefetch = 0 : i64, scratch_operands = 1 : i64, tpu.core_type = #tpu.core_type<tc>, window_params = [{transform_indices = @transform_0, window_bounds = array<i64: 2, 1000, 64>}, {transform_indices = @transform_1, window_bounds = array<i64: 2, 1000, 16>}, {transform_indices = @transform_2, window_bounds = array<i64: 2, 1000, 16>}, {pipeline_mode = #tpu.pipeline_mode<synchronous>, transform_indices = @transform_3, window_bounds = array<i64: 1, 64>}, {pipeline_mode = #tpu.pipeline_mode<synchronous>, transform_indices = @transform_4, window_bounds = array<i64: 64, 64>}, {pipeline_mode = #tpu.pipeline_mode<synchronous>, transform_indices = @transform_5, window_bounds = array<i64: 1, 64>}, {pipeline_mode = #tpu.pipeline_mode<synchronous>, transform_indices = @transform_6, window_bounds = array<i64: 1, 64>}]} {
    %eq3A = arith.constant 0 : i32
    %eq3A_0 = arith.cmpi eq, %arg0, %eq3A : i32
    %convert_element_type3A = arith.extui %eq3A_0 : i1 to i32
    %cond3A = arith.constant 0 : i32
    %cond3A_1 = arith.cmpi ne, %convert_element_type3A, %cond3A : i32
    scf.if %cond3A_1 {
      %broadcast_in_dim3A_58 = arith.constant 0.000000e+00 : f32
      %broadcast_in_dim3A_59 = vector.broadcast %broadcast_in_dim3A_58 : f32 to vector<1x64xf32>
      %swap3A_60 = arith.constant 0 : index
      %swap3A_61 = arith.constant 0 : index
      %swap3A_62 = vector.load %arg8[%swap3A_60, %swap3A_61] : memref<1x64xf32, #tpu.memory_space<vmem>>, vector<1x64xf32>
      tpu.vector_store %arg8[%swap3A_60, %swap3A_61], %broadcast_in_dim3A_59 {strides = array<i32>} : memref<1x64xf32, #tpu.memory_space<vmem>>, vector<1x64xf32>,
    } else {
    }
    %get3A = arith.constant 0 : index
    %get3A_2 = arith.constant 0 : index
    %get3A_3 = arith.constant 0 : index
    %get3A_4 = vector.load %arg3[%get3A, %get3A_2, %get3A_3] : memref<2x1000x16xf32, #tpu.memory_space<vmem>>, vector<1x1000x1xf32>
    %get3A_5 = vector.shape_cast %get3A_4 : vector<1x1000x1xf32> to vector<1000x1xf32>
    %get3A_6 = arith.constant 1 : index
    %get3A_7 = arith.constant 0 : index
    %get3A_8 = arith.constant 0 : index
    %get3A_9 = vector.load %arg3[%get3A_6, %get3A_7, %get3A_8] : memref<2x1000x16xf32, #tpu.memory_space<vmem>>, vector<1x1000x1xf32>
    %get3A_10 = vector.shape_cast %get3A_9 : vector<1x1000x1xf32> to vector<1000x1xf32>
    %get3A_11 = arith.constant 0 : index
    %get3A_12 = arith.constant 0 : index
    %get3A_13 = arith.constant 0 : index
    %get3A_14 = vector.load %arg1[%get3A_11, %get3A_12, %get3A_13] : memref<2x1000x64xf32, #tpu.memory_space<vmem>>, vector<1x1000x64xf32>
    %get3A_15 = vector.shape_cast %get3A_14 : vector<1x1000x64xf32> to vector<1000x64xf32>
    %get3A_16 = arith.constant 1 : index
    %get3A_17 = arith.constant 0 : index
    %get3A_18 = arith.constant 0 : index
    %get3A_19 = vector.load %arg1[%get3A_16, %get3A_17, %get3A_18] : memref<2x1000x64xf32, #tpu.memory_space<vmem>>, vector<1x1000x64xf32>
    %get3A_20 = vector.shape_cast %get3A_19 : vector<1x1000x64xf32> to vector<1000x64xf32>
    %add3A = arith.addf %get3A_15, %get3A_20 : vector<1000x64xf32>
    %mul3A = vector.broadcast %get3A_10 : vector<1000x1xf32> to vector<1000x64xf32>
    %mul3A_21 = arith.mulf %add3A, %mul3A : vector<1000x64xf32>
    %get3A_22 = arith.constant 0 : index
    %get3A_23 = arith.constant 0 : index
    %get3A_24 = vector.load %arg4[%get3A_22, %get3A_23] : memref<1x64xf32, #tpu.memory_space<vmem>>, vector<1x64xf32>
    %add3A_25 = vector.broadcast %get3A_24 : vector<1x64xf32> to vector<1000x64xf32>
    %add3A_26 = arith.addf %mul3A_21, %add3A_25 : vector<1000x64xf32>
    %max3A = arith.constant 0.000000e+00 : f32
    %max3A_27 = vector.broadcast %max3A : f32 to vector<1000x64xf32>
    %max3A_28 = arith.maximumf %add3A_26, %max3A_27 : vector<1000x64xf32>
    %get3A_29 = arith.constant 0 : index
    %get3A_30 = arith.constant 0 : index
    %get3A_31 = arith.constant 0 : index
    %get3A_32 = vector.load %arg2[%get3A_29, %get3A_30, %get3A_31] : memref<2x1000x16xf32, #tpu.memory_space<vmem>>, vector<1x1000x1xf32>
    %get3A_33 = vector.shape_cast %get3A_32 : vector<1x1000x1xf32> to vector<1000x1xf32>
    %get3A_34 = arith.constant 1 : index
    %get3A_35 = arith.constant 0 : index
    %get3A_36 = arith.constant 0 : index
    %get3A_37 = vector.load %arg2[%get3A_34, %get3A_35, %get3A_36] : memref<2x1000x16xf32, #tpu.memory_space<vmem>>, vector<1x1000x1xf32>
    %get3A_38 = vector.shape_cast %get3A_37 : vector<1x1000x1xf32> to vector<1000x1xf32>
    %add3A_39 = arith.addf %get3A_33, %get3A_38 : vector<1000x1xf32>
    %mul3A_40 = arith.mulf %add3A_39, %get3A_5 : vector<1000x1xf32>
    %mul3A_41 = arith.constant 9.99999974E-5 : f32
    %mul3A_42 = vector.broadcast %mul3A_41 : f32 to vector<1000x1xf32>
    %mul3A_43 = arith.mulf %mul3A_40, %mul3A_42 : vector<1000x1xf32>
    %get3A_44 = arith.constant 0 : index
    %get3A_45 = arith.constant 0 : index
    %get3A_46 = vector.load %arg8[%get3A_44, %get3A_45] : memref<1x64xf32, #tpu.memory_space<vmem>>, vector<1x64xf32>
    %mul3A_47 = vector.broadcast %mul3A_43 : vector<1000x1xf32> to vector<1000x64xf32>
    %mul3A_48 = arith.mulf %max3A_28, %mul3A_47 : vector<1000x64xf32>
    %reduce_sum3A = arith.constant dense<0.000000e+00> : vector<64xf32>
    %reduce_sum3A_49 = vector.multi_reduction <add>, %mul3A_48, %reduce_sum3A [0] : vector<1000x64xf32> to vector<64xf32>
    %broadcast_in_dim3A = vector.shape_cast %reduce_sum3A_49 : vector<64xf32> to vector<1x64xf32>
    %add3A_50 = arith.addf %get3A_46, %broadcast_in_dim3A : vector<1x64xf32>
    %swap3A = arith.constant 0 : index
    %swap3A_51 = arith.constant 0 : index
    %swap3A_52 = vector.load %arg8[%swap3A, %swap3A_51] : memref<1x64xf32, #tpu.memory_space<vmem>>, vector<1x64xf32>
    tpu.vector_store %arg8[%swap3A, %swap3A_51], %add3A_50 {strides = array<i32>} : memref<1x64xf32, #tpu.memory_space<vmem>>, vector<1x64xf32>,
    %eq3A_53 = arith.constant 9 : i32
    %eq3A_54 = arith.cmpi eq, %arg0, %eq3A_53 : i32
    %convert_element_type3A_55 = arith.extui %eq3A_54 : i1 to i32
    %cond3A_56 = arith.constant 0 : i32
    %cond3A_57 = arith.cmpi ne, %convert_element_type3A_55, %cond3A_56 : i32
    scf.if %cond3A_57 {
      %get3A_58 = arith.constant 0 : index
      %get3A_59 = arith.constant 0 : index
      %get3A_60 = vector.load %arg8[%get3A_58, %get3A_59] : memref<1x64xf32, #tpu.memory_space<vmem>>, vector<1x64xf32>
      %get3A_61 = arith.constant 0 : index
      %get3A_62 = arith.constant 0 : index
      %get3A_63 = vector.load %arg5[%get3A_61, %get3A_62] : memref<64x64xf32, #tpu.memory_space<vmem>>, vector<64x64xf32>
      %convert_element_type3A_64 = arith.truncf %get3A_60 : vector<1x64xf32> to vector<1x64xbf16>
      %convert_element_type3A_65 = arith.extf %convert_element_type3A_64 : vector<1x64xbf16> to vector<1x64xf32>
      %sub3A = arith.subf %get3A_60, %convert_element_type3A_65 : vector<1x64xf32>
      %convert_element_type3A_66 = arith.truncf %sub3A : vector<1x64xf32> to vector<1x64xbf16>
      %convert_element_type3A_67 = arith.truncf %get3A_63 : vector<64x64xf32> to vector<64x64xbf16>
      %convert_element_type3A_68 = arith.extf %convert_element_type3A_67 : vector<64x64xbf16> to vector<64x64xf32>
      %sub3A_69 = arith.subf %get3A_63, %convert_element_type3A_68 : vector<64x64xf32>
      %convert_element_type3A_70 = arith.truncf %sub3A_69 : vector<64x64xf32> to vector<64x64xbf16>
      %dot_general3A = arith.constant dense<0.000000e+00> : vector<1x64xf32>
      %dot_general3A_71 = tpu.matmul %convert_element_type3A_64, %convert_element_type3A_67, %dot_general3A {dimension_numbers = #tpu.dot_dimension_numbers<[1], [0], [0], [1], [0, 0, 1, 1], [], []>, transpose_lhs_hint = false} : vector<1x64xbf16>, vector<64x64xbf16>, vector<1x64xf32> -> vector<1x64xf32>
      %dot_general3A_72 = arith.constant dense<0.000000e+00> : vector<1x64xf32>
      %dot_general3A_73 = tpu.matmul %convert_element_type3A_64, %convert_element_type3A_70, %dot_general3A_72 {dimension_numbers = #tpu.dot_dimension_numbers<[1], [0], [0], [1], [0, 0, 1, 1], [], []>, transpose_lhs_hint = false} : vector<1x64xbf16>, vector<64x64xbf16>, vector<1x64xf32> -> vector<1x64xf32>
      %add3A_74 = arith.addf %dot_general3A_71, %dot_general3A_73 : vector<1x64xf32>
      %dot_general3A_75 = arith.constant dense<0.000000e+00> : vector<1x64xf32>
      %dot_general3A_76 = tpu.matmul %convert_element_type3A_66, %convert_element_type3A_67, %dot_general3A_75 {dimension_numbers = #tpu.dot_dimension_numbers<[1], [0], [0], [1], [0, 0, 1, 1], [], []>, transpose_lhs_hint = false} : vector<1x64xbf16>, vector<64x64xbf16>, vector<1x64xf32> -> vector<1x64xf32>
      %add3A_77 = arith.addf %add3A_74, %dot_general3A_76 : vector<1x64xf32>
      %get3A_78 = arith.constant 0 : index
      %get3A_79 = arith.constant 0 : index
      %get3A_80 = vector.load %arg6[%get3A_78, %get3A_79] : memref<1x64xf32, #tpu.memory_space<vmem>>, vector<1x64xf32>
      %add3A_81 = arith.addf %add3A_77, %get3A_80 : vector<1x64xf32>
      %swap3A_82 = arith.constant 0 : index
      %swap3A_83 = arith.constant 0 : index
      %swap3A_84 = vector.load %arg7[%swap3A_82, %swap3A_83] : memref<1x64xf32, #tpu.memory_space<vmem>>, vector<1x64xf32>
      tpu.vector_store %arg7[%swap3A_82, %swap3A_83], %add3A_81 {strides = array<i32>} : memref<1x64xf32, #tpu.memory_space<vmem>>, vector<1x64xf32>,
    } else {
    }
    return
  }
  func.func @transform_0(%arg0: i32) -> (i32, i32, i32) {
    %c0_i32 = arith.constant 0 : i32
    %c0_i32_0 = arith.constant 0 : i32
    %c0_i32_1 = arith.constant 0 : i32
    return %c0_i32, %arg0, %c0_i32_0 : i32, i32, i32
  }
  func.func @transform_1(%arg0: i32) -> (i32, i32, i32) {
    %c0_i32 = arith.constant 0 : i32
    %c0_i32_0 = arith.constant 0 : i32
    %c0_i32_1 = arith.constant 0 : i32
    return %c0_i32, %arg0, %c0_i32_0 : i32, i32, i32
  }
  func.func @transform_2(%arg0: i32) -> (i32, i32, i32) {
    %c0_i32 = arith.constant 0 : i32
    %c0_i32_0 = arith.constant 0 : i32
    %c0_i32_1 = arith.constant 0 : i32
    return %c0_i32, %arg0, %c0_i32_0 : i32, i32, i32
  }
  func.func @transform_3(%arg0: i32) -> (i32, i32) {
    %c0_i32 = arith.constant 0 : i32
    %c0_i32_0 = arith.constant 0 : i32
    %c0_i32_1 = arith.constant 0 : i32
    return %c0_i32, %c0_i32_0 : i32, i32
  }
  func.func @transform_4(%arg0: i32) -> (i32, i32) {
    %c0_i32 = arith.constant 0 : i32
    %c0_i32_0 = arith.constant 0 : i32
    %c0_i32_1 = arith.constant 0 : i32
    return %c0_i32, %c0_i32_0 : i32, i32
  }
  func.func @transform_5(%arg0: i32) -> (i32, i32) {
    %c0_i32 = arith.constant 0 : i32
    %c0_i32_0 = arith.constant 0 : i32
    %c0_i32_1 = arith.constant 0 : i32
    return %c0_i32, %c0_i32_0 : i32, i32
  }
  func.func @transform_6(%arg0: i32) -> (i32, i32) {
    %c0_i32 = arith.constant 0 : i32
    %c0_i32_0 = arith.constant 0 : i32
    %c0_i32_1 = arith.constant 0 : i32
    return %c0_i32, %c0_i32_0 : i32, i32
  }
}

</mosaic_0001>

<sc_bundles>
// kernel: kernel.12.cloned.1.call-start
scs
__scs_entry_jumppad:
0x0: {  	(pc) =	sbr.rel $0x88, $3  }
0x1: {  	(tag) =	ssettag $0x0;
	lr =	simm.s32 $0x1  }
0x2: {  	[smem:$0x3F99] =	sst lr;
	_ =	strace $0xD0000000  }
0x3: {  	_ = 	snop  }
0x4: {  	_ = 	snop  }
0x5: {  	_ = 	snop  }
0x6: {  	_ = 	snop  }
0x7: {  	_ = 	snop  }
__scs_overlays_trampoline_lowered:
0x8: {  	[smem:$0x3FA8] =	sst s0  }
0x9: {  	[smem:$0x3FA9] =	sst s1  }
0xa: {  	[smem:$0x3FAA] =	sst s2  }
0xb: {  	[smem:$0x3FAB] =	sst s3  }
0xc: {  	[smem:$0x3FAC] =	sst s4  }
0xd: {  	[smem:$0x3FAD] =	sst s5  }
0xe: {  	[smem:$0x3FAE] =	sst s6  }
0xf: {  	[smem:$0x3FAF] =	sst s7  }
0x10: {  	[smem:$0x3FB0] =	sst s8  }
0x11: {  	[smem:$0x3FB1] =	sst s9;
	s0 =	simm.s32 @!p0 $0x0  }
0x12: {  	s1 =	sld [smem:$0x3F97];
	s0 =	simm.s32 @p0 $0x1  }
0x13: {  	[smem:$0x3FB2] =	sst s0;
	s0 =	simm.s32 @!p1 $0x0  }
0x14: {  	s2 =	sld [smem:$0x3F96];
	s0 =	simm.s32 @p1 $0x1  }
0x15: {  	[smem:$0x3FB3] =	sst s0;
	s0 =	simm.s32 @!p2 $0x0  }
0x16: {  	s3 =	sld [smem:$0x3FDB];
	s0 =	simm.s32 @p2 $0x1  }
0x17: {  	s4 =	simm.s32 $0x1BF5;
	[smem:$0x3FB5] =	sst s0  }
0x18: {  	s0 =	sld [smem:$0x3F98];
	_ =	swait.ge [sflag:s4], $0x0  }
0x19: {  	s7 =	sld [smem:$0x3F99]  }
0x1a: {  	s8 =	sadd.s32 $0xFFFFE003, lr  }
0x1b: {  	s9 =	sadd.s32 $0xFFFFFEF7, lr;
	s5 =	simm.s32 $0xFFFFFFFF;
	p2 =	slt.u32 s8, $0xFFFFF086  }
0x1c: {  	p1 =	slt.u32 s9, $0xF7A;
	s5 =	simm.s32 @!p2 $0x0  }
0x1d: {  	s5 =	simm.s32 @p1 $0x1;
	p0 =	seq.s32 s7, s2  }
0x1e: {  	s7 =	smul.u32 @!p0 $0xF7A, s2;
	p2 =	seq.s32 @!p0 s5, $0x0  }
0x1f: {  	s9 =	smul.u32 $0xF7A, s1;
	s8 =	simm.s32 @!p0 $0x1BF5;
	p2 =	por !p2, p0  }
0x20: {  	[sflag:s8] =	ssyncset.s32 @!p0 $0xFFFFF086;
	s6 =	sadd.s32 @!p0 s3, s7;
	s7 =	simm.s32 @!p0 $0x108  }
0x21: {  	s3 =	sadd.s32 s3, s9;
	s6 =	sadd.s32 @!p0 $0x88, s6;
	s7 =	simm.s32 @p2 $0x1082  }
0x22: {  	[simem:s7], [sflag:s8] =	dma.local @!p0 [hbm:s6], $0xF7A  }
0x23: {  	s9 =	sor.u32 $0xD0000000, s2;
	s6 =	simm.s32 $0x108;
	_ =	swait.ge @!p0 [sflag:s8], $0x0  }
0x24: {  	s3 =	sadd.s32 $0x88, s3;
	s6 =	simm.s32 @!p1 $0x1082;
	[sflag:s4] =	ssyncset.s32 $0xFFFFF086  }
0x25: {  	[simem:s6], [sflag:s4] =	dma.local [hbm:s3], $0xF7A  }
0x26: {  	[smem:$0x3F99] =	sst s1;
	(tag) =	ssettag s2;
	_ =	strace s9  }
0x27: {  	s1 =	sld [smem:$0x3FA9]  }
0x28: {  	s2 =	sld [smem:$0x3FAA]  }
0x29: {  	s4 =	sld [smem:$0x3FAC]  }
0x2a: {  	p0 =	seq.s32 s5, $0x0;
	s5 =	sld [smem:$0x3FAD]  }
0x2b: {  	s6 =	sld [smem:$0x3FAE]  }
0x2c: {  	s7 =	sld [smem:$0x3FAF]  }
0x2d: {  	s3 =	simm.s32 $0x108;
	s8 =	sld [smem:$0x3FB0]  }
0x2e: {  	s3 =	simm.s32 @!p0 $0x1082;
	s9 =	sld [smem:$0x3FB1]  }
0x2f: {  	lr =	sadd.s32 s0, s3;
	s0 =	sld [smem:$0x3FA8]  }
0x30: {  	s3 =	sld [smem:$0x3FAB]  }
0x31: {  	[smem:$0x3FB4] =	sst s10  }
0x32: {  	s10 =	sld [smem:$0x3FB2];
	_ =	sdelay $0x3  }
0x33: {  	p0 =	seq.s32 s10, $0x1;
	s10 =	sld [smem:$0x3FB4];
	_ =	sdelay $0x3  }
0x34: {  	[smem:$0x3FB4] =	sst s10  }
0x35: {  	s10 =	sld [smem:$0x3FB3];
	_ =	sdelay $0x3  }
0x36: {  	p1 =	seq.s32 s10, $0x1;
	s10 =	sld [smem:$0x3FB4];
	_ =	sdelay $0x3  }
0x37: {  	[smem:$0x3FB4] =	sst s10  }
0x38: {  	s10 =	sld [smem:$0x3FB5]  }
0x39: {  	_ = 	snop;
	(pc) =	sbr.ind lr, $3  }
0x3a: {  	_ = 	snop  }
0x3b: {  	_ = 	snop  }
0x3c: {  	p2 =	seq.s32 s10, $0x1;
	s10 =	sld [smem:$0x3FB4]  }
0x3d: {  	_ =	shalt  }
0x3e: {  	_ =	shalt  }
0x3f: {  	_ =	shalt  }
0x40: {  	_ =	shalt  }
0x41: {  	_ =	shalt  }
0x42: {  	_ =	shalt  }
0x43: {  	_ =	shalt  }
0x44: {  	_ =	shalt  }
0x45: {  	_ =	shalt  }
0x46: {  	_ =	shalt  }
0x47: {  	_ =	shalt  }
0x48: {  	_ =	shalt  }
0x49: {  	_ =	shalt  }
0x4a: {  	_ =	shalt  }
0x4b: {  	_ =	shalt  }
0x4c: {  	_ =	shalt  }
0x4d: {  	_ =	shalt  }
0x4e: {  	_ =	shalt  }
0x4f: {  	_ =	shalt  }
0x50: {  	_ =	shalt  }
0x51: {  	_ =	shalt  }
0x52: {  	_ =	shalt  }
0x53: {  	_ =	shalt  }
0x54: {  	_ =	shalt  }
0x55: {  	_ =	shalt  }
0x56: {  	_ =	shalt  }
0x57: {  	_ =	shalt  }
0x58: {  	_ =	shalt  }
0x59: {  	_ =	shalt  }
0x5a: {  	_ =	shalt  }
0x5b: {  	_ =	shalt  }
0x5c: {  	_ =	shalt  }
0x5d: {  	_ =	shalt  }
0x5e: {  	_ =	shalt  }
0x5f: {  	_ =	shalt  }
0x60: {  	_ =	shalt  }
0x61: {  	_ =	shalt  }
0x62: {  	_ =	shalt  }
0x63: {  	_ =	shalt  }
0x64: {  	_ =	shalt  }
0x65: {  	_ =	shalt  }
0x66: {  	_ =	shalt  }
0x67: {  	_ =	shalt  }
0x68: {  	_ =	shalt  }
0x69: {  	_ =	shalt  }
0x6a: {  	_ =	shalt  }
0x6b: {  	_ =	shalt  }
0x6c: {  	_ =	shalt  }
0x6d: {  	_ =	shalt  }
0x6e: {  	_ =	shalt  }
0x6f: {  	_ =	shalt  }
0x70: {  	_ =	shalt  }
0x71: {  	_ =	shalt  }
0x72: {  	_ =	shalt  }
0x73: {  	_ =	shalt  }
0x74: {  	_ =	shalt  }
0x75: {  	_ =	shalt  }
0x76: {  	_ =	shalt  }
0x77: {  	_ =	shalt  }
0x78: {  	_ =	shalt  }
0x79: {  	_ =	shalt  }
0x7a: {  	_ =	shalt  }
0x7b: {  	_ =	shalt  }
0x7c: {  	_ =	shalt  }
0x7d: {  	_ =	shalt  }
0x7e: {  	_ =	shalt  }
0x7f: {  	_ =	shalt  }
0x80: {  	_ =	shalt  }
0x81: {  	_ =	shalt  }
0x82: {  	_ =	shalt  }
0x83: {  	_ =	shalt  }
0x84: {  	_ =	shalt  }
0x85: {  	_ =	shalt  }
0x86: {  	_ =	shalt  }
0x87: {  	_ =	shalt  }
.Lfunc_end0:
.L_simem_size_0:
called_computation.1_lowered:
.L_overlay_start_0:
0x88: {  	s2 =	sld [smem:$0x3FD9]  }
0x89: {  	s3 =	sld [smem:$0x3FFE];
	_ =	sdelay $0x1  }
0x8a: {  	s1 =	srdreg.scid  }
0x8b: {  	s0 =	sand.u32 $0x1, s1  }
0x8c: {  	s16 =	sshll.u32 s0, $0xA;
	s2 =	sadd.s32 s3, s2  }
0x8d: {  	s2 =	sadd.s32 s2, s16  }
0x8e: {  	[smem:$0x3FC0] =	sst s2  }
0x8f: {  	_ = 	snop  }
0x90: {  	(tm) =	ssettm $0x1  }
0x91: {  	s17 =	sld [smem:$0x3FFB];
	_ =	sdelay $0x3  }
0x92: {  	_ =	strace s17  }
0x93: {  	s2 =	sld [smem:$0x3FFC];
	_ =	sdelay $0x3  }
0x94: {  	_ =	strace s2  }
0x95: {  	s2 =	sld [smem:$0x3FFD];
	_ =	sdelay $0x3  }
0x96: {  	_ =	strace s2  }
0x97: {  	_ =	strace $0x8FFFFFFF  }
0x98: {  	s18 =	sld [smem:$0x3FDB];
	_ =	sdelay $0x1  }
0x99: {  	s19 =	simm.s32 $_scs_section_size  }
0x9a: {  	s4 =	simm.s32 $_size__tile_overlayer_lowered;
	s5 =	simm.s32 $_tile_overlayer_lowered  }
0x9b: {  	s22 =	simm.s32 $0x1BFF;
	s21 =	sshll.u32 s5, $0x1;
	s2 =	sadd.s32 s19, s18  }
0x9c: {  	s6 =	simm.s32 $0x0;
	s20 =	sshll.u32 s4, $0x1;
	s4 =	sadd.s32 s21, s2  }
0x9d: {  	[timem:s6], [sflag:s22] =	dma.local [hbm:s4], s20  }
0x9e: {  	_ =	swait.ge [sflag:s22], s20  }
0x9f: {  	s3 =	ssub.s32 $0x0, s20;
	[sflag:s22] =	ssyncset.done $0x0  }
0xa0: {  	[sflag:s22] =	ssyncadd.s32 s3;
	_ =	sdelay $0x1  }
0xa1: {  	s23 =	simm.s32 $0x1B8B  }
0xa2: {  	_ =	swait.ge [sflag:s23], $0x1  }
0xa3: {  	[sflag:s23] =	ssyncset.done $0x0  }
0xa4: {  	s25 =	simm.s32 $0x1B8E;
	s24 =	sld [smem:$0x3FFE];
	[sflag:s23] =	ssyncadd.s32 $0xFFFFFFFF  }
0xa5: {  	s26 =	simm.s32 $execute0_lowered;
	[smem:$0x3FD2] =	sst s25  }
0xa6: {  	s4 =	sshll.u32 s26, $0x1;
	_ =	strace $0x80000049;
	[dreg:$0x1] =	wrdreg $0xFFFFFFFF  }
0xa7: {  	s28 =	simm.s32 $_size_execute0_lowered;
	s2 =	sadd.s32 s2, s4;
	[dreg:$0x0] =	wrdreg $0x0  }
0xa8: {  	s4 =	sshll.u32 s28, $0x1;
	[dreg:$0x2] =	wrdreg s2  }
0xa9: {  	[dreg:$0x3] =	wrdreg s4  }
0xaa: {  	[dreg:$0x4] =	wrdreg $0xC0  }
0xab: {  	_ =	task [dreg:s6], $0x5FFFF  }
0xac: {  	[dreg:$0x1] =	wrdreg $0xFFFFFFFF  }
0xad: {  	[dreg:$0x0] =	wrdreg $0x60  }
0xae: {  	[dreg:$0x2] =	wrdreg s24  }
0xaf: {  	[dreg:$0x3] =	wrdreg $0x100400  }
0xb0: {  	[dreg:$0x4] =	wrdreg $0xA  }
0xb1: {  	_ =	task.clear_ibuf [dreg:s6], $0x5FFFF;
	_ =	strace $0x90000049  }
0xb2: {  	s29 =	simm.s32 $0xA;
	_ =	strace $0x8000004B  }
0xb3: {  	_ =	swait.ge [sflag:s29], $0x1  }
0xb4: {  	[sflag:s29] =	ssyncadd.s32 $0xFFFFFFFF  }
0xb5: {  	_ =	strace $0x9000004B  }
0xb6: {  	_ =	sfence  }
0xb7: {  	s30 =	sld [smem:$0x0];
	_ =	sdelay $0x2  }
0xb8: {  	s31 =	sshll.u32 s1, $0xD;
	s1 =	sshrl.u32 s1, $0x2  }
0xb9: {  	s3 =	sand.u32 $0x4000, s31;
	s1 =	sadd.s32 s1, s30  }
0xba: {  	s0 =	sor.u32 s3, s0;
	s1 =	sshll.u32 s1, $0x11  }
0xbb: {  	s0 =	sor.u32 s1, s0  }
0xbc: {  	s0 =	sadd.s32 $0x8F2B, s0  }
0xbd: {  	[sflag:s0] =	ssyncadd.remote.s32 $0x1  }
0xbe: {  	_ =	sfence.sel $0xFFFF  }
0xbf: {  	[dreg:$0x0] =	wrdreg $0xFFFFFFFF;
	(pc) =	sbr.abs _section_cstart, $3  }
0xc0: {  	[dreg:$0x1] =	wrdreg $0xFFFFFFFF  }
0xc1: {  	_ =	task.clear_ibuf [dreg:s6], $0x2FFFF;
	_ =	strace $0x9FFFFFFF  }
0xc2: {  	(tm) =	ssettm $0x7FFFFFFF  }
0xc3: {  	_ =	shalt  }
tec
execute0_lowered:
.L_overlay_start_1:
0x0: {  	(tag) =	ssettag $0x1  }
0x1: {  	s6 =	rddreg [dreg:$0x0]  }
0x2: {  	s1 =	rddreg [dreg:$0x1]  }
0x3: {  	s0 =	rddreg [dreg:$0x2];
	s2 =	simm.s32 $0x0;
	s9 =	stileid.u32  }
0x4: {  	s3 =	srdreg.scid;
	s16 =	simm.s32 $0xB040;
	s17 =	simm.s32 $0xC440  }
0x5: {  	s18 =	simm.s32 $0xD840;
	s19 =	simm.s32 $0xEC40;
	s20 =	simm.s32 $0x1  }
0x6: {  	s21 =	simm.s32 $0x2;
	s23 =	simm.s32 $0x0;
	s12 =	smul.u32 $0x9C4, s9  }
0x7: {  	[smem:$0x7FF] =	sst s2;
	s3 =	sand.u32 $0x1, s3;
	s8 =	smul.u32 $0x9C00, s9  }
0x8: {  	s31 =	sshll.u32 s9, $0x6;
	s14 =	sadd.s32 $0x9C000, s1;
	s15 =	sadd.s32 $0xCE40, s6  }
0x9: {  	p0 =	sne.s32 s9, $0x0;
	_ =	strace $0x8000004A;
	s4 =	smul.u32 $0x13880, s3  }
0xa: {  	s7 =	ssub.s32 $0x2, s3;
	s3 =	sadd.s32 $0x3E400, s6;
	s5 =	sadd.s32 s12, s6  }
0xb: {  	s30 =	sshrl.u32 s7, $0x1;
	s13 =	sadd.s32 s8, s1;
	s22 =	sshrl.u32 s8, $0x3  }
0xc: {  	s12 =	sadd.s32 s12, s15;
	s15 =	simm.s32 $0x9C40;
	s10 =	sadd.s32 s4, s6  }
0xd: {  	s11 =	ssub.s32 s7, s30;
	s4 =	sor.u32 $0x1C03, s31;
	s5 =	sadd.s32 $0x3200, s5  }
0xe: {  	s9 =	sshrl.u32 s13, $0x3;
	s13 =	simm.s32 $0x4E20;
	s6 =	sadd.s32 $0x17200, s10  }
0xf: {  	s7 =	sadd.s32 $0x3F800, s10;
	s8 =	smax.u32 s11, $0x1;
	s10 =	simm.s32 $0x3  }
0x10: {  	s11 =	sshrl.u32 @!p0 s14, $0x3;
	s14 =	simm.s32 $0x50;
	s22 =	sadd.s32 s22, s7  }
.LBB2_1:
0x11: {  	[spmem:s9], [sflag:s4] =	dma.local [hbm:s3], $0x1380  }
0x12: {  	_ =	swait.ge [sflag:s10], $0x1380  }
0x13: {  	[sflag:s10] =	ssyncset.done $0x0  }
0x14: {  	s24 =	simm.s32 @!p0 $0x3;
	[sflag:s10] =	ssyncadd.s32 $0xFFFFEC80  }
0x15: {  	[spmem:s11], [sflag:s4] =	dma.local @!p0 [hbm:s3], $0x80  }
0x16: {  	_ =	swait.ge @!p0 [sflag:s24], $0x80  }
0x17: {  	[sflag:s24] =	ssyncset.done @!p0 $0x0  }
0x18: {  	[sflag:s24] =	ssyncadd.s32 @!p0 $0xFFFFFF80  }
0x19: {  	[tilespmem:s2], [sflag:$0x3] =	stream.linear.gather [hbm4b:s5+s2], $0x4E20, $0x38;
	[tilespmem:$0x19C80] =	vst v63  }
0x1a: {  	_ =	swait.ge [sflag:s10], $0x4E20  }
0x1b: {  	[sflag:s10] =	ssyncset.done $0x0  }
0x1c: {  	[sflag:s10] =	ssyncadd.s32 $0xFFFFB1E0  }
0x1d: {  	[tilespmem:s13], [sflag:$0x3] =	stream.linear.gather [hbm4b:s12+s2], $0x4E20, $0x38;
	[tilespmem:$0x19C80] =	vst v63  }
0x1e: {  	_ =	swait.ge [sflag:s10], $0x4E20  }
0x1f: {  	[sflag:s10] =	ssyncset.done $0x0  }
0x20: {  	[sflag:s10] =	ssyncadd.s32 $0xFFFFB1E0  }
0x21: {  	s25 =	simm.s32 $0x0;
	[bflag:$0x0] =	sbarrier.arrive $0xFFFF  }
0x22: {  	[tilespmem:s15], [sflag:$0x1] =	stream.indirect.gather [hbm4b:s6+s14], $0x40, s25, s14, $0xb8;
	[tilespmem:$0x19C80] =	vst v63  }
0x23: {  	s26 =	simm.s32 $0x50  }
0x24: {  	[tilespmem:s16], [sflag:$0x1] =	stream.indirect.gather [hbm4b:s6+s14], $0x40, s26, s14, $0xb8;
	[tilespmem:$0x19C80] =	vst v63  }
0x25: {  	s29 =	simm.s32 $0xA0  }
0x26: {  	[tilespmem:s17], [sflag:$0x1] =	stream.indirect.gather [hbm4b:s6+s14], $0x40, s29, s14, $0xb8;
	[tilespmem:$0x19C80] =	vst v63  }
0x27: {  	s30 =	simm.s32 $0xF0  }
0x28: {  	[tilespmem:s18], [sflag:$0x1] =	stream.indirect.gather [hbm4b:s6+s14], $0x40, s30, s14, $0xb8;
	[tilespmem:$0x19C80] =	vst v63  }
0x29: {  	s31 =	simm.s32 $0x140  }
0x2a: {  	[tilespmem:s19], [sflag:$0x1] =	stream.indirect.gather [hbm4b:s6+s14], $0x40, s31, s14, $0xb8;
	[tilespmem:$0x19C80] =	vst v63  }
0x2b: {  	_ =	swait.ge [sflag:s20], $0x1400  }
0x2c: {  	[sflag:s20] =	ssyncset.done $0x0  }
0x2d: {  	[sflag:s20] =	ssyncadd.s32 $0xFFFFEC00  }
0x2e: {  	_ =	swait.ge [sflag:s20], $0x1400  }
0x2f: {  	[sflag:s20] =	ssyncset.done $0x0  }
0x30: {  	[sflag:s20] =	ssyncadd.s32 $0xFFFFEC00  }
0x31: {  	_ =	swait.ge [sflag:s20], $0x1400  }
0x32: {  	[sflag:s20] =	ssyncset.done $0x0  }
0x33: {  	[sflag:s20] =	ssyncadd.s32 $0xFFFFEC00  }
0x34: {  	_ =	swait.ge [sflag:s20], $0x1400  }
0x35: {  	[sflag:s20] =	ssyncset.done $0x0  }
0x36: {  	[sflag:s20] =	ssyncadd.s32 $0xFFFFEC00  }
0x37: {  	_ =	swait.ge [sflag:s20], $0x1400  }
0x38: {  	[sflag:s20] =	ssyncset.done $0x0  }
0x39: {  	s25 =	simm.s32 $0x4E20;
	[sflag:s20] =	ssyncadd.s32 $0xFFFFEC00  }
0x3a: {  	[spmem:s1] =	stream.indirect.scatter.add.f32 [tilespmem:s15], [sflag:$0x2], $0x40, s25, s14, $0xb8;
	[tilespmem:$0x19C80] =	vst v63  }
0x3b: {  	s26 =	simm.s32 $0x4E70  }
0x3c: {  	[spmem:s1] =	stream.indirect.scatter.add.f32 [tilespmem:s16], [sflag:$0x2], $0x40, s26, s14, $0xb8;
	[tilespmem:$0x19C80] =	vst v63  }
0x3d: {  	s29 =	simm.s32 $0x4EC0  }
0x3e: {  	[spmem:s1] =	stream.indirect.scatter.add.f32 [tilespmem:s17], [sflag:$0x2], $0x40, s29, s14, $0xb8;
	[tilespmem:$0x19C80] =	vst v63  }
0x3f: {  	s30 =	simm.s32 $0x4F10  }
0x40: {  	[spmem:s1] =	stream.indirect.scatter.add.f32 [tilespmem:s18], [sflag:$0x2], $0x40, s30, s14, $0xb8;
	[tilespmem:$0x19C80] =	vst v63  }
0x41: {  	s31 =	simm.s32 $0x4F60  }
0x42: {  	[spmem:s1] =	stream.indirect.scatter.add.f32 [tilespmem:s19], [sflag:$0x2], $0x40, s31, s14, $0xb8;
	[tilespmem:$0x19C80] =	vst v63  }
0x43: {  	_ =	swait.ge [sflag:s21], $0x1400  }
0x44: {  	[sflag:s21] =	ssyncset.done $0x0  }
0x45: {  	[sflag:s21] =	ssyncadd.s32 $0xFFFFEC00  }
0x46: {  	_ =	swait.ge [sflag:s21], $0x1400  }
0x47: {  	[sflag:s21] =	ssyncset.done $0x0  }
0x48: {  	[sflag:s21] =	ssyncadd.s32 $0xFFFFEC00  }
0x49: {  	_ =	swait.ge [sflag:s21], $0x1400  }
0x4a: {  	[sflag:s21] =	ssyncset.done $0x0  }
0x4b: {  	[sflag:s21] =	ssyncadd.s32 $0xFFFFEC00  }
0x4c: {  	_ =	swait.ge [sflag:s21], $0x1400  }
0x4d: {  	[sflag:s21] =	ssyncset.done $0x0  }
0x4e: {  	[sflag:s21] =	ssyncadd.s32 $0xFFFFEC00  }
0x4f: {  	_ =	swait.ge [sflag:s21], $0x1400  }
0x50: {  	s28 =	simm.s32 $0xC80;
	s24 =	simm.s32 $0x640;
	[sflag:s21] =	ssyncset.done $0x0  }
.LBB2_2:
0x51: {  	s26 =	sshra.s32 s24, $0x2  }
0x52: {  	[sflag:s21] =	ssyncadd.s32 $0xFFFFEC00;
	s24 =	smov.u32 s28;
	s25 =	sadd.s32 $0x640, s28  }
0x53: {  	[tilespmem:s15], [sflag:$0x1] =	stream.indirect.gather [hbm4b:s6+s14], $0x40, s26, s14, $0xb8;
	[tilespmem:$0x19C80] =	vst v63  }
0x54: {  	p1 =	sne.s32 s28, $0x13240;
	s28 =	sadd.s32 $0x50, s26  }
0x55: {  	[tilespmem:s16], [sflag:$0x1] =	stream.indirect.gather [hbm4b:s6+s14], $0x40, s28, s14, $0xb8;
	[tilespmem:$0x19C80] =	vst v63  }
0x56: {  	s28 =	sadd.s32 $0xA0, s26  }
0x57: {  	[tilespmem:s17], [sflag:$0x1] =	stream.indirect.gather [hbm4b:s6+s14], $0x40, s28, s14, $0xb8;
	[tilespmem:$0x19C80] =	vst v63  }
0x58: {  	s28 =	sadd.s32 $0xF0, s26  }
0x59: {  	[tilespmem:s18], [sflag:$0x1] =	stream.indirect.gather [hbm4b:s6+s14], $0x40, s28, s14, $0xb8;
	[tilespmem:$0x19C80] =	vst v63  }
0x5a: {  	s28 =	sadd.s32 $0x140, s26  }
0x5b: {  	[tilespmem:s19], [sflag:$0x1] =	stream.indirect.gather [hbm4b:s6+s14], $0x40, s28, s14, $0xb8;
	[tilespmem:$0x19C80] =	vst v63  }
0x5c: {  	_ =	swait.ge [sflag:s20], $0x1400  }
0x5d: {  	[sflag:s20] =	ssyncset.done $0x0  }
0x5e: {  	[sflag:s20] =	ssyncadd.s32 $0xFFFFEC00  }
0x5f: {  	_ =	swait.ge [sflag:s20], $0x1400  }
0x60: {  	[sflag:s20] =	ssyncset.done $0x0  }
0x61: {  	[sflag:s20] =	ssyncadd.s32 $0xFFFFEC00  }
0x62: {  	_ =	swait.ge [sflag:s20], $0x1400  }
0x63: {  	[sflag:s20] =	ssyncset.done $0x0  }
0x64: {  	[sflag:s20] =	ssyncadd.s32 $0xFFFFEC00  }
0x65: {  	_ =	swait.ge [sflag:s20], $0x1400  }
0x66: {  	[sflag:s20] =	ssyncset.done $0x0  }
0x67: {  	[sflag:s20] =	ssyncadd.s32 $0xFFFFEC00  }
0x68: {  	_ =	swait.ge [sflag:s20], $0x1400  }
0x69: {  	[sflag:s20] =	ssyncset.done $0x0  }
0x6a: {  	s28 =	sadd.s32 $0x4E20, s26;
	[sflag:s20] =	ssyncadd.s32 $0xFFFFEC00  }
0x6b: {  	[spmem:s1] =	stream.indirect.scatter.add.f32 [tilespmem:s15], [sflag:$0x2], $0x40, s28, s14, $0xb8;
	[tilespmem:$0x19C80] =	vst v63  }
0x6c: {  	s28 =	sadd.s32 $0x4E70, s26  }
0x6d: {  	[spmem:s1] =	stream.indirect.scatter.add.f32 [tilespmem:s16], [sflag:$0x2], $0x40, s28, s14, $0xb8;
	[tilespmem:$0x19C80] =	vst v63  }
0x6e: {  	s28 =	sadd.s32 $0x4EC0, s26  }
0x6f: {  	[spmem:s1] =	stream.indirect.scatter.add.f32 [tilespmem:s17], [sflag:$0x2], $0x40, s28, s14, $0xb8;
	[tilespmem:$0x19C80] =	vst v63  }
0x70: {  	s28 =	sadd.s32 $0x4F10, s26  }
0x71: {  	[spmem:s1] =	stream.indirect.scatter.add.f32 [tilespmem:s18], [sflag:$0x2], $0x40, s28, s14, $0xb8;
	[tilespmem:$0x19C80] =	vst v63  }
0x72: {  	s26 =	sadd.s32 $0x4F60, s26  }
0x73: {  	[spmem:s1] =	stream.indirect.scatter.add.f32 [tilespmem:s19], [sflag:$0x2], $0x40, s26, s14, $0xb8;
	[tilespmem:$0x19C80] =	vst v63  }
0x74: {  	_ =	swait.ge [sflag:s21], $0x1400  }
0x75: {  	[sflag:s21] =	ssyncset.done $0x0  }
0x76: {  	[sflag:s21] =	ssyncadd.s32 $0xFFFFEC00  }
0x77: {  	_ =	swait.ge [sflag:s21], $0x1400  }
0x78: {  	[sflag:s21] =	ssyncset.done $0x0  }
0x79: {  	[sflag:s21] =	ssyncadd.s32 $0xFFFFEC00  }
0x7a: {  	_ =	swait.ge [sflag:s21], $0x1400  }
0x7b: {  	[sflag:s21] =	ssyncset.done $0x0  }
0x7c: {  	[sflag:s21] =	ssyncadd.s32 $0xFFFFEC00  }
.Ltmp0:
0x7d: {  	_ =	swait.ge [sflag:s21], $0x1400;
	(pc) =	sbr.rel @p1 .LBB2_2-.Ltmp0, $4  }
0x7e: {  	[sflag:s21] =	ssyncset.done $0x0  }
0x7f: {  	[sflag:s21] =	ssyncadd.s32 $0xFFFFEC00  }
0x80: {  	_ =	swait.ge [sflag:s21], $0x1400  }
0x81: {  	s28 =	smov.u32 s25;
	[sflag:s21] =	ssyncset.done $0x0  }
0x82: {  	s24 =	sshra.s32 s24, $0x2;
	[sflag:s21] =	ssyncadd.s32 $0xFFFFEC00  }
0x83: {  	[tilespmem:s15], [sflag:$0x1] =	stream.indirect.gather [hbm4b:s6+s14], $0x40, s24, s14, $0xb8;
	[tilespmem:$0x19C80] =	vst v63  }
0x84: {  	s25 =	sadd.s32 $0x50, s24  }
0x85: {  	[tilespmem:s16], [sflag:$0x1] =	stream.indirect.gather [hbm4b:s6+s14], $0x40, s25, s14, $0xb8;
	[tilespmem:$0x19C80] =	vst v63  }
0x86: {  	s30 =	sadd.s32 $0xA0, s24  }
0x87: {  	[tilespmem:s17], [sflag:$0x1] =	stream.indirect.gather [hbm4b:s6+s14], $0x40, s30, s14, $0xb8;
	[tilespmem:$0x19C80] =	vst v63  }
0x88: {  	s31 =	sadd.s32 $0xF0, s24  }
0x89: {  	[tilespmem:s18], [sflag:$0x1] =	stream.indirect.gather [hbm4b:s6+s14], $0x40, s31, s14, $0xb8;
	[tilespmem:$0x19C80] =	vst v63  }
0x8a: {  	s26 =	sadd.s32 $0x140, s24  }
0x8b: {  	[tilespmem:s19], [sflag:$0x1] =	stream.indirect.gather [hbm4b:s6+s14], $0x40, s26, s14, $0xb8;
	[tilespmem:$0x19C80] =	vst v63  }
0x8c: {  	_ =	swait.ge [sflag:s20], $0x1400  }
0x8d: {  	[sflag:s20] =	ssyncset.done $0x0  }
0x8e: {  	[sflag:s20] =	ssyncadd.s32 $0xFFFFEC00  }
0x8f: {  	_ =	swait.ge [sflag:s20], $0x1400  }
0x90: {  	[sflag:s20] =	ssyncset.done $0x0  }
0x91: {  	[sflag:s20] =	ssyncadd.s32 $0xFFFFEC00  }
0x92: {  	_ =	swait.ge [sflag:s20], $0x1400  }
0x93: {  	[sflag:s20] =	ssyncset.done $0x0  }
0x94: {  	[sflag:s20] =	ssyncadd.s32 $0xFFFFEC00  }
0x95: {  	_ =	swait.ge [sflag:s20], $0x1400  }
0x96: {  	[sflag:s20] =	ssyncset.done $0x0  }
0x97: {  	[sflag:s20] =	ssyncadd.s32 $0xFFFFEC00  }
0x98: {  	_ =	swait.ge [sflag:s20], $0x1400  }
0x99: {  	[sflag:s20] =	ssyncset.done $0x0  }
0x9a: {  	s28 =	sadd.s32 $0x4E20, s24;
	[sflag:s20] =	ssyncadd.s32 $0xFFFFEC00  }
0x9b: {  	[spmem:s1] =	stream.indirect.scatter.add.f32 [tilespmem:s15], [sflag:$0x2], $0x40, s28, s14, $0xb8;
	[tilespmem:$0x19C80] =	vst v63  }
0x9c: {  	s29 =	sadd.s32 $0x4E70, s24  }
0x9d: {  	[spmem:s1] =	stream.indirect.scatter.add.f32 [tilespmem:s16], [sflag:$0x2], $0x40, s29, s14, $0xb8;
	[tilespmem:$0x19C80] =	vst v63  }
0x9e: {  	s30 =	sadd.s32 $0x4EC0, s24  }
0x9f: {  	[spmem:s1] =	stream.indirect.scatter.add.f32 [tilespmem:s17], [sflag:$0x2], $0x40, s30, s14, $0xb8;
	[tilespmem:$0x19C80] =	vst v63  }
0xa0: {  	s31 =	sadd.s32 $0x4F10, s24  }
0xa1: {  	[spmem:s1] =	stream.indirect.scatter.add.f32 [tilespmem:s18], [sflag:$0x2], $0x40, s31, s14, $0xb8;
	[tilespmem:$0x19C80] =	vst v63  }
0xa2: {  	s24 =	sadd.s32 $0x4F60, s24  }
0xa3: {  	[spmem:s1] =	stream.indirect.scatter.add.f32 [tilespmem:s19], [sflag:$0x2], $0x40, s24, s14, $0xb8;
	[tilespmem:$0x19C80] =	vst v63  }
0xa4: {  	_ =	swait.ge [sflag:s21], $0x1400  }
0xa5: {  	[sflag:s21] =	ssyncset.done $0x0  }
0xa6: {  	[sflag:s21] =	ssyncadd.s32 $0xFFFFEC00  }
0xa7: {  	_ =	swait.ge [sflag:s21], $0x1400  }
0xa8: {  	[sflag:s21] =	ssyncset.done $0x0  }
0xa9: {  	[sflag:s21] =	ssyncadd.s32 $0xFFFFEC00  }
0xaa: {  	_ =	swait.ge [sflag:s21], $0x1400  }
0xab: {  	[sflag:s21] =	ssyncset.done $0x0  }
0xac: {  	[sflag:s21] =	ssyncadd.s32 $0xFFFFEC00  }
0xad: {  	_ =	swait.ge [sflag:s21], $0x1400  }
0xae: {  	[sflag:s21] =	ssyncset.done $0x0  }
0xaf: {  	[sflag:s21] =	ssyncadd.s32 $0xFFFFEC00  }
0xb0: {  	_ =	swait.ge [sflag:s21], $0x1400  }
0xb1: {  	[sflag:s21] =	ssyncset.done $0x0  }
0xb2: {  	[sflag:s21] =	ssyncadd.s32 $0xFFFFEC00  }
0xb3: {  	[bflag:$0x0] =	sbarrier.arrive $0xFFFF  }
0xb4: {  	[hbm:s22], [sflag:s4] =	dma.local [spmem:s9], $0x1380  }
0xb5: {  	_ =	swait.ge [sflag:s10], $0x1380  }
0xb6: {  	s23 =	sadd.s32 $0x1, s23;
	[sflag:s10] =	ssyncset.done $0x0  }
0xb7: {  	p1 =	sne.s32 s23, s8;
	s24 =	sadd.s32 @!p0 $0x13800, s7;
	[sflag:s10] =	ssyncadd.s32 $0xFFFFEC80  }
0xb8: {  	[hbm:s24], [sflag:s4] =	dma.local @!p0 [spmem:s11], $0x80  }
.Ltmp1:
0xb9: {  	_ = 	snop;
	(pc) =	sbr.rel @p1 .LBB2_1-.Ltmp1, $4  }
0xba: {  	s24 =	simm.s32 @!p0 $0x3  }
0xbb: {  	_ =	swait.ge @!p0 [sflag:s24], $0x80  }
0xbc: {  	[sflag:s24] =	ssyncset.done @!p0 $0x0  }
0xbd: {  	[sflag:s24] =	ssyncadd.s32 @!p0 $0xFFFFFF80  }
0xbe: {  	_ =	sfence.sel $0x180000  }
0xbf: {  	[bflag:$0x0] =	sbarrier.arrive $0xFFFF  }
0xc0: {  	_ =	strace $0x9000004A  }
0xc1: {  	s0 =	sadd.s32 @!p0 $0x100000, s0;
	[bflag:$0x2] =	sbarrier.arrive $0xFFFF  }
0xc2: {  	[sflag:s0] =	ssyncadd.tile.s32 @!p0 $0x1;
	_ =	shalt  }
.Lfunc_end2:
_tile_overlayer_lowered:
.L_overlay_start_2:
0xc3: {  	(tag) =	ssettag $0x2  }
0xc4: {  	s0 =	rddreg [dreg:$0x0];
	s2 =	stileid.u32  }
0xc5: {  	s1 =	rddreg [dreg:$0x1];
	p0 =	sne.s32 s2, $0x0  }
0xc6: {  	s3 =	rddreg [dreg:$0x2];
	[bflag:$0x3] =	sbarrier.arrive $0xFFFF;
	s2 =	simm.s32 @!p0 $0x1C03  }
0xc7: {  	[timem:s3], [sflag:s2] =	dma.local @!p0 [hbm:s0], s1  }
0xc8: {  	s0 =	simm.s32 @!p0 $0x3  }
0xc9: {  	_ =	swait.ge @!p0 [sflag:s0], s1  }
0xca: {  	s1 =	ssub.s32 @!p0 $0x0, s1;
	[sflag:s0] =	ssyncset.done @!p0 $0x0  }
0xcb: {  	[sflag:s0] =	ssyncadd.s32 @!p0 s1  }
0xcc: {  	[bflag:$0x3] =	sbarrier.arrive $0xFFFF  }
0xcd: {  	_ =	shalt  }

// kernel: kernel.15.cloned.1.call-start
scs
__scs_entry_jumppad:
0x0: {  	(pc) =	sbr.rel $0x88, $3  }
0x1: {  	(tag) =	ssettag $0x0;
	lr =	simm.s32 $0x1  }
0x2: {  	[smem:$0x3F99] =	sst lr;
	_ =	strace $0xD0000000  }
0x3: {  	_ = 	snop  }
0x4: {  	_ = 	snop  }
0x5: {  	_ = 	snop  }
0x6: {  	_ = 	snop  }
0x7: {  	_ = 	snop  }
__scs_overlays_trampoline_lowered:
0x8: {  	[smem:$0x3FA8] =	sst s0  }
0x9: {  	[smem:$0x3FA9] =	sst s1  }
0xa: {  	[smem:$0x3FAA] =	sst s2  }
0xb: {  	[smem:$0x3FAB] =	sst s3  }
0xc: {  	[smem:$0x3FAC] =	sst s4  }
0xd: {  	[smem:$0x3FAD] =	sst s5  }
0xe: {  	[smem:$0x3FAE] =	sst s6  }
0xf: {  	[smem:$0x3FAF] =	sst s7  }
0x10: {  	[smem:$0x3FB0] =	sst s8  }
0x11: {  	[smem:$0x3FB1] =	sst s9;
	s0 =	simm.s32 @!p0 $0x0  }
0x12: {  	s1 =	sld [smem:$0x3F97];
	s0 =	simm.s32 @p0 $0x1  }
0x13: {  	[smem:$0x3FB2] =	sst s0;
	s0 =	simm.s32 @!p1 $0x0  }
0x14: {  	s2 =	sld [smem:$0x3F96];
	s0 =	simm.s32 @p1 $0x1  }
0x15: {  	[smem:$0x3FB3] =	sst s0;
	s0 =	simm.s32 @!p2 $0x0  }
0x16: {  	s3 =	sld [smem:$0x3FDB];
	s0 =	simm.s32 @p2 $0x1  }
0x17: {  	s4 =	simm.s32 $0x1BF5;
	[smem:$0x3FB5] =	sst s0  }
0x18: {  	s0 =	sld [smem:$0x3F98];
	_ =	swait.ge [sflag:s4], $0x0  }
0x19: {  	s7 =	sld [smem:$0x3F99]  }
0x1a: {  	s8 =	sadd.s32 $0xFFFFE003, lr  }
0x1b: {  	s9 =	sadd.s32 $0xFFFFFEF7, lr;
	s5 =	simm.s32 $0xFFFFFFFF;
	p2 =	slt.u32 s8, $0xFFFFF086  }
0x1c: {  	p1 =	slt.u32 s9, $0xF7A;
	s5 =	simm.s32 @!p2 $0x0  }
0x1d: {  	s5 =	simm.s32 @p1 $0x1;
	p0 =	seq.s32 s7, s2  }
0x1e: {  	s7 =	smul.u32 @!p0 $0xF7A, s2;
	p2 =	seq.s32 @!p0 s5, $0x0  }
0x1f: {  	s9 =	smul.u32 $0xF7A, s1;
	s8 =	simm.s32 @!p0 $0x1BF5;
	p2 =	por !p2, p0  }
0x20: {  	[sflag:s8] =	ssyncset.s32 @!p0 $0xFFFFF086;
	s6 =	sadd.s32 @!p0 s3, s7;
	s7 =	simm.s32 @!p0 $0x108  }
0x21: {  	s3 =	sadd.s32 s3, s9;
	s6 =	sadd.s32 @!p0 $0x88, s6;
	s7 =	simm.s32 @p2 $0x1082  }
0x22: {  	[simem:s7], [sflag:s8] =	dma.local @!p0 [hbm:s6], $0xF7A  }
0x23: {  	s9 =	sor.u32 $0xD0000000, s2;
	s6 =	simm.s32 $0x108;
	_ =	swait.ge @!p0 [sflag:s8], $0x0  }
0x24: {  	s3 =	sadd.s32 $0x88, s3;
	s6 =	simm.s32 @!p1 $0x1082;
	[sflag:s4] =	ssyncset.s32 $0xFFFFF086  }
0x25: {  	[simem:s6], [sflag:s4] =	dma.local [hbm:s3], $0xF7A  }
0x26: {  	[smem:$0x3F99] =	sst s1;
	(tag) =	ssettag s2;
	_ =	strace s9  }
0x27: {  	s1 =	sld [smem:$0x3FA9]  }
0x28: {  	s2 =	sld [smem:$0x3FAA]  }
0x29: {  	s4 =	sld [smem:$0x3FAC]  }
0x2a: {  	p0 =	seq.s32 s5, $0x0;
	s5 =	sld [smem:$0x3FAD]  }
0x2b: {  	s6 =	sld [smem:$0x3FAE]  }
0x2c: {  	s7 =	sld [smem:$0x3FAF]  }
0x2d: {  	s3 =	simm.s32 $0x108;
	s8 =	sld [smem:$0x3FB0]  }
0x2e: {  	s3 =	simm.s32 @!p0 $0x1082;
	s9 =	sld [smem:$0x3FB1]  }
0x2f: {  	lr =	sadd.s32 s0, s3;
	s0 =	sld [smem:$0x3FA8]  }
0x30: {  	s3 =	sld [smem:$0x3FAB]  }
0x31: {  	[smem:$0x3FB4] =	sst s10  }
0x32: {  	s10 =	sld [smem:$0x3FB2];
	_ =	sdelay $0x3  }
0x33: {  	p0 =	seq.s32 s10, $0x1;
	s10 =	sld [smem:$0x3FB4];
	_ =	sdelay $0x3  }
0x34: {  	[smem:$0x3FB4] =	sst s10  }
0x35: {  	s10 =	sld [smem:$0x3FB3];
	_ =	sdelay $0x3  }
0x36: {  	p1 =	seq.s32 s10, $0x1;
	s10 =	sld [smem:$0x3FB4];
	_ =	sdelay $0x3  }
0x37: {  	[smem:$0x3FB4] =	sst s10  }
0x38: {  	s10 =	sld [smem:$0x3FB5]  }
0x39: {  	_ = 	snop;
	(pc) =	sbr.ind lr, $3  }
0x3a: {  	_ = 	snop  }
0x3b: {  	_ = 	snop  }
0x3c: {  	p2 =	seq.s32 s10, $0x1;
	s10 =	sld [smem:$0x3FB4]  }
0x3d: {  	_ =	shalt  }
0x3e: {  	_ =	shalt  }
0x3f: {  	_ =	shalt  }
0x40: {  	_ =	shalt  }
0x41: {  	_ =	shalt  }
0x42: {  	_ =	shalt  }
0x43: {  	_ =	shalt  }
0x44: {  	_ =	shalt  }
0x45: {  	_ =	shalt  }
0x46: {  	_ =	shalt  }
0x47: {  	_ =	shalt  }
0x48: {  	_ =	shalt  }
0x49: {  	_ =	shalt  }
0x4a: {  	_ =	shalt  }
0x4b: {  	_ =	shalt  }
0x4c: {  	_ =	shalt  }
0x4d: {  	_ =	shalt  }
0x4e: {  	_ =	shalt  }
0x4f: {  	_ =	shalt  }
0x50: {  	_ =	shalt  }
0x51: {  	_ =	shalt  }
0x52: {  	_ =	shalt  }
0x53: {  	_ =	shalt  }
0x54: {  	_ =	shalt  }
0x55: {  	_ =	shalt  }
0x56: {  	_ =	shalt  }
0x57: {  	_ =	shalt  }
0x58: {  	_ =	shalt  }
0x59: {  	_ =	shalt  }
0x5a: {  	_ =	shalt  }
0x5b: {  	_ =	shalt  }
0x5c: {  	_ =	shalt  }
0x5d: {  	_ =	shalt  }
0x5e: {  	_ =	shalt  }
0x5f: {  	_ =	shalt  }
0x60: {  	_ =	shalt  }
0x61: {  	_ =	shalt  }
0x62: {  	_ =	shalt  }
0x63: {  	_ =	shalt  }
0x64: {  	_ =	shalt  }
0x65: {  	_ =	shalt  }
0x66: {  	_ =	shalt  }
0x67: {  	_ =	shalt  }
0x68: {  	_ =	shalt  }
0x69: {  	_ =	shalt  }
0x6a: {  	_ =	shalt  }
0x6b: {  	_ =	shalt  }
0x6c: {  	_ =	shalt  }
0x6d: {  	_ =	shalt  }
0x6e: {  	_ =	shalt  }
0x6f: {  	_ =	shalt  }
0x70: {  	_ =	shalt  }
0x71: {  	_ =	shalt  }
0x72: {  	_ =	shalt  }
0x73: {  	_ =	shalt  }
0x74: {  	_ =	shalt  }
0x75: {  	_ =	shalt  }
0x76: {  	_ =	shalt  }
0x77: {  	_ =	shalt  }
0x78: {  	_ =	shalt  }
0x79: {  	_ =	shalt  }
0x7a: {  	_ =	shalt  }
0x7b: {  	_ =	shalt  }
0x7c: {  	_ =	shalt  }
0x7d: {  	_ =	shalt  }
0x7e: {  	_ =	shalt  }
0x7f: {  	_ =	shalt  }
0x80: {  	_ =	shalt  }
0x81: {  	_ =	shalt  }
0x82: {  	_ =	shalt  }
0x83: {  	_ =	shalt  }
0x84: {  	_ =	shalt  }
0x85: {  	_ =	shalt  }
0x86: {  	_ =	shalt  }
0x87: {  	_ =	shalt  }
.Lfunc_end0:
.L_simem_size_0:
called_computation.2_lowered:
.L_overlay_start_0:
0x88: {  	s2 =	sld [smem:$0x3FD9]  }
0x89: {  	s3 =	sld [smem:$0x3FFE];
	_ =	sdelay $0x1  }
0x8a: {  	s1 =	srdreg.scid  }
0x8b: {  	s0 =	sand.u32 $0x1, s1  }
0x8c: {  	s17 =	sshll.u32 s0, $0xA;
	s2 =	sadd.s32 s3, s2  }
0x8d: {  	s2 =	sadd.s32 s2, s17  }
0x8e: {  	[smem:$0x3FC0] =	sst s2  }
0x8f: {  	_ = 	snop  }
0x90: {  	(tm) =	ssettm $0x1  }
0x91: {  	s18 =	sld [smem:$0x3FFB];
	_ =	sdelay $0x3  }
0x92: {  	_ =	strace s18  }
0x93: {  	s2 =	sld [smem:$0x3FFC];
	_ =	sdelay $0x3  }
0x94: {  	_ =	strace s2  }
0x95: {  	s2 =	sld [smem:$0x3FFD];
	_ =	sdelay $0x3  }
0x96: {  	_ =	strace s2  }
0x97: {  	_ =	strace $0x8FFFFFFF  }
0x98: {  	s19 =	sld [smem:$0x3FDB];
	_ =	sdelay $0x1  }
0x99: {  	s20 =	simm.s32 $_scs_section_size  }
0x9a: {  	s4 =	simm.s32 $_size__tile_overlayer_lowered;
	s5 =	simm.s32 $_tile_overlayer_lowered  }
0x9b: {  	s6 =	simm.s32 $0x1BFF;
	s21 =	sshll.u32 s5, $0x1;
	s3 =	sadd.s32 s20, s19  }
0x9c: {  	s22 =	simm.s32 $0x0;
	s4 =	sshll.u32 s4, $0x1;
	s5 =	sadd.s32 s21, s3  }
0x9d: {  	[timem:s22], [sflag:s6] =	dma.local [hbm:s5], s4  }
0x9e: {  	_ =	swait.ge [sflag:s6], s4  }
0x9f: {  	s4 =	ssub.s32 $0x0, s4;
	[sflag:s6] =	ssyncset.done $0x0  }
0xa0: {  	[sflag:s6] =	ssyncadd.s32 s4;
	_ =	sdelay $0x1  }
0xa1: {  	s23 =	simm.s32 $0x1B8B  }
0xa2: {  	_ =	swait.ge [sflag:s23], $0x1  }
0xa3: {  	[sflag:s23] =	ssyncset.done $0x0  }
0xa4: {  	[sflag:s23] =	ssyncadd.s32 $0xFFFFFFFF  }
0xa5: {  	s4 =	sld [smem:$0x0]  }
0xa6: {  	s5 =	sand.u32 $0xFFFFFFFE, s1  }
0xa7: {  	p0 =	sne.s32 s1, s5  }
0xa8: {  	s5 =	sshll.u32 @p0 s5, $0xE  }
0xa9: {  	s5 =	sadd.s32 @p0 $0x11B8D, s5;
	s6 =	sshll.u32 @p0 s4, $0x11  }
0xaa: {  	s5 =	sor.u32 @p0 s6, s5  }
0xab: {  	[sflag:s5] =	ssyncadd.remote.s32 @p0 $0x1;
	_ =	sdelay $0x1  }
0xac: {  	s5 =	simm.s32 @p0 $0x1B8D  }
0xad: {  	_ =	swait.eq @p0 [sflag:s5], $0x1  }
0xae: {  	[sflag:s5] =	ssyncadd.s32 @p0 $0xFFFFFFFF  }
0xaf: {  	s6 =	sshll.u32 @!p0 s1, $0xE  }
0xb0: {  	s6 =	sor.u32 @!p0 $0x4000, s6;
	s5 =	simm.s32 @!p0 $0x1B8D  }
0xb1: {  	s4 =	sshll.u32 @!p0 s4, $0x11;
	s6 =	sadd.s32 @!p0 $0x11B8D, s6;
	_ =	swait.eq @!p0 [sflag:s5], $0x1  }
0xb2: {  	s4 =	sor.u32 @!p0 s4, s6;
	[sflag:s5] =	ssyncadd.s32 @!p0 $0xFFFFFFFF  }
0xb3: {  	s25 =	simm.s32 $0x1B8E;
	s24 =	sld [smem:$0x3FFE];
	[sflag:s4] =	ssyncadd.remote.s32 @!p0 $0x1  }
0xb4: {  	s26 =	simm.s32 $execute0_lowered;
	[smem:$0x3FD2] =	sst s25  }
0xb5: {  	s5 =	sshll.u32 s26, $0x1;
	_ =	strace $0x8000004C;
	[dreg:$0x1] =	wrdreg $0xFFFFFFFF  }
0xb6: {  	s28 =	simm.s32 $_size_execute0_lowered;
	s3 =	sadd.s32 s3, s5;
	[dreg:$0x0] =	wrdreg $0x0  }
0xb7: {  	s5 =	sshll.u32 s28, $0x1;
	[dreg:$0x2] =	wrdreg s3  }
0xb8: {  	[dreg:$0x3] =	wrdreg s5  }
0xb9: {  	[dreg:$0x4] =	wrdreg $0xC0  }
0xba: {  	_ =	task [dreg:s22], $0x5FFFF  }
0xbb: {  	[dreg:$0x1] =	wrdreg $0xFFFFFFFF  }
0xbc: {  	[dreg:$0x0] =	wrdreg $0x60  }
0xbd: {  	[dreg:$0x2] =	wrdreg s24  }
0xbe: {  	[dreg:$0x3] =	wrdreg $0x67200  }
0xbf: {  	[dreg:$0x4] =	wrdreg $0x9  }
0xc0: {  	_ =	task.clear_ibuf [dreg:s22], $0x5FFFF;
	_ =	strace $0x9000004C  }
0xc1: {  	s29 =	simm.s32 $0x9;
	_ =	strace $0x8000004E  }
0xc2: {  	_ =	swait.ge [sflag:s29], $0x1  }
0xc3: {  	[sflag:s29] =	ssyncadd.s32 $0xFFFFFFFF  }
0xc4: {  	_ =	strace $0x9000004E  }
0xc5: {  	_ =	sfence  }
0xc6: {  	s30 =	sld [smem:$0x0];
	_ =	sdelay $0x2  }
0xc7: {  	s31 =	sshll.u32 s1, $0xD;
	s1 =	sshrl.u32 s1, $0x2  }
0xc8: {  	s4 =	sand.u32 $0x4000, s31;
	s1 =	sadd.s32 s1, s30  }
0xc9: {  	s0 =	sor.u32 s4, s0;
	s1 =	sshll.u32 s1, $0x11  }
0xca: {  	s0 =	sor.u32 s1, s0  }
0xcb: {  	s0 =	sadd.s32 $0x8F2B, s0  }
0xcc: {  	[sflag:s0] =	ssyncadd.remote.s32 $0x1  }
0xcd: {  	_ =	sfence.sel $0xFFFF  }
0xce: {  	[dreg:$0x0] =	wrdreg $0xFFFFFFFF;
	(pc) =	sbr.abs _section_cstart, $3  }
0xcf: {  	[dreg:$0x1] =	wrdreg $0xFFFFFFFF  }
0xd0: {  	_ =	task.clear_ibuf [dreg:s22], $0x2FFFF;
	_ =	strace $0x9FFFFFFF  }
0xd1: {  	(tm) =	ssettm $0x7FFFFFFF  }
tec
execute0_lowered:
.L_overlay_start_1:
0x0: {  	(tag) =	ssettag $0x1  }
0x1: {  	s6 =	rddreg [dreg:$0x0]  }
0x2: {  	s1 =	rddreg [dreg:$0x1]  }
0x3: {  	s0 =	rddreg [dreg:$0x2];
	s2 =	simm.s32 $0x0;
	s8 =	stileid.u32  }
0x4: {  	s4 =	srdreg.scid;
	s19 =	simm.s32 $0x6220;
	s20 =	simm.s32 $0x1  }
0x5: {  	s21 =	simm.s32 $0x2;
	s23 =	simm.s32 $0x0;
	[smem:$0x7FF] =	sst s2  }
0x6: {  	s12 =	smul.u32 $0x9C4, s8;
	s3 =	sadd.s32 $0x66A00, s6;
	s7 =	sand.u32 $0x1, s4  }
0x7: {  	s4 =	sadd.s32 $0x16C00, s6;
	s13 =	smul.u32 $0x2700, s8;
	s30 =	sshll.u32 s8, $0x6  }
0x8: {  	s15 =	sadd.s32 $0x27000, s1;
	s18 =	sadd.s32 $0xCE40, s6;
	p0 =	sne.s32 s8, $0x0  }
0x9: {  	_ =	strace $0x8000004D;
	s5 =	smul.u32 $0x4E20, s7;
	s10 =	ssub.s32 $0x2, s7  }
0xa: {  	s17 =	smul.u32 $0x4E2, s7;
	s9 =	sadd.s32 s12, s6;
	s11 =	sshrl.u32 s10, $0x1  }
0xb: {  	s31 =	sadd.s32 s13, s1;
	s22 =	sshrl.u32 s13, $0x3;
	s12 =	sadd.s32 s12, s18  }
0xc: {  	s13 =	simm.s32 $0x2710;
	s18 =	simm.s32 $0x5D20;
	s14 =	sadd.s32 s5, s6  }
0xd: {  	s10 =	ssub.s32 s10, s11;
	s5 =	sor.u32 $0x1C03, s30;
	s16 =	sadd.s32 $0x3200, s9  }
0xe: {  	s8 =	sshrl.u32 s31, $0x3;
	s9 =	simm.s32 $0x3;
	s12 =	sadd.s32 s17, s12  }
0xf: {  	s6 =	sadd.s32 $0xBD600, s14;
	s7 =	smax.u32 s10, $0x1;
	s10 =	sshrl.u32 @!p0 s15, $0x3  }
0x10: {  	s11 =	sadd.s32 s17, s16;
	s14 =	simm.s32 $0x50;
	s15 =	simm.s32 $0x4E20  }
0x11: {  	s16 =	simm.s32 $0x5320;
	s17 =	simm.s32 $0x5820;
	s22 =	sadd.s32 s22, s6  }
.LBB2_1:
0x12: {  	[spmem:s8], [sflag:s5] =	dma.local [hbm:s4], $0x4E0  }
0x13: {  	_ =	swait.ge [sflag:s9], $0x4E0  }
0x14: {  	[sflag:s9] =	ssyncset.done $0x0  }
0x15: {  	s24 =	simm.s32 @!p0 $0x3;
	[sflag:s9] =	ssyncadd.s32 $0xFFFFFB20  }
0x16: {  	[spmem:s10], [sflag:s5] =	dma.local @!p0 [hbm:s4], $0x20  }
0x17: {  	_ =	swait.ge @!p0 [sflag:s24], $0x20  }
0x18: {  	[sflag:s24] =	ssyncset.done @!p0 $0x0  }
0x19: {  	[sflag:s24] =	ssyncadd.s32 @!p0 $0xFFFFFFE0  }
0x1a: {  	[tilespmem:s2], [sflag:$0x3] =	stream.linear.gather [hbm4b:s11+s2], $0x2710, $0x38;
	[tilespmem:$0x8E30] =	vst v63  }
0x1b: {  	_ =	swait.ge [sflag:s9], $0x2710  }
0x1c: {  	[sflag:s9] =	ssyncset.done $0x0  }
0x1d: {  	[sflag:s9] =	ssyncadd.s32 $0xFFFFD8F0  }
0x1e: {  	[tilespmem:s13], [sflag:$0x3] =	stream.linear.gather [hbm4b:s12+s2], $0x2710, $0x38;
	[tilespmem:$0x8E30] =	vst v63  }
0x1f: {  	_ =	swait.ge [sflag:s9], $0x2710  }
0x20: {  	[sflag:s9] =	ssyncset.done $0x0  }
0x21: {  	[sflag:s9] =	ssyncadd.s32 $0xFFFFD8F0  }
0x22: {  	s25 =	simm.s32 $0x2710;
	[bflag:$0x0] =	sbarrier.arrive $0xFFFF  }
0x23: {  	[tilespmem:s15], [sflag:$0x1] =	stream.indirect.gather [hbm4b:s3+s14], $0x10, s25, s14, $0xb8;
	[tilespmem:$0x8E30] =	vst v63  }
0x24: {  	s26 =	simm.s32 $0x2760  }
0x25: {  	[tilespmem:s16], [sflag:$0x1] =	stream.indirect.gather [hbm4b:s3+s14], $0x10, s26, s14, $0xb8;
	[tilespmem:$0x8E30] =	vst v63  }
0x26: {  	s29 =	simm.s32 $0x27B0  }
0x27: {  	[tilespmem:s17], [sflag:$0x1] =	stream.indirect.gather [hbm4b:s3+s14], $0x10, s29, s14, $0xb8;
	[tilespmem:$0x8E30] =	vst v63  }
0x28: {  	s30 =	simm.s32 $0x2800  }
0x29: {  	[tilespmem:s18], [sflag:$0x1] =	stream.indirect.gather [hbm4b:s3+s14], $0x10, s30, s14, $0xb8;
	[tilespmem:$0x8E30] =	vst v63  }
0x2a: {  	s31 =	simm.s32 $0x2850  }
0x2b: {  	[tilespmem:s19], [sflag:$0x1] =	stream.indirect.gather [hbm4b:s3+s14], $0x10, s31, s14, $0xb8;
	[tilespmem:$0x8E30] =	vst v63  }
0x2c: {  	_ =	swait.ge [sflag:s20], $0x500  }
0x2d: {  	[sflag:s20] =	ssyncset.done $0x0  }
0x2e: {  	[sflag:s20] =	ssyncadd.s32 $0xFFFFFB00  }
0x2f: {  	_ =	swait.ge [sflag:s20], $0x500  }
0x30: {  	[sflag:s20] =	ssyncset.done $0x0  }
0x31: {  	[sflag:s20] =	ssyncadd.s32 $0xFFFFFB00  }
0x32: {  	_ =	swait.ge [sflag:s20], $0x500  }
0x33: {  	[sflag:s20] =	ssyncset.done $0x0  }
0x34: {  	[sflag:s20] =	ssyncadd.s32 $0xFFFFFB00  }
0x35: {  	_ =	swait.ge [sflag:s20], $0x500  }
0x36: {  	[sflag:s20] =	ssyncset.done $0x0  }
0x37: {  	[sflag:s20] =	ssyncadd.s32 $0xFFFFFB00  }
0x38: {  	_ =	swait.ge [sflag:s20], $0x500  }
0x39: {  	[sflag:s20] =	ssyncset.done $0x0  }
0x3a: {  	s25 =	simm.s32 $0x0;
	[sflag:s20] =	ssyncadd.s32 $0xFFFFFB00  }
0x3b: {  	[spmem:s1] =	stream.indirect.scatter.add.f32 [tilespmem:s15], [sflag:$0x2], $0x10, s25, s14, $0xb8;
	[tilespmem:$0x8E30] =	vst v63  }
0x3c: {  	s26 =	simm.s32 $0x50  }
0x3d: {  	[spmem:s1] =	stream.indirect.scatter.add.f32 [tilespmem:s16], [sflag:$0x2], $0x10, s26, s14, $0xb8;
	[tilespmem:$0x8E30] =	vst v63  }
0x3e: {  	s29 =	simm.s32 $0xA0  }
0x3f: {  	[spmem:s1] =	stream.indirect.scatter.add.f32 [tilespmem:s17], [sflag:$0x2], $0x10, s29, s14, $0xb8;
	[tilespmem:$0x8E30] =	vst v63  }
0x40: {  	s30 =	simm.s32 $0xF0  }
0x41: {  	[spmem:s1] =	stream.indirect.scatter.add.f32 [tilespmem:s18], [sflag:$0x2], $0x10, s30, s14, $0xb8;
	[tilespmem:$0x8E30] =	vst v63  }
0x42: {  	s31 =	simm.s32 $0x140  }
0x43: {  	[spmem:s1] =	stream.indirect.scatter.add.f32 [tilespmem:s19], [sflag:$0x2], $0x10, s31, s14, $0xb8;
	[tilespmem:$0x8E30] =	vst v63  }
0x44: {  	_ =	swait.ge [sflag:s21], $0x500  }
0x45: {  	[sflag:s21] =	ssyncset.done $0x0  }
0x46: {  	[sflag:s21] =	ssyncadd.s32 $0xFFFFFB00  }
0x47: {  	_ =	swait.ge [sflag:s21], $0x500  }
0x48: {  	[sflag:s21] =	ssyncset.done $0x0  }
0x49: {  	[sflag:s21] =	ssyncadd.s32 $0xFFFFFB00  }
0x4a: {  	_ =	swait.ge [sflag:s21], $0x500  }
0x4b: {  	[sflag:s21] =	ssyncset.done $0x0  }
0x4c: {  	[sflag:s21] =	ssyncadd.s32 $0xFFFFFB00  }
0x4d: {  	_ =	swait.ge [sflag:s21], $0x500  }
0x4e: {  	[sflag:s21] =	ssyncset.done $0x0  }
0x4f: {  	[sflag:s21] =	ssyncadd.s32 $0xFFFFFB00  }
0x50: {  	_ =	swait.ge [sflag:s21], $0x500  }
0x51: {  	s28 =	simm.s32 $0xC80;
	s24 =	simm.s32 $0x190;
	[sflag:s21] =	ssyncset.done $0x0  }
.LBB2_2:
0x52: {  	s29 =	sadd.s32 $0x2710, s24  }
0x53: {  	[sflag:s21] =	ssyncadd.s32 $0xFFFFFB00;
	s26 =	smov.u32 s28;
	s25 =	sadd.s32 $0x640, s28  }
0x54: {  	[tilespmem:s15], [sflag:$0x1] =	stream.indirect.gather [hbm4b:s3+s14], $0x10, s29, s14, $0xb8;
	[tilespmem:$0x8E30] =	vst v63  }
0x55: {  	p1 =	sne.s32 s28, $0x9600;
	s28 =	sadd.s32 $0x2760, s24  }
0x56: {  	[tilespmem:s16], [sflag:$0x1] =	stream.indirect.gather [hbm4b:s3+s14], $0x10, s28, s14, $0xb8;
	[tilespmem:$0x8E30] =	vst v63  }
0x57: {  	s28 =	sadd.s32 $0x27B0, s24  }
0x58: {  	[tilespmem:s17], [sflag:$0x1] =	stream.indirect.gather [hbm4b:s3+s14], $0x10, s28, s14, $0xb8;
	[tilespmem:$0x8E30] =	vst v63  }
0x59: {  	s28 =	sadd.s32 $0x2800, s24  }
0x5a: {  	[tilespmem:s18], [sflag:$0x1] =	stream.indirect.gather [hbm4b:s3+s14], $0x10, s28, s14, $0xb8;
	[tilespmem:$0x8E30] =	vst v63  }
0x5b: {  	s28 =	sadd.s32 $0x2850, s24  }
0x5c: {  	[tilespmem:s19], [sflag:$0x1] =	stream.indirect.gather [hbm4b:s3+s14], $0x10, s28, s14, $0xb8;
	[tilespmem:$0x8E30] =	vst v63  }
0x5d: {  	_ =	swait.ge [sflag:s20], $0x500  }
0x5e: {  	[sflag:s20] =	ssyncset.done $0x0  }
0x5f: {  	[sflag:s20] =	ssyncadd.s32 $0xFFFFFB00  }
0x60: {  	_ =	swait.ge [sflag:s20], $0x500  }
0x61: {  	[sflag:s20] =	ssyncset.done $0x0  }
0x62: {  	[sflag:s20] =	ssyncadd.s32 $0xFFFFFB00  }
0x63: {  	_ =	swait.ge [sflag:s20], $0x500  }
0x64: {  	[sflag:s20] =	ssyncset.done $0x0  }
0x65: {  	[sflag:s20] =	ssyncadd.s32 $0xFFFFFB00  }
0x66: {  	_ =	swait.ge [sflag:s20], $0x500  }
0x67: {  	[sflag:s20] =	ssyncset.done $0x0  }
0x68: {  	[sflag:s20] =	ssyncadd.s32 $0xFFFFFB00  }
0x69: {  	_ =	swait.ge [sflag:s20], $0x500  }
0x6a: {  	[sflag:s20] =	ssyncset.done $0x0  }
0x6b: {  	[sflag:s20] =	ssyncadd.s32 $0xFFFFFB00  }
0x6c: {  	[spmem:s1] =	stream.indirect.scatter.add.f32 [tilespmem:s15], [sflag:$0x2], $0x10, s24, s14, $0xb8;
	[tilespmem:$0x8E30] =	vst v63  }
0x6d: {  	s28 =	sadd.s32 $0x50, s24  }
0x6e: {  	[spmem:s1] =	stream.indirect.scatter.add.f32 [tilespmem:s16], [sflag:$0x2], $0x10, s28, s14, $0xb8;
	[tilespmem:$0x8E30] =	vst v63  }
0x6f: {  	s28 =	sadd.s32 $0xA0, s24  }
0x70: {  	[spmem:s1] =	stream.indirect.scatter.add.f32 [tilespmem:s17], [sflag:$0x2], $0x10, s28, s14, $0xb8;
	[tilespmem:$0x8E30] =	vst v63  }
0x71: {  	s28 =	sadd.s32 $0xF0, s24  }
0x72: {  	[spmem:s1] =	stream.indirect.scatter.add.f32 [tilespmem:s18], [sflag:$0x2], $0x10, s28, s14, $0xb8;
	[tilespmem:$0x8E30] =	vst v63  }
0x73: {  	s24 =	sadd.s32 $0x140, s24  }
0x74: {  	[spmem:s1] =	stream.indirect.scatter.add.f32 [tilespmem:s19], [sflag:$0x2], $0x10, s24, s14, $0xb8;
	[tilespmem:$0x8E30] =	vst v63  }
0x75: {  	_ =	swait.ge [sflag:s21], $0x500  }
0x76: {  	[sflag:s21] =	ssyncset.done $0x0  }
0x77: {  	[sflag:s21] =	ssyncadd.s32 $0xFFFFFB00  }
0x78: {  	_ =	swait.ge [sflag:s21], $0x500  }
0x79: {  	[sflag:s21] =	ssyncset.done $0x0  }
0x7a: {  	[sflag:s21] =	ssyncadd.s32 $0xFFFFFB00  }
0x7b: {  	_ =	swait.ge [sflag:s21], $0x500  }
0x7c: {  	[sflag:s21] =	ssyncset.done $0x0  }
0x7d: {  	[sflag:s21] =	ssyncadd.s32 $0xFFFFFB00  }
.Ltmp0:
0x7e: {  	_ =	swait.ge [sflag:s21], $0x500;
	(pc) =	sbr.rel @p1 .LBB2_2-.Ltmp0, $4  }
0x7f: {  	[sflag:s21] =	ssyncset.done $0x0  }
0x80: {  	[sflag:s21] =	ssyncadd.s32 $0xFFFFFB00  }
0x81: {  	_ =	swait.ge [sflag:s21], $0x500  }
0x82: {  	s28 =	smov.u32 s25;
	s24 =	sshra.s32 s26, $0x2;
	[sflag:s21] =	ssyncset.done $0x0  }
0x83: {  	s25 =	sadd.s32 $0x2710, s24;
	[sflag:s21] =	ssyncadd.s32 $0xFFFFFB00  }
0x84: {  	[tilespmem:s15], [sflag:$0x1] =	stream.indirect.gather [hbm4b:s3+s14], $0x10, s25, s14, $0xb8;
	[tilespmem:$0x8E30] =	vst v63  }
0x85: {  	s29 =	sadd.s32 $0x2760, s24  }
0x86: {  	[tilespmem:s16], [sflag:$0x1] =	stream.indirect.gather [hbm4b:s3+s14], $0x10, s29, s14, $0xb8;
	[tilespmem:$0x8E30] =	vst v63  }
0x87: {  	s30 =	sadd.s32 $0x27B0, s24  }
0x88: {  	[tilespmem:s17], [sflag:$0x1] =	stream.indirect.gather [hbm4b:s3+s14], $0x10, s30, s14, $0xb8;
	[tilespmem:$0x8E30] =	vst v63  }
0x89: {  	s31 =	sadd.s32 $0x2800, s24  }
0x8a: {  	[tilespmem:s18], [sflag:$0x1] =	stream.indirect.gather [hbm4b:s3+s14], $0x10, s31, s14, $0xb8;
	[tilespmem:$0x8E30] =	vst v63  }
0x8b: {  	s26 =	sadd.s32 $0x2850, s24  }
0x8c: {  	[tilespmem:s19], [sflag:$0x1] =	stream.indirect.gather [hbm4b:s3+s14], $0x10, s26, s14, $0xb8;
	[tilespmem:$0x8E30] =	vst v63  }
0x8d: {  	_ =	swait.ge [sflag:s20], $0x500  }
0x8e: {  	[sflag:s20] =	ssyncset.done $0x0  }
0x8f: {  	[sflag:s20] =	ssyncadd.s32 $0xFFFFFB00  }
0x90: {  	_ =	swait.ge [sflag:s20], $0x500  }
0x91: {  	[sflag:s20] =	ssyncset.done $0x0  }
0x92: {  	[sflag:s20] =	ssyncadd.s32 $0xFFFFFB00  }
0x93: {  	_ =	swait.ge [sflag:s20], $0x500  }
0x94: {  	[sflag:s20] =	ssyncset.done $0x0  }
0x95: {  	[sflag:s20] =	ssyncadd.s32 $0xFFFFFB00  }
0x96: {  	_ =	swait.ge [sflag:s20], $0x500  }
0x97: {  	[sflag:s20] =	ssyncset.done $0x0  }
0x98: {  	[sflag:s20] =	ssyncadd.s32 $0xFFFFFB00  }
0x99: {  	_ =	swait.ge [sflag:s20], $0x500  }
0x9a: {  	[sflag:s20] =	ssyncset.done $0x0  }
0x9b: {  	[sflag:s20] =	ssyncadd.s32 $0xFFFFFB00  }
0x9c: {  	[spmem:s1] =	stream.indirect.scatter.add.f32 [tilespmem:s15], [sflag:$0x2], $0x10, s24, s14, $0xb8;
	[tilespmem:$0x8E30] =	vst v63  }
0x9d: {  	s28 =	sadd.s32 $0x50, s24  }
0x9e: {  	[spmem:s1] =	stream.indirect.scatter.add.f32 [tilespmem:s16], [sflag:$0x2], $0x10, s28, s14, $0xb8;
	[tilespmem:$0x8E30] =	vst v63  }
0x9f: {  	s29 =	sadd.s32 $0xA0, s24  }
0xa0: {  	[spmem:s1] =	stream.indirect.scatter.add.f32 [tilespmem:s17], [sflag:$0x2], $0x10, s29, s14, $0xb8;
	[tilespmem:$0x8E30] =	vst v63  }
0xa1: {  	s30 =	sadd.s32 $0xF0, s24  }
0xa2: {  	[spmem:s1] =	stream.indirect.scatter.add.f32 [tilespmem:s18], [sflag:$0x2], $0x10, s30, s14, $0xb8;
	[tilespmem:$0x8E30] =	vst v63  }
0xa3: {  	s31 =	sadd.s32 $0x140, s24  }
0xa4: {  	[spmem:s1] =	stream.indirect.scatter.add.f32 [tilespmem:s19], [sflag:$0x2], $0x10, s31, s14, $0xb8;
	[tilespmem:$0x8E30] =	vst v63  }
0xa5: {  	_ =	swait.ge [sflag:s21], $0x500  }
0xa6: {  	[sflag:s21] =	ssyncset.done $0x0  }
0xa7: {  	[sflag:s21] =	ssyncadd.s32 $0xFFFFFB00  }
0xa8: {  	_ =	swait.ge [sflag:s21], $0x500  }
0xa9: {  	[sflag:s21] =	ssyncset.done $0x0  }
0xaa: {  	[sflag:s21] =	ssyncadd.s32 $0xFFFFFB00  }
0xab: {  	_ =	swait.ge [sflag:s21], $0x500  }
0xac: {  	[sflag:s21] =	ssyncset.done $0x0  }
0xad: {  	[sflag:s21] =	ssyncadd.s32 $0xFFFFFB00  }
0xae: {  	_ =	swait.ge [sflag:s21], $0x500  }
0xaf: {  	[sflag:s21] =	ssyncset.done $0x0  }
0xb0: {  	[sflag:s21] =	ssyncadd.s32 $0xFFFFFB00  }
0xb1: {  	_ =	swait.ge [sflag:s21], $0x500  }
0xb2: {  	[sflag:s21] =	ssyncset.done $0x0  }
0xb3: {  	[sflag:s21] =	ssyncadd.s32 $0xFFFFFB00  }
0xb4: {  	[bflag:$0x0] =	sbarrier.arrive $0xFFFF  }
0xb5: {  	[hbm:s22], [sflag:s5] =	dma.local [spmem:s8], $0x4E0  }
0xb6: {  	_ =	swait.ge [sflag:s9], $0x4E0  }
0xb7: {  	s23 =	sadd.s32 $0x1, s23;
	[sflag:s9] =	ssyncset.done $0x0  }
0xb8: {  	p1 =	sne.s32 s23, s7;
	s24 =	sadd.s32 @!p0 $0x4E00, s6;
	[sflag:s9] =	ssyncadd.s32 $0xFFFFFB20  }
0xb9: {  	[hbm:s24], [sflag:s5] =	dma.local @!p0 [spmem:s10], $0x20  }
.Ltmp1:
0xba: {  	_ = 	snop;
	(pc) =	sbr.rel @p1 .LBB2_1-.Ltmp1, $4  }
0xbb: {  	s24 =	simm.s32 @!p0 $0x3  }
0xbc: {  	_ =	swait.ge @!p0 [sflag:s24], $0x20  }
0xbd: {  	[sflag:s24] =	ssyncset.done @!p0 $0x0  }
0xbe: {  	[sflag:s24] =	ssyncadd.s32 @!p0 $0xFFFFFFE0  }
0xbf: {  	_ =	sfence.sel $0x180000  }
0xc0: {  	[bflag:$0x0] =	sbarrier.arrive $0xFFFF  }
0xc1: {  	_ =	strace $0x9000004D  }
0xc2: {  	s0 =	sadd.s32 @!p0 $0x100000, s0;
	[bflag:$0x2] =	sbarrier.arrive $0xFFFF  }
0xc3: {  	[sflag:s0] =	ssyncadd.tile.s32 @!p0 $0x1;
	_ =	shalt  }
.Lfunc_end2:
_tile_overlayer_lowered:
.L_overlay_start_2:
0xc4: {  	(tag) =	ssettag $0x2  }
0xc5: {  	s0 =	rddreg [dreg:$0x0];
	s2 =	stileid.u32  }
0xc6: {  	s1 =	rddreg [dreg:$0x1];
	p0 =	sne.s32 s2, $0x0  }
0xc7: {  	s3 =	rddreg [dreg:$0x2];
	[bflag:$0x3] =	sbarrier.arrive $0xFFFF;
	s2 =	simm.s32 @!p0 $0x1C03  }
0xc8: {  	[timem:s3], [sflag:s2] =	dma.local @!p0 [hbm:s0], s1  }
0xc9: {  	s0 =	simm.s32 @!p0 $0x3  }
0xca: {  	_ =	swait.ge @!p0 [sflag:s0], s1  }
0xcb: {  	s1 =	ssub.s32 @!p0 $0x0, s1;
	[sflag:s0] =	ssyncset.done @!p0 $0x0  }
0xcc: {  	[sflag:s0] =	ssyncadd.s32 @!p0 s1  }
0xcd: {  	[bflag:$0x3] =	sbarrier.arrive $0xFFFF  }
0xce: {  	_ =	shalt  }

// kernel: kernel.18.cloned.1.call-start
scs
__scs_entry_jumppad:
0x0: {  	(pc) =	sbr.rel $0x88, $3  }
0x1: {  	(tag) =	ssettag $0x0;
	lr =	simm.s32 $0x1  }
0x2: {  	[smem:$0x3F99] =	sst lr;
	_ =	strace $0xD0000000  }
0x3: {  	_ = 	snop  }
0x4: {  	_ = 	snop  }
0x5: {  	_ = 	snop  }
0x6: {  	_ = 	snop  }
0x7: {  	_ = 	snop  }
__scs_overlays_trampoline_lowered:
0x8: {  	[smem:$0x3FA8] =	sst s0  }
0x9: {  	[smem:$0x3FA9] =	sst s1  }
0xa: {  	[smem:$0x3FAA] =	sst s2  }
0xb: {  	[smem:$0x3FAB] =	sst s3  }
0xc: {  	[smem:$0x3FAC] =	sst s4  }
0xd: {  	[smem:$0x3FAD] =	sst s5  }
0xe: {  	[smem:$0x3FAE] =	sst s6  }
0xf: {  	[smem:$0x3FAF] =	sst s7  }
0x10: {  	[smem:$0x3FB0] =	sst s8  }
0x11: {  	[smem:$0x3FB1] =	sst s9;
	s0 =	simm.s32 @!p0 $0x0  }
0x12: {  	s1 =	sld [smem:$0x3F97];
	s0 =	simm.s32 @p0 $0x1  }
0x13: {  	[smem:$0x3FB2] =	sst s0;
	s0 =	simm.s32 @!p1 $0x0  }
0x14: {  	s2 =	sld [smem:$0x3F96];
	s0 =	simm.s32 @p1 $0x1  }
0x15: {  	[smem:$0x3FB3] =	sst s0;
	s0 =	simm.s32 @!p2 $0x0  }
0x16: {  	s3 =	sld [smem:$0x3FDB];
	s0 =	simm.s32 @p2 $0x1  }
0x17: {  	s4 =	simm.s32 $0x1BF5;
	[smem:$0x3FB5] =	sst s0  }
0x18: {  	s0 =	sld [smem:$0x3F98];
	_ =	swait.ge [sflag:s4], $0x0  }
0x19: {  	s7 =	sld [smem:$0x3F99]  }
0x1a: {  	s8 =	sadd.s32 $0xFFFFE003, lr  }
0x1b: {  	s9 =	sadd.s32 $0xFFFFFEF7, lr;
	s5 =	simm.s32 $0xFFFFFFFF;
	p2 =	slt.u32 s8, $0xFFFFF086  }
0x1c: {  	p1 =	slt.u32 s9, $0xF7A;
	s5 =	simm.s32 @!p2 $0x0  }
0x1d: {  	s5 =	simm.s32 @p1 $0x1;
	p0 =	seq.s32 s7, s2  }
0x1e: {  	s7 =	smul.u32 @!p0 $0xF7A, s2;
	p2 =	seq.s32 @!p0 s5, $0x0  }
0x1f: {  	s9 =	smul.u32 $0xF7A, s1;
	s8 =	simm.s32 @!p0 $0x1BF5;
	p2 =	por !p2, p0  }
0x20: {  	[sflag:s8] =	ssyncset.s32 @!p0 $0xFFFFF086;
	s6 =	sadd.s32 @!p0 s3, s7;
	s7 =	simm.s32 @!p0 $0x108  }
0x21: {  	s3 =	sadd.s32 s3, s9;
	s6 =	sadd.s32 @!p0 $0x88, s6;
	s7 =	simm.s32 @p2 $0x1082  }
0x22: {  	[simem:s7], [sflag:s8] =	dma.local @!p0 [hbm:s6], $0xF7A  }
0x23: {  	s9 =	sor.u32 $0xD0000000, s2;
	s6 =	simm.s32 $0x108;
	_ =	swait.ge @!p0 [sflag:s8], $0x0  }
0x24: {  	s3 =	sadd.s32 $0x88, s3;
	s6 =	simm.s32 @!p1 $0x1082;
	[sflag:s4] =	ssyncset.s32 $0xFFFFF086  }
0x25: {  	[simem:s6], [sflag:s4] =	dma.local [hbm:s3], $0xF7A  }
0x26: {  	[smem:$0x3F99] =	sst s1;
	(tag) =	ssettag s2;
	_ =	strace s9  }
0x27: {  	s1 =	sld [smem:$0x3FA9]  }
0x28: {  	s2 =	sld [smem:$0x3FAA]  }
0x29: {  	s4 =	sld [smem:$0x3FAC]  }
0x2a: {  	p0 =	seq.s32 s5, $0x0;
	s5 =	sld [smem:$0x3FAD]  }
0x2b: {  	s6 =	sld [smem:$0x3FAE]  }
0x2c: {  	s7 =	sld [smem:$0x3FAF]  }
0x2d: {  	s3 =	simm.s32 $0x108;
	s8 =	sld [smem:$0x3FB0]  }
0x2e: {  	s3 =	simm.s32 @!p0 $0x1082;
	s9 =	sld [smem:$0x3FB1]  }
0x2f: {  	lr =	sadd.s32 s0, s3;
	s0 =	sld [smem:$0x3FA8]  }
0x30: {  	s3 =	sld [smem:$0x3FAB]  }
0x31: {  	[smem:$0x3FB4] =	sst s10  }
0x32: {  	s10 =	sld [smem:$0x3FB2];
	_ =	sdelay $0x3  }
0x33: {  	p0 =	seq.s32 s10, $0x1;
	s10 =	sld [smem:$0x3FB4];
	_ =	sdelay $0x3  }
0x34: {  	[smem:$0x3FB4] =	sst s10  }
0x35: {  	s10 =	sld [smem:$0x3FB3];
	_ =	sdelay $0x3  }
0x36: {  	p1 =	seq.s32 s10, $0x1;
	s10 =	sld [smem:$0x3FB4];
	_ =	sdelay $0x3  }
0x37: {  	[smem:$0x3FB4] =	sst s10  }
0x38: {  	s10 =	sld [smem:$0x3FB5]  }
0x39: {  	_ = 	snop;
	(pc) =	sbr.ind lr, $3  }
0x3a: {  	_ = 	snop  }
0x3b: {  	_ = 	snop  }
0x3c: {  	p2 =	seq.s32 s10, $0x1;
	s10 =	sld [smem:$0x3FB4]  }
0x3d: {  	_ =	shalt  }
0x3e: {  	_ =	shalt  }
0x3f: {  	_ =	shalt  }
0x40: {  	_ =	shalt  }
0x41: {  	_ =	shalt  }
0x42: {  	_ =	shalt  }
0x43: {  	_ =	shalt  }
0x44: {  	_ =	shalt  }
0x45: {  	_ =	shalt  }
0x46: {  	_ =	shalt  }
0x47: {  	_ =	shalt  }
0x48: {  	_ =	shalt  }
0x49: {  	_ =	shalt  }
0x4a: {  	_ =	shalt  }
0x4b: {  	_ =	shalt  }
0x4c: {  	_ =	shalt  }
0x4d: {  	_ =	shalt  }
0x4e: {  	_ =	shalt  }
0x4f: {  	_ =	shalt  }
0x50: {  	_ =	shalt  }
0x51: {  	_ =	shalt  }
0x52: {  	_ =	shalt  }
0x53: {  	_ =	shalt  }
0x54: {  	_ =	shalt  }
0x55: {  	_ =	shalt  }
0x56: {  	_ =	shalt  }
0x57: {  	_ =	shalt  }
0x58: {  	_ =	shalt  }
0x59: {  	_ =	shalt  }
0x5a: {  	_ =	shalt  }
0x5b: {  	_ =	shalt  }
0x5c: {  	_ =	shalt  }
0x5d: {  	_ =	shalt  }
0x5e: {  	_ =	shalt  }
0x5f: {  	_ =	shalt  }
0x60: {  	_ =	shalt  }
0x61: {  	_ =	shalt  }
0x62: {  	_ =	shalt  }
0x63: {  	_ =	shalt  }
0x64: {  	_ =	shalt  }
0x65: {  	_ =	shalt  }
0x66: {  	_ =	shalt  }
0x67: {  	_ =	shalt  }
0x68: {  	_ =	shalt  }
0x69: {  	_ =	shalt  }
0x6a: {  	_ =	shalt  }
0x6b: {  	_ =	shalt  }
0x6c: {  	_ =	shalt  }
0x6d: {  	_ =	shalt  }
0x6e: {  	_ =	shalt  }
0x6f: {  	_ =	shalt  }
0x70: {  	_ =	shalt  }
0x71: {  	_ =	shalt  }
0x72: {  	_ =	shalt  }
0x73: {  	_ =	shalt  }
0x74: {  	_ =	shalt  }
0x75: {  	_ =	shalt  }
0x76: {  	_ =	shalt  }
0x77: {  	_ =	shalt  }
0x78: {  	_ =	shalt  }
0x79: {  	_ =	shalt  }
0x7a: {  	_ =	shalt  }
0x7b: {  	_ =	shalt  }
0x7c: {  	_ =	shalt  }
0x7d: {  	_ =	shalt  }
0x7e: {  	_ =	shalt  }
0x7f: {  	_ =	shalt  }
0x80: {  	_ =	shalt  }
0x81: {  	_ =	shalt  }
0x82: {  	_ =	shalt  }
0x83: {  	_ =	shalt  }
0x84: {  	_ =	shalt  }
0x85: {  	_ =	shalt  }
0x86: {  	_ =	shalt  }
0x87: {  	_ =	shalt  }
.Lfunc_end0:
.L_simem_size_0:
called_computation.3_lowered:
.L_overlay_start_0:
0x88: {  	s2 =	sld [smem:$0x3FD9]  }
0x89: {  	s3 =	sld [smem:$0x3FFE];
	_ =	sdelay $0x1  }
0x8a: {  	s1 =	srdreg.scid  }
0x8b: {  	s0 =	sand.u32 $0x1, s1  }
0x8c: {  	s17 =	sshll.u32 s0, $0xA;
	s2 =	sadd.s32 s3, s2  }
0x8d: {  	s2 =	sadd.s32 s2, s17  }
0x8e: {  	[smem:$0x3FC0] =	sst s2  }
0x8f: {  	_ = 	snop  }
0x90: {  	(tm) =	ssettm $0x1  }
0x91: {  	s18 =	sld [smem:$0x3FFB];
	_ =	sdelay $0x3  }
0x92: {  	_ =	strace s18  }
0x93: {  	s2 =	sld [smem:$0x3FFC];
	_ =	sdelay $0x3  }
0x94: {  	_ =	strace s2  }
0x95: {  	s2 =	sld [smem:$0x3FFD];
	_ =	sdelay $0x3  }
0x96: {  	_ =	strace s2  }
0x97: {  	_ =	strace $0x8FFFFFFF  }
0x98: {  	s19 =	sld [smem:$0x3FDB];
	_ =	sdelay $0x1  }
0x99: {  	s20 =	simm.s32 $_scs_section_size  }
0x9a: {  	s4 =	simm.s32 $_size__tile_overlayer_lowered;
	s5 =	simm.s32 $_tile_overlayer_lowered  }
0x9b: {  	s6 =	simm.s32 $0x1BFF;
	s21 =	sshll.u32 s5, $0x1;
	s3 =	sadd.s32 s20, s19  }
0x9c: {  	s22 =	simm.s32 $0x0;
	s4 =	sshll.u32 s4, $0x1;
	s5 =	sadd.s32 s21, s3  }
0x9d: {  	[timem:s22], [sflag:s6] =	dma.local [hbm:s5], s4  }
0x9e: {  	_ =	swait.ge [sflag:s6], s4  }
0x9f: {  	s4 =	ssub.s32 $0x0, s4;
	[sflag:s6] =	ssyncset.done $0x0  }
0xa0: {  	[sflag:s6] =	ssyncadd.s32 s4;
	_ =	sdelay $0x1  }
0xa1: {  	s23 =	simm.s32 $0x1B8B  }
0xa2: {  	_ =	swait.ge [sflag:s23], $0x1  }
0xa3: {  	[sflag:s23] =	ssyncset.done $0x0  }
0xa4: {  	[sflag:s23] =	ssyncadd.s32 $0xFFFFFFFF  }
0xa5: {  	s4 =	sld [smem:$0x0]  }
0xa6: {  	s5 =	sand.u32 $0xFFFFFFFE, s1  }
0xa7: {  	p0 =	sne.s32 s1, s5  }
0xa8: {  	s5 =	sshll.u32 @p0 s5, $0xE  }
0xa9: {  	s5 =	sadd.s32 @p0 $0x11B8D, s5;
	s6 =	sshll.u32 @p0 s4, $0x11  }
0xaa: {  	s5 =	sor.u32 @p0 s6, s5  }
0xab: {  	[sflag:s5] =	ssyncadd.remote.s32 @p0 $0x1;
	_ =	sdelay $0x1  }
0xac: {  	s5 =	simm.s32 @p0 $0x1B8D  }
0xad: {  	_ =	swait.eq @p0 [sflag:s5], $0x1  }
0xae: {  	[sflag:s5] =	ssyncadd.s32 @p0 $0xFFFFFFFF  }
0xaf: {  	s6 =	sshll.u32 @!p0 s1, $0xE  }
0xb0: {  	s6 =	sor.u32 @!p0 $0x4000, s6;
	s5 =	simm.s32 @!p0 $0x1B8D  }
0xb1: {  	s4 =	sshll.u32 @!p0 s4, $0x11;
	s6 =	sadd.s32 @!p0 $0x11B8D, s6;
	_ =	swait.eq @!p0 [sflag:s5], $0x1  }
0xb2: {  	s4 =	sor.u32 @!p0 s4, s6;
	[sflag:s5] =	ssyncadd.s32 @!p0 $0xFFFFFFFF  }
0xb3: {  	s25 =	simm.s32 $0x1B8E;
	s24 =	sld [smem:$0x3FFE];
	[sflag:s4] =	ssyncadd.remote.s32 @!p0 $0x1  }
0xb4: {  	s26 =	simm.s32 $execute0_lowered;
	[smem:$0x3FD2] =	sst s25  }
0xb5: {  	s5 =	sshll.u32 s26, $0x1;
	_ =	strace $0x8000004F;
	[dreg:$0x1] =	wrdreg $0xFFFFFFFF  }
0xb6: {  	s28 =	simm.s32 $_size_execute0_lowered;
	s3 =	sadd.s32 s3, s5;
	[dreg:$0x0] =	wrdreg $0x0  }
0xb7: {  	s5 =	sshll.u32 s28, $0x1;
	[dreg:$0x2] =	wrdreg s3  }
0xb8: {  	[dreg:$0x3] =	wrdreg s5  }
0xb9: {  	[dreg:$0x4] =	wrdreg $0xC0  }
0xba: {  	_ =	task [dreg:s22], $0x5FFFF  }
0xbb: {  	[dreg:$0x1] =	wrdreg $0xFFFFFFFF  }
0xbc: {  	[dreg:$0x0] =	wrdreg $0x60  }
0xbd: {  	[dreg:$0x2] =	wrdreg s24  }
0xbe: {  	[dreg:$0x3] =	wrdreg $0xB2200  }
0xbf: {  	[dreg:$0x4] =	wrdreg $0xA  }
0xc0: {  	_ =	task.clear_ibuf [dreg:s22], $0x5FFFF;
	_ =	strace $0x9000004F  }
0xc1: {  	s29 =	simm.s32 $0xA;
	_ =	strace $0x80000051  }
0xc2: {  	_ =	swait.ge [sflag:s29], $0x1  }
0xc3: {  	[sflag:s29] =	ssyncadd.s32 $0xFFFFFFFF  }
0xc4: {  	_ =	strace $0x90000051  }
0xc5: {  	_ =	sfence  }
0xc6: {  	s30 =	sld [smem:$0x0];
	_ =	sdelay $0x2  }
0xc7: {  	s31 =	sshll.u32 s1, $0xD;
	s1 =	sshrl.u32 s1, $0x2  }
0xc8: {  	s4 =	sand.u32 $0x4000, s31;
	s1 =	sadd.s32 s1, s30  }
0xc9: {  	s0 =	sor.u32 s4, s0;
	s1 =	sshll.u32 s1, $0x11  }
0xca: {  	s0 =	sor.u32 s1, s0  }
0xcb: {  	s0 =	sadd.s32 $0x8F2B, s0  }
0xcc: {  	[sflag:s0] =	ssyncadd.remote.s32 $0x1  }
0xcd: {  	_ =	sfence.sel $0xFFFF  }
0xce: {  	[dreg:$0x0] =	wrdreg $0xFFFFFFFF;
	(pc) =	sbr.abs _section_cstart, $3  }
0xcf: {  	[dreg:$0x1] =	wrdreg $0xFFFFFFFF  }
0xd0: {  	_ =	task.clear_ibuf [dreg:s22], $0x2FFFF;
	_ =	strace $0x9FFFFFFF  }
0xd1: {  	(tm) =	ssettm $0x7FFFFFFF  }
tec
execute0_lowered:
.L_overlay_start_1:
0x0: {  	(tag) =	ssettag $0x1  }
0x1: {  	s6 =	rddreg [dreg:$0x0]  }
0x2: {  	s1 =	rddreg [dreg:$0x1]  }
0x3: {  	s0 =	rddreg [dreg:$0x2];
	s2 =	simm.s32 $0x0;
	s8 =	stileid.u32  }
0x4: {  	s4 =	srdreg.scid;
	s19 =	simm.s32 $0x9E20;
	s20 =	simm.s32 $0x1  }
0x5: {  	s21 =	simm.s32 $0x2;
	s23 =	simm.s32 $0x0;
	[smem:$0x7FF] =	sst s2  }
0x6: {  	s12 =	smul.u32 $0x9C4, s8;
	s3 =	sadd.s32 $0x17200, s6;
	s7 =	sand.u32 $0x1, s4  }
0x7: {  	s4 =	sadd.s32 $0x3E400, s6;
	s13 =	smul.u32 $0x9C00, s8;
	s30 =	sshll.u32 s8, $0x6  }
0x8: {  	s15 =	sadd.s32 $0x9C000, s1;
	s18 =	sadd.s32 $0xCE40, s6;
	p0 =	sne.s32 s8, $0x0  }
0x9: {  	_ =	strace $0x80000050;
	s5 =	smul.u32 $0x13880, s7;
	s10 =	ssub.s32 $0x2, s7  }
0xa: {  	s17 =	smul.u32 $0x4E2, s7;
	s9 =	sadd.s32 s12, s6;
	s11 =	sshrl.u32 s10, $0x1  }
0xb: {  	s31 =	sadd.s32 s13, s1;
	s22 =	sshrl.u32 s13, $0x3;
	s12 =	sadd.s32 s12, s18  }
0xc: {  	s13 =	simm.s32 $0x2710;
	s18 =	simm.s32 $0x8A20;
	s14 =	sadd.s32 s5, s6  }
0xd: {  	s10 =	ssub.s32 s10, s11;
	s5 =	sor.u32 $0x1C03, s30;
	s16 =	sadd.s32 $0x3200, s9  }
0xe: {  	s8 =	sshrl.u32 s31, $0x3;
	s9 =	simm.s32 $0x3;
	s12 =	sadd.s32 s17, s12  }
0xf: {  	s6 =	sadd.s32 $0x3F800, s14;
	s7 =	smax.u32 s10, $0x1;
	s10 =	sshrl.u32 @!p0 s15, $0x3  }
0x10: {  	s11 =	sadd.s32 s17, s16;
	s14 =	simm.s32 $0x50;
	s15 =	simm.s32 $0x4E20  }
0x11: {  	s16 =	simm.s32 $0x6220;
	s17 =	simm.s32 $0x7620;
	s22 =	sadd.s32 s22, s6  }
.LBB2_1:
0x12: {  	[spmem:s8], [sflag:s5] =	dma.local [hbm:s4], $0x1380  }
0x13: {  	_ =	swait.ge [sflag:s9], $0x1380  }
0x14: {  	[sflag:s9] =	ssyncset.done $0x0  }
0x15: {  	s24 =	simm.s32 @!p0 $0x3;
	[sflag:s9] =	ssyncadd.s32 $0xFFFFEC80  }
0x16: {  	[spmem:s10], [sflag:s5] =	dma.local @!p0 [hbm:s4], $0x80  }
0x17: {  	_ =	swait.ge @!p0 [sflag:s24], $0x80  }
0x18: {  	[sflag:s24] =	ssyncset.done @!p0 $0x0  }
0x19: {  	[sflag:s24] =	ssyncadd.s32 @!p0 $0xFFFFFF80  }
0x1a: {  	[tilespmem:s2], [sflag:$0x3] =	stream.linear.gather [hbm4b:s11+s2], $0x2710, $0x38;
	[tilespmem:$0x14E60] =	vst v63  }
0x1b: {  	_ =	swait.ge [sflag:s9], $0x2710  }
0x1c: {  	[sflag:s9] =	ssyncset.done $0x0  }
0x1d: {  	[sflag:s9] =	ssyncadd.s32 $0xFFFFD8F0  }
0x1e: {  	[tilespmem:s13], [sflag:$0x3] =	stream.linear.gather [hbm4b:s12+s2], $0x2710, $0x38;
	[tilespmem:$0x14E60] =	vst v63  }
0x1f: {  	_ =	swait.ge [sflag:s9], $0x2710  }
0x20: {  	[sflag:s9] =	ssyncset.done $0x0  }
0x21: {  	[sflag:s9] =	ssyncadd.s32 $0xFFFFD8F0  }
0x22: {  	s25 =	simm.s32 $0x0;
	[bflag:$0x0] =	sbarrier.arrive $0xFFFF  }
0x23: {  	[tilespmem:s15], [sflag:$0x1] =	stream.indirect.gather [hbm4b:s3+s14], $0x40, s25, s14, $0xb8;
	[tilespmem:$0x14E60] =	vst v63  }
0x24: {  	s26 =	simm.s32 $0x50  }
0x25: {  	[tilespmem:s16], [sflag:$0x1] =	stream.indirect.gather [hbm4b:s3+s14], $0x40, s26, s14, $0xb8;
	[tilespmem:$0x14E60] =	vst v63  }
0x26: {  	s29 =	simm.s32 $0xA0  }
0x27: {  	[tilespmem:s17], [sflag:$0x1] =	stream.indirect.gather [hbm4b:s3+s14], $0x40, s29, s14, $0xb8;
	[tilespmem:$0x14E60] =	vst v63  }
0x28: {  	s30 =	simm.s32 $0xF0  }
0x29: {  	[tilespmem:s18], [sflag:$0x1] =	stream.indirect.gather [hbm4b:s3+s14], $0x40, s30, s14, $0xb8;
	[tilespmem:$0x14E60] =	vst v63  }
0x2a: {  	s31 =	simm.s32 $0x140  }
0x2b: {  	[tilespmem:s19], [sflag:$0x1] =	stream.indirect.gather [hbm4b:s3+s14], $0x40, s31, s14, $0xb8;
	[tilespmem:$0x14E60] =	vst v63  }
0x2c: {  	_ =	swait.ge [sflag:s20], $0x1400  }
0x2d: {  	[sflag:s20] =	ssyncset.done $0x0  }
0x2e: {  	[sflag:s20] =	ssyncadd.s32 $0xFFFFEC00  }
0x2f: {  	_ =	swait.ge [sflag:s20], $0x1400  }
0x30: {  	[sflag:s20] =	ssyncset.done $0x0  }
0x31: {  	[sflag:s20] =	ssyncadd.s32 $0xFFFFEC00  }
0x32: {  	_ =	swait.ge [sflag:s20], $0x1400  }
0x33: {  	[sflag:s20] =	ssyncset.done $0x0  }
0x34: {  	[sflag:s20] =	ssyncadd.s32 $0xFFFFEC00  }
0x35: {  	_ =	swait.ge [sflag:s20], $0x1400  }
0x36: {  	[sflag:s20] =	ssyncset.done $0x0  }
0x37: {  	[sflag:s20] =	ssyncadd.s32 $0xFFFFEC00  }
0x38: {  	_ =	swait.ge [sflag:s20], $0x1400  }
0x39: {  	[sflag:s20] =	ssyncset.done $0x0  }
0x3a: {  	s25 =	simm.s32 $0x2710;
	[sflag:s20] =	ssyncadd.s32 $0xFFFFEC00  }
0x3b: {  	[spmem:s1] =	stream.indirect.scatter.add.f32 [tilespmem:s15], [sflag:$0x2], $0x40, s25, s14, $0xb8;
	[tilespmem:$0x14E60] =	vst v63  }
0x3c: {  	s26 =	simm.s32 $0x2760  }
0x3d: {  	[spmem:s1] =	stream.indirect.scatter.add.f32 [tilespmem:s16], [sflag:$0x2], $0x40, s26, s14, $0xb8;
	[tilespmem:$0x14E60] =	vst v63  }
0x3e: {  	s29 =	simm.s32 $0x27B0  }
0x3f: {  	[spmem:s1] =	stream.indirect.scatter.add.f32 [tilespmem:s17], [sflag:$0x2], $0x40, s29, s14, $0xb8;
	[tilespmem:$0x14E60] =	vst v63  }
0x40: {  	s30 =	simm.s32 $0x2800  }
0x41: {  	[spmem:s1] =	stream.indirect.scatter.add.f32 [tilespmem:s18], [sflag:$0x2], $0x40, s30, s14, $0xb8;
	[tilespmem:$0x14E60] =	vst v63  }
0x42: {  	s31 =	simm.s32 $0x2850  }
0x43: {  	[spmem:s1] =	stream.indirect.scatter.add.f32 [tilespmem:s19], [sflag:$0x2], $0x40, s31, s14, $0xb8;
	[tilespmem:$0x14E60] =	vst v63  }
0x44: {  	_ =	swait.ge [sflag:s21], $0x1400  }
0x45: {  	[sflag:s21] =	ssyncset.done $0x0  }
0x46: {  	[sflag:s21] =	ssyncadd.s32 $0xFFFFEC00  }
0x47: {  	_ =	swait.ge [sflag:s21], $0x1400  }
0x48: {  	[sflag:s21] =	ssyncset.done $0x0  }
0x49: {  	[sflag:s21] =	ssyncadd.s32 $0xFFFFEC00  }
0x4a: {  	_ =	swait.ge [sflag:s21], $0x1400  }
0x4b: {  	[sflag:s21] =	ssyncset.done $0x0  }
0x4c: {  	[sflag:s21] =	ssyncadd.s32 $0xFFFFEC00  }
0x4d: {  	_ =	swait.ge [sflag:s21], $0x1400  }
0x4e: {  	[sflag:s21] =	ssyncset.done $0x0  }
0x4f: {  	[sflag:s21] =	ssyncadd.s32 $0xFFFFEC00  }
0x50: {  	_ =	swait.ge [sflag:s21], $0x1400  }
0x51: {  	s28 =	simm.s32 $0xC80;
	s24 =	simm.s32 $0x640;
	[sflag:s21] =	ssyncset.done $0x0  }
.LBB2_2:
0x52: {  	s26 =	sshra.s32 s24, $0x2  }
0x53: {  	[sflag:s21] =	ssyncadd.s32 $0xFFFFEC00;
	s24 =	smov.u32 s28;
	s25 =	sadd.s32 $0x640, s28  }
0x54: {  	[tilespmem:s15], [sflag:$0x1] =	stream.indirect.gather [hbm4b:s3+s14], $0x40, s26, s14, $0xb8;
	[tilespmem:$0x14E60] =	vst v63  }
0x55: {  	p1 =	sne.s32 s28, $0x9600;
	s28 =	sadd.s32 $0x50, s26  }
0x56: {  	[tilespmem:s16], [sflag:$0x1] =	stream.indirect.gather [hbm4b:s3+s14], $0x40, s28, s14, $0xb8;
	[tilespmem:$0x14E60] =	vst v63  }
0x57: {  	s28 =	sadd.s32 $0xA0, s26  }
0x58: {  	[tilespmem:s17], [sflag:$0x1] =	stream.indirect.gather [hbm4b:s3+s14], $0x40, s28, s14, $0xb8;
	[tilespmem:$0x14E60] =	vst v63  }
0x59: {  	s28 =	sadd.s32 $0xF0, s26  }
0x5a: {  	[tilespmem:s18], [sflag:$0x1] =	stream.indirect.gather [hbm4b:s3+s14], $0x40, s28, s14, $0xb8;
	[tilespmem:$0x14E60] =	vst v63  }
0x5b: {  	s28 =	sadd.s32 $0x140, s26  }
0x5c: {  	[tilespmem:s19], [sflag:$0x1] =	stream.indirect.gather [hbm4b:s3+s14], $0x40, s28, s14, $0xb8;
	[tilespmem:$0x14E60] =	vst v63  }
0x5d: {  	_ =	swait.ge [sflag:s20], $0x1400  }
0x5e: {  	[sflag:s20] =	ssyncset.done $0x0  }
0x5f: {  	[sflag:s20] =	ssyncadd.s32 $0xFFFFEC00  }
0x60: {  	_ =	swait.ge [sflag:s20], $0x1400  }
0x61: {  	[sflag:s20] =	ssyncset.done $0x0  }
0x62: {  	[sflag:s20] =	ssyncadd.s32 $0xFFFFEC00  }
0x63: {  	_ =	swait.ge [sflag:s20], $0x1400  }
0x64: {  	[sflag:s20] =	ssyncset.done $0x0  }
0x65: {  	[sflag:s20] =	ssyncadd.s32 $0xFFFFEC00  }
0x66: {  	_ =	swait.ge [sflag:s20], $0x1400  }
0x67: {  	[sflag:s20] =	ssyncset.done $0x0  }
0x68: {  	[sflag:s20] =	ssyncadd.s32 $0xFFFFEC00  }
0x69: {  	_ =	swait.ge [sflag:s20], $0x1400  }
0x6a: {  	[sflag:s20] =	ssyncset.done $0x0  }
0x6b: {  	s28 =	sadd.s32 $0x2710, s26;
	[sflag:s20] =	ssyncadd.s32 $0xFFFFEC00  }
0x6c: {  	[spmem:s1] =	stream.indirect.scatter.add.f32 [tilespmem:s15], [sflag:$0x2], $0x40, s28, s14, $0xb8;
	[tilespmem:$0x14E60] =	vst v63  }
0x6d: {  	s28 =	sadd.s32 $0x2760, s26  }
0x6e: {  	[spmem:s1] =	stream.indirect.scatter.add.f32 [tilespmem:s16], [sflag:$0x2], $0x40, s28, s14, $0xb8;
	[tilespmem:$0x14E60] =	vst v63  }
0x6f: {  	s28 =	sadd.s32 $0x27B0, s26  }
0x70: {  	[spmem:s1] =	stream.indirect.scatter.add.f32 [tilespmem:s17], [sflag:$0x2], $0x40, s28, s14, $0xb8;
	[tilespmem:$0x14E60] =	vst v63  }
0x71: {  	s28 =	sadd.s32 $0x2800, s26  }
0x72: {  	[spmem:s1] =	stream.indirect.scatter.add.f32 [tilespmem:s18], [sflag:$0x2], $0x40, s28, s14, $0xb8;
	[tilespmem:$0x14E60] =	vst v63  }
0x73: {  	s26 =	sadd.s32 $0x2850, s26  }
0x74: {  	[spmem:s1] =	stream.indirect.scatter.add.f32 [tilespmem:s19], [sflag:$0x2], $0x40, s26, s14, $0xb8;
	[tilespmem:$0x14E60] =	vst v63  }
0x75: {  	_ =	swait.ge [sflag:s21], $0x1400  }
0x76: {  	[sflag:s21] =	ssyncset.done $0x0  }
0x77: {  	[sflag:s21] =	ssyncadd.s32 $0xFFFFEC00  }
0x78: {  	_ =	swait.ge [sflag:s21], $0x1400  }
0x79: {  	[sflag:s21] =	ssyncset.done $0x0  }
0x7a: {  	[sflag:s21] =	ssyncadd.s32 $0xFFFFEC00  }
0x7b: {  	_ =	swait.ge [sflag:s21], $0x1400  }
0x7c: {  	[sflag:s21] =	ssyncset.done $0x0  }
0x7d: {  	[sflag:s21] =	ssyncadd.s32 $0xFFFFEC00  }
.Ltmp0:
0x7e: {  	_ =	swait.ge [sflag:s21], $0x1400;
	(pc) =	sbr.rel @p1 .LBB2_2-.Ltmp0, $4  }
0x7f: {  	[sflag:s21] =	ssyncset.done $0x0  }
0x80: {  	[sflag:s21] =	ssyncadd.s32 $0xFFFFEC00  }
0x81: {  	_ =	swait.ge [sflag:s21], $0x1400  }
0x82: {  	s28 =	smov.u32 s25;
	[sflag:s21] =	ssyncset.done $0x0  }
0x83: {  	s24 =	sshra.s32 s24, $0x2;
	[sflag:s21] =	ssyncadd.s32 $0xFFFFEC00  }
0x84: {  	[tilespmem:s15], [sflag:$0x1] =	stream.indirect.gather [hbm4b:s3+s14], $0x40, s24, s14, $0xb8;
	[tilespmem:$0x14E60] =	vst v63  }
0x85: {  	s25 =	sadd.s32 $0x50, s24  }
0x86: {  	[tilespmem:s16], [sflag:$0x1] =	stream.indirect.gather [hbm4b:s3+s14], $0x40, s25, s14, $0xb8;
	[tilespmem:$0x14E60] =	vst v63  }
0x87: {  	s30 =	sadd.s32 $0xA0, s24  }
0x88: {  	[tilespmem:s17], [sflag:$0x1] =	stream.indirect.gather [hbm4b:s3+s14], $0x40, s30, s14, $0xb8;
	[tilespmem:$0x14E60] =	vst v63  }
0x89: {  	s31 =	sadd.s32 $0xF0, s24  }
0x8a: {  	[tilespmem:s18], [sflag:$0x1] =	stream.indirect.gather [hbm4b:s3+s14], $0x40, s31, s14, $0xb8;
	[tilespmem:$0x14E60] =	vst v63  }
0x8b: {  	s26 =	sadd.s32 $0x140, s24  }
0x8c: {  	[tilespmem:s19], [sflag:$0x1] =	stream.indirect.gather [hbm4b:s3+s14], $0x40, s26, s14, $0xb8;
	[tilespmem:$0x14E60] =	vst v63  }
0x8d: {  	_ =	swait.ge [sflag:s20], $0x1400  }
0x8e: {  	[sflag:s20] =	ssyncset.done $0x0  }
0x8f: {  	[sflag:s20] =	ssyncadd.s32 $0xFFFFEC00  }
0x90: {  	_ =	swait.ge [sflag:s20], $0x1400  }
0x91: {  	[sflag:s20] =	ssyncset.done $0x0  }
0x92: {  	[sflag:s20] =	ssyncadd.s32 $0xFFFFEC00  }
0x93: {  	_ =	swait.ge [sflag:s20], $0x1400  }
0x94: {  	[sflag:s20] =	ssyncset.done $0x0  }
0x95: {  	[sflag:s20] =	ssyncadd.s32 $0xFFFFEC00  }
0x96: {  	_ =	swait.ge [sflag:s20], $0x1400  }
0x97: {  	[sflag:s20] =	ssyncset.done $0x0  }
0x98: {  	[sflag:s20] =	ssyncadd.s32 $0xFFFFEC00  }
0x99: {  	_ =	swait.ge [sflag:s20], $0x1400  }
0x9a: {  	[sflag:s20] =	ssyncset.done $0x0  }
0x9b: {  	s28 =	sadd.s32 $0x2710, s24;
	[sflag:s20] =	ssyncadd.s32 $0xFFFFEC00  }
0x9c: {  	[spmem:s1] =	stream.indirect.scatter.add.f32 [tilespmem:s15], [sflag:$0x2], $0x40, s28, s14, $0xb8;
	[tilespmem:$0x14E60] =	vst v63  }
0x9d: {  	s29 =	sadd.s32 $0x2760, s24  }
0x9e: {  	[spmem:s1] =	stream.indirect.scatter.add.f32 [tilespmem:s16], [sflag:$0x2], $0x40, s29, s14, $0xb8;
	[tilespmem:$0x14E60] =	vst v63  }
0x9f: {  	s30 =	sadd.s32 $0x27B0, s24  }
0xa0: {  	[spmem:s1] =	stream.indirect.scatter.add.f32 [tilespmem:s17], [sflag:$0x2], $0x40, s30, s14, $0xb8;
	[tilespmem:$0x14E60] =	vst v63  }
0xa1: {  	s31 =	sadd.s32 $0x2800, s24  }
0xa2: {  	[spmem:s1] =	stream.indirect.scatter.add.f32 [tilespmem:s18], [sflag:$0x2], $0x40, s31, s14, $0xb8;
	[tilespmem:$0x14E60] =	vst v63  }
0xa3: {  	s24 =	sadd.s32 $0x2850, s24  }
0xa4: {  	[spmem:s1] =	stream.indirect.scatter.add.f32 [tilespmem:s19], [sflag:$0x2], $0x40, s24, s14, $0xb8;
	[tilespmem:$0x14E60] =	vst v63  }
0xa5: {  	_ =	swait.ge [sflag:s21], $0x1400  }
0xa6: {  	[sflag:s21] =	ssyncset.done $0x0  }
0xa7: {  	[sflag:s21] =	ssyncadd.s32 $0xFFFFEC00  }
0xa8: {  	_ =	swait.ge [sflag:s21], $0x1400  }
0xa9: {  	[sflag:s21] =	ssyncset.done $0x0  }
0xaa: {  	[sflag:s21] =	ssyncadd.s32 $0xFFFFEC00  }
0xab: {  	_ =	swait.ge [sflag:s21], $0x1400  }
0xac: {  	[sflag:s21] =	ssyncset.done $0x0  }
0xad: {  	[sflag:s21] =	ssyncadd.s32 $0xFFFFEC00  }
0xae: {  	_ =	swait.ge [sflag:s21], $0x1400  }
0xaf: {  	[sflag:s21] =	ssyncset.done $0x0  }
0xb0: {  	[sflag:s21] =	ssyncadd.s32 $0xFFFFEC00  }
0xb1: {  	_ =	swait.ge [sflag:s21], $0x1400  }
0xb2: {  	[sflag:s21] =	ssyncset.done $0x0  }
0xb3: {  	[sflag:s21] =	ssyncadd.s32 $0xFFFFEC00  }
0xb4: {  	[bflag:$0x0] =	sbarrier.arrive $0xFFFF  }
0xb5: {  	[hbm:s22], [sflag:s5] =	dma.local [spmem:s8], $0x1380  }
0xb6: {  	_ =	swait.ge [sflag:s9], $0x1380  }
0xb7: {  	s23 =	sadd.s32 $0x1, s23;
	[sflag:s9] =	ssyncset.done $0x0  }
0xb8: {  	p1 =	sne.s32 s23, s7;
	s24 =	sadd.s32 @!p0 $0x13800, s6;
	[sflag:s9] =	ssyncadd.s32 $0xFFFFEC80  }
0xb9: {  	[hbm:s24], [sflag:s5] =	dma.local @!p0 [spmem:s10], $0x80  }
.Ltmp1:
0xba: {  	_ = 	snop;
	(pc) =	sbr.rel @p1 .LBB2_1-.Ltmp1, $4  }
0xbb: {  	s24 =	simm.s32 @!p0 $0x3  }
0xbc: {  	_ =	swait.ge @!p0 [sflag:s24], $0x80  }
0xbd: {  	[sflag:s24] =	ssyncset.done @!p0 $0x0  }
0xbe: {  	[sflag:s24] =	ssyncadd.s32 @!p0 $0xFFFFFF80  }
0xbf: {  	_ =	sfence.sel $0x180000  }
0xc0: {  	[bflag:$0x0] =	sbarrier.arrive $0xFFFF  }
0xc1: {  	_ =	strace $0x90000050  }
0xc2: {  	s0 =	sadd.s32 @!p0 $0x100000, s0;
	[bflag:$0x2] =	sbarrier.arrive $0xFFFF  }
0xc3: {  	[sflag:s0] =	ssyncadd.tile.s32 @!p0 $0x1;
	_ =	shalt  }
.Lfunc_end2:
_tile_overlayer_lowered:
.L_overlay_start_2:
0xc4: {  	(tag) =	ssettag $0x2  }
0xc5: {  	s0 =	rddreg [dreg:$0x0];
	s2 =	stileid.u32  }
0xc6: {  	s1 =	rddreg [dreg:$0x1];
	p0 =	sne.s32 s2, $0x0  }
0xc7: {  	s3 =	rddreg [dreg:$0x2];
	[bflag:$0x3] =	sbarrier.arrive $0xFFFF;
	s2 =	simm.s32 @!p0 $0x1C03  }
0xc8: {  	[timem:s3], [sflag:s2] =	dma.local @!p0 [hbm:s0], s1  }
0xc9: {  	s0 =	simm.s32 @!p0 $0x3  }
0xca: {  	_ =	swait.ge @!p0 [sflag:s0], s1  }
0xcb: {  	s1 =	ssub.s32 @!p0 $0x0, s1;
	[sflag:s0] =	ssyncset.done @!p0 $0x0  }
0xcc: {  	[sflag:s0] =	ssyncadd.s32 @!p0 s1  }
0xcd: {  	[bflag:$0x3] =	sbarrier.arrive $0xFFFF  }
0xce: {  	_ =	shalt  }

// kernel: kernel.9.cloned.1.call-start
scs
__scs_entry_jumppad:
0x0: {  	(pc) =	sbr.rel $0x88, $3  }
0x1: {  	(tag) =	ssettag $0x0;
	lr =	simm.s32 $0x1  }
0x2: {  	[smem:$0x3F99] =	sst lr;
	_ =	strace $0xD0000000  }
0x3: {  	_ = 	snop  }
0x4: {  	_ = 	snop  }
0x5: {  	_ = 	snop  }
0x6: {  	_ = 	snop  }
0x7: {  	_ = 	snop  }
__scs_overlays_trampoline_lowered:
0x8: {  	[smem:$0x3FA8] =	sst s0  }
0x9: {  	[smem:$0x3FA9] =	sst s1  }
0xa: {  	[smem:$0x3FAA] =	sst s2  }
0xb: {  	[smem:$0x3FAB] =	sst s3  }
0xc: {  	[smem:$0x3FAC] =	sst s4  }
0xd: {  	[smem:$0x3FAD] =	sst s5  }
0xe: {  	[smem:$0x3FAE] =	sst s6  }
0xf: {  	[smem:$0x3FAF] =	sst s7  }
0x10: {  	[smem:$0x3FB0] =	sst s8  }
0x11: {  	[smem:$0x3FB1] =	sst s9;
	s0 =	simm.s32 @!p0 $0x0  }
0x12: {  	s1 =	sld [smem:$0x3F97];
	s0 =	simm.s32 @p0 $0x1  }
0x13: {  	[smem:$0x3FB2] =	sst s0;
	s0 =	simm.s32 @!p1 $0x0  }
0x14: {  	s2 =	sld [smem:$0x3F96];
	s0 =	simm.s32 @p1 $0x1  }
0x15: {  	[smem:$0x3FB3] =	sst s0;
	s0 =	simm.s32 @!p2 $0x0  }
0x16: {  	s3 =	sld [smem:$0x3FDB];
	s0 =	simm.s32 @p2 $0x1  }
0x17: {  	s4 =	simm.s32 $0x1BF5;
	[smem:$0x3FB5] =	sst s0  }
0x18: {  	s0 =	sld [smem:$0x3F98];
	_ =	swait.ge [sflag:s4], $0x0  }
0x19: {  	s7 =	sld [smem:$0x3F99]  }
0x1a: {  	s8 =	sadd.s32 $0xFFFFE003, lr  }
0x1b: {  	s9 =	sadd.s32 $0xFFFFFEF7, lr;
	s5 =	simm.s32 $0xFFFFFFFF;
	p2 =	slt.u32 s8, $0xFFFFF086  }
0x1c: {  	p1 =	slt.u32 s9, $0xF7A;
	s5 =	simm.s32 @!p2 $0x0  }
0x1d: {  	s5 =	simm.s32 @p1 $0x1;
	p0 =	seq.s32 s7, s2  }
0x1e: {  	s7 =	smul.u32 @!p0 $0xF7A, s2;
	p2 =	seq.s32 @!p0 s5, $0x0  }
0x1f: {  	s9 =	smul.u32 $0xF7A, s1;
	s8 =	simm.s32 @!p0 $0x1BF5;
	p2 =	por !p2, p0  }
0x20: {  	[sflag:s8] =	ssyncset.s32 @!p0 $0xFFFFF086;
	s6 =	sadd.s32 @!p0 s3, s7;
	s7 =	simm.s32 @!p0 $0x108  }
0x21: {  	s3 =	sadd.s32 s3, s9;
	s6 =	sadd.s32 @!p0 $0x88, s6;
	s7 =	simm.s32 @p2 $0x1082  }
0x22: {  	[simem:s7], [sflag:s8] =	dma.local @!p0 [hbm:s6], $0xF7A  }
0x23: {  	s9 =	sor.u32 $0xD0000000, s2;
	s6 =	simm.s32 $0x108;
	_ =	swait.ge @!p0 [sflag:s8], $0x0  }
0x24: {  	s3 =	sadd.s32 $0x88, s3;
	s6 =	simm.s32 @!p1 $0x1082;
	[sflag:s4] =	ssyncset.s32 $0xFFFFF086  }
0x25: {  	[simem:s6], [sflag:s4] =	dma.local [hbm:s3], $0xF7A  }
0x26: {  	[smem:$0x3F99] =	sst s1;
	(tag) =	ssettag s2;
	_ =	strace s9  }
0x27: {  	s1 =	sld [smem:$0x3FA9]  }
0x28: {  	s2 =	sld [smem:$0x3FAA]  }
0x29: {  	s4 =	sld [smem:$0x3FAC]  }
0x2a: {  	p0 =	seq.s32 s5, $0x0;
	s5 =	sld [smem:$0x3FAD]  }
0x2b: {  	s6 =	sld [smem:$0x3FAE]  }
0x2c: {  	s7 =	sld [smem:$0x3FAF]  }
0x2d: {  	s3 =	simm.s32 $0x108;
	s8 =	sld [smem:$0x3FB0]  }
0x2e: {  	s3 =	simm.s32 @!p0 $0x1082;
	s9 =	sld [smem:$0x3FB1]  }
0x2f: {  	lr =	sadd.s32 s0, s3;
	s0 =	sld [smem:$0x3FA8]  }
0x30: {  	s3 =	sld [smem:$0x3FAB]  }
0x31: {  	[smem:$0x3FB4] =	sst s10  }
0x32: {  	s10 =	sld [smem:$0x3FB2];
	_ =	sdelay $0x3  }
0x33: {  	p0 =	seq.s32 s10, $0x1;
	s10 =	sld [smem:$0x3FB4];
	_ =	sdelay $0x3  }
0x34: {  	[smem:$0x3FB4] =	sst s10  }
0x35: {  	s10 =	sld [smem:$0x3FB3];
	_ =	sdelay $0x3  }
0x36: {  	p1 =	seq.s32 s10, $0x1;
	s10 =	sld [smem:$0x3FB4];
	_ =	sdelay $0x3  }
0x37: {  	[smem:$0x3FB4] =	sst s10  }
0x38: {  	s10 =	sld [smem:$0x3FB5]  }
0x39: {  	_ = 	snop;
	(pc) =	sbr.ind lr, $3  }
0x3a: {  	_ = 	snop  }
0x3b: {  	_ = 	snop  }
0x3c: {  	p2 =	seq.s32 s10, $0x1;
	s10 =	sld [smem:$0x3FB4]  }
0x3d: {  	_ =	shalt  }
0x3e: {  	_ =	shalt  }
0x3f: {  	_ =	shalt  }
0x40: {  	_ =	shalt  }
0x41: {  	_ =	shalt  }
0x42: {  	_ =	shalt  }
0x43: {  	_ =	shalt  }
0x44: {  	_ =	shalt  }
0x45: {  	_ =	shalt  }
0x46: {  	_ =	shalt  }
0x47: {  	_ =	shalt  }
0x48: {  	_ =	shalt  }
0x49: {  	_ =	shalt  }
0x4a: {  	_ =	shalt  }
0x4b: {  	_ =	shalt  }
0x4c: {  	_ =	shalt  }
0x4d: {  	_ =	shalt  }
0x4e: {  	_ =	shalt  }
0x4f: {  	_ =	shalt  }
0x50: {  	_ =	shalt  }
0x51: {  	_ =	shalt  }
0x52: {  	_ =	shalt  }
0x53: {  	_ =	shalt  }
0x54: {  	_ =	shalt  }
0x55: {  	_ =	shalt  }
0x56: {  	_ =	shalt  }
0x57: {  	_ =	shalt  }
0x58: {  	_ =	shalt  }
0x59: {  	_ =	shalt  }
0x5a: {  	_ =	shalt  }
0x5b: {  	_ =	shalt  }
0x5c: {  	_ =	shalt  }
0x5d: {  	_ =	shalt  }
0x5e: {  	_ =	shalt  }
0x5f: {  	_ =	shalt  }
0x60: {  	_ =	shalt  }
0x61: {  	_ =	shalt  }
0x62: {  	_ =	shalt  }
0x63: {  	_ =	shalt  }
0x64: {  	_ =	shalt  }
0x65: {  	_ =	shalt  }
0x66: {  	_ =	shalt  }
0x67: {  	_ =	shalt  }
0x68: {  	_ =	shalt  }
0x69: {  	_ =	shalt  }
0x6a: {  	_ =	shalt  }
0x6b: {  	_ =	shalt  }
0x6c: {  	_ =	shalt  }
0x6d: {  	_ =	shalt  }
0x6e: {  	_ =	shalt  }
0x6f: {  	_ =	shalt  }
0x70: {  	_ =	shalt  }
0x71: {  	_ =	shalt  }
0x72: {  	_ =	shalt  }
0x73: {  	_ =	shalt  }
0x74: {  	_ =	shalt  }
0x75: {  	_ =	shalt  }
0x76: {  	_ =	shalt  }
0x77: {  	_ =	shalt  }
0x78: {  	_ =	shalt  }
0x79: {  	_ =	shalt  }
0x7a: {  	_ =	shalt  }
0x7b: {  	_ =	shalt  }
0x7c: {  	_ =	shalt  }
0x7d: {  	_ =	shalt  }
0x7e: {  	_ =	shalt  }
0x7f: {  	_ =	shalt  }
0x80: {  	_ =	shalt  }
0x81: {  	_ =	shalt  }
0x82: {  	_ =	shalt  }
0x83: {  	_ =	shalt  }
0x84: {  	_ =	shalt  }
0x85: {  	_ =	shalt  }
0x86: {  	_ =	shalt  }
0x87: {  	_ =	shalt  }
.Lfunc_end0:
.L_simem_size_0:
called_computation_lowered:
.L_overlay_start_0:
0x88: {  	s2 =	sld [smem:$0x3FD9]  }
0x89: {  	s3 =	sld [smem:$0x3FFE];
	_ =	sdelay $0x1  }
0x8a: {  	s1 =	srdreg.scid  }
0x8b: {  	s0 =	sand.u32 $0x1, s1  }
0x8c: {  	s16 =	sshll.u32 s0, $0xA;
	s2 =	sadd.s32 s3, s2  }
0x8d: {  	s2 =	sadd.s32 s2, s16  }
0x8e: {  	[smem:$0x3FC0] =	sst s2  }
0x8f: {  	_ = 	snop  }
0x90: {  	(tm) =	ssettm $0x1  }
0x91: {  	s17 =	sld [smem:$0x3FFB];
	_ =	sdelay $0x3  }
0x92: {  	_ =	strace s17  }
0x93: {  	s2 =	sld [smem:$0x3FFC];
	_ =	sdelay $0x3  }
0x94: {  	_ =	strace s2  }
0x95: {  	s2 =	sld [smem:$0x3FFD];
	_ =	sdelay $0x3  }
0x96: {  	_ =	strace s2  }
0x97: {  	_ =	strace $0x8FFFFFFF  }
0x98: {  	s18 =	sld [smem:$0x3FDB];
	_ =	sdelay $0x1  }
0x99: {  	s19 =	simm.s32 $_scs_section_size  }
0x9a: {  	s4 =	simm.s32 $_size__tile_overlayer_lowered;
	s5 =	simm.s32 $_tile_overlayer_lowered  }
0x9b: {  	s22 =	simm.s32 $0x1BFF;
	s21 =	sshll.u32 s5, $0x1;
	s2 =	sadd.s32 s19, s18  }
0x9c: {  	s6 =	simm.s32 $0x0;
	s20 =	sshll.u32 s4, $0x1;
	s4 =	sadd.s32 s21, s2  }
0x9d: {  	[timem:s6], [sflag:s22] =	dma.local [hbm:s4], s20  }
0x9e: {  	_ =	swait.ge [sflag:s22], s20  }
0x9f: {  	s3 =	ssub.s32 $0x0, s20;
	[sflag:s22] =	ssyncset.done $0x0  }
0xa0: {  	[sflag:s22] =	ssyncadd.s32 s3;
	_ =	sdelay $0x1  }
0xa1: {  	s23 =	simm.s32 $0x1B8B  }
0xa2: {  	_ =	swait.ge [sflag:s23], $0x1  }
0xa3: {  	[sflag:s23] =	ssyncset.done $0x0  }
0xa4: {  	s25 =	simm.s32 $0x1B8E;
	s24 =	sld [smem:$0x3FFE];
	[sflag:s23] =	ssyncadd.s32 $0xFFFFFFFF  }
0xa5: {  	s26 =	simm.s32 $execute0_lowered;
	[smem:$0x3FD2] =	sst s25  }
0xa6: {  	s4 =	sshll.u32 s26, $0x1;
	_ =	strace $0x80000046;
	[dreg:$0x1] =	wrdreg $0xFFFFFFFF  }
0xa7: {  	s28 =	simm.s32 $_size_execute0_lowered;
	s2 =	sadd.s32 s2, s4;
	[dreg:$0x0] =	wrdreg $0x0  }
0xa8: {  	s4 =	sshll.u32 s28, $0x1;
	[dreg:$0x2] =	wrdreg s2  }
0xa9: {  	[dreg:$0x3] =	wrdreg s4  }
0xaa: {  	[dreg:$0x4] =	wrdreg $0xC0  }
0xab: {  	_ =	task [dreg:s6], $0x5FFFF  }
0xac: {  	[dreg:$0x1] =	wrdreg $0xFFFFFFFF  }
0xad: {  	[dreg:$0x0] =	wrdreg $0x60  }
0xae: {  	[dreg:$0x2] =	wrdreg s24  }
0xaf: {  	[dreg:$0x3] =	wrdreg $0x53200  }
0xb0: {  	[dreg:$0x4] =	wrdreg $0x9  }
0xb1: {  	_ =	task.clear_ibuf [dreg:s6], $0x5FFFF;
	_ =	strace $0x90000046  }
0xb2: {  	s29 =	simm.s32 $0x9;
	_ =	strace $0x80000048  }
0xb3: {  	_ =	swait.ge [sflag:s29], $0x1  }
0xb4: {  	[sflag:s29] =	ssyncadd.s32 $0xFFFFFFFF  }
0xb5: {  	_ =	strace $0x90000048  }
0xb6: {  	_ =	sfence  }
0xb7: {  	s30 =	sld [smem:$0x0];
	_ =	sdelay $0x2  }
0xb8: {  	s31 =	sshll.u32 s1, $0xD;
	s1 =	sshrl.u32 s1, $0x2  }
0xb9: {  	s3 =	sand.u32 $0x4000, s31;
	s1 =	sadd.s32 s1, s30  }
0xba: {  	s0 =	sor.u32 s3, s0;
	s1 =	sshll.u32 s1, $0x11  }
0xbb: {  	s0 =	sor.u32 s1, s0  }
0xbc: {  	s0 =	sadd.s32 $0x8F2B, s0  }
0xbd: {  	[sflag:s0] =	ssyncadd.remote.s32 $0x1  }
0xbe: {  	_ =	sfence.sel $0xFFFF  }
0xbf: {  	[dreg:$0x0] =	wrdreg $0xFFFFFFFF;
	(pc) =	sbr.abs _section_cstart, $3  }
0xc0: {  	[dreg:$0x1] =	wrdreg $0xFFFFFFFF  }
0xc1: {  	_ =	task.clear_ibuf [dreg:s6], $0x2FFFF;
	_ =	strace $0x9FFFFFFF  }
0xc2: {  	(tm) =	ssettm $0x7FFFFFFF  }
0xc3: {  	_ =	shalt  }
tec
execute0_lowered:
.L_overlay_start_1:
0x0: {  	(tag) =	ssettag $0x1  }
0x1: {  	s5 =	rddreg [dreg:$0x0]  }
0x2: {  	s1 =	rddreg [dreg:$0x1];
	s3 =	srdreg.scid  }
0x3: {  	s0 =	rddreg [dreg:$0x2];
	s2 =	simm.s32 $0x0;
	s8 =	stileid.u32  }
0x4: {  	s4 =	sand.u32 $0x1, s3;
	[smem:$0x7FF] =	sst s2;
	s10 =	smul.u32 $0x2700, s8  }
0x5: {  	s31 =	sshll.u32 s8, $0x6;
	s12 =	sadd.s32 $0x27000, s1;
	s14 =	smul.u32 $0x9C4, s8  }
0x6: {  	p0 =	sne.s32 s8, $0x0;
	s8 =	simm.s32 $0x2;
	s3 =	smul.u32 $0x9C40, s4  }
0x7: {  	_ =	strace $0x80000047;
	s7 =	smul.u32 $0x4E20, s4;
	s9 =	ssub.s32 $0x2, s4  }
0x8: {  	s4 =	sadd.s32 $0x16C00, s5;
	s30 =	sshrl.u32 s9, $0x1;
	s11 =	sadd.s32 s10, s1  }
0x9: {  	s16 =	sshrl.u32 s10, $0x3;
	s10 =	simm.s32 $0x4E20;
	s6 =	sadd.s32 s3, s5  }
0xa: {  	s3 =	sadd.s32 $0x17200, s5;
	s7 =	sadd.s32 s7, s5;
	s9 =	ssub.s32 s9, s30  }
0xb: {  	s5 =	sor.u32 $0x1C02, s31;
	s13 =	sadd.s32 $0x3200, s6;
	s15 =	sadd.s32 $0x17400, s7  }
0xc: {  	s6 =	smax.u32 s9, $0x1;
	s7 =	sshrl.u32 s11, $0x3;
	s9 =	sshrl.u32 @!p0 s12, $0x3  }
0xd: {  	s12 =	simm.s32 $0x50;
	s11 =	sadd.s32 s14, s13;
	s13 =	simm.s32 $0x1  }
0xe: {  	s14 =	sadd.s32 s16, s15;
	s15 =	sadd.s32 @!p0 $0x4E00, s15;
	s16 =	simm.s32 $0x0  }
.LBB2_1:
0xf: {  	[spmem:s7], [sflag:s5] =	dma.local [hbm:s4], $0x4E0  }
0x10: {  	_ =	swait.ge [sflag:s8], $0x4E0  }
0x11: {  	[sflag:s8] =	ssyncset.done $0x0  }
0x12: {  	s17 =	simm.s32 @!p0 $0x2;
	[sflag:s8] =	ssyncadd.s32 $0xFFFFFB20  }
0x13: {  	[spmem:s9], [sflag:s5] =	dma.local @!p0 [hbm:s4], $0x20  }
0x14: {  	_ =	swait.ge @!p0 [sflag:s17], $0x20  }
0x15: {  	[sflag:s17] =	ssyncset.done @!p0 $0x0  }
0x16: {  	[sflag:s17] =	ssyncadd.s32 @!p0 $0xFFFFFFE0  }
0x17: {  	[tilespmem:s10], [sflag:$0x2] =	stream.linear.gather [hbm4b:s3+s2], $0x500, $0x38;
	[tilespmem:$0x7A30] =	vst v63  }
0x18: {  	_ =	swait.ge [sflag:s8], $0x500  }
0x19: {  	[sflag:s8] =	ssyncset.done $0x0  }
0x1a: {  	[sflag:s8] =	ssyncadd.s32 $0xFFFFFB00  }
0x1b: {  	[tilespmem:s2], [sflag:$0x2] =	stream.linear.gather [hbm4b:s11+s2], $0x4E20, $0x38;
	[tilespmem:$0x7A30] =	vst v63  }
0x1c: {  	_ =	swait.ge [sflag:s8], $0x4E20  }
0x1d: {  	[sflag:s8] =	ssyncset.done $0x0  }
0x1e: {  	[sflag:s8] =	ssyncadd.s32 $0xFFFFB1E0  }
0x1f: {  	s26 =	simm.s32 $0x0;
	[bflag:$0x0] =	sbarrier.arrive $0xFFFF  }
0x20: {  	[spmem:s1] =	stream.indirect.scatter.add.f32 [tilespmem:s10], [sflag:$0x1], $0x10, s26, s12, $0xb8;
	[tilespmem:$0x7A30] =	vst v63  }
0x21: {  	s28 =	simm.s32 $0x50  }
0x22: {  	[spmem:s1] =	stream.indirect.scatter.add.f32 [tilespmem:s10], [sflag:$0x1], $0x10, s28, s12, $0xb8;
	[tilespmem:$0x7A30] =	vst v63  }
0x23: {  	s29 =	simm.s32 $0xA0  }
0x24: {  	[spmem:s1] =	stream.indirect.scatter.add.f32 [tilespmem:s10], [sflag:$0x1], $0x10, s29, s12, $0xb8;
	[tilespmem:$0x7A30] =	vst v63  }
0x25: {  	s30 =	simm.s32 $0xF0  }
0x26: {  	[spmem:s1] =	stream.indirect.scatter.add.f32 [tilespmem:s10], [sflag:$0x1], $0x10, s30, s12, $0xb8;
	[tilespmem:$0x7A30] =	vst v63  }
0x27: {  	s31 =	simm.s32 $0x140  }
0x28: {  	[spmem:s1] =	stream.indirect.scatter.add.f32 [tilespmem:s10], [sflag:$0x1], $0x10, s31, s12, $0xb8;
	[tilespmem:$0x7A30] =	vst v63  }
0x29: {  	_ =	swait.ge [sflag:s13], $0x500  }
0x2a: {  	[sflag:s13] =	ssyncset.done $0x0  }
0x2b: {  	[sflag:s13] =	ssyncadd.s32 $0xFFFFFB00  }
0x2c: {  	_ =	swait.ge [sflag:s13], $0x500  }
0x2d: {  	[sflag:s13] =	ssyncset.done $0x0  }
0x2e: {  	[sflag:s13] =	ssyncadd.s32 $0xFFFFFB00  }
0x2f: {  	_ =	swait.ge [sflag:s13], $0x500  }
0x30: {  	[sflag:s13] =	ssyncset.done $0x0  }
0x31: {  	[sflag:s13] =	ssyncadd.s32 $0xFFFFFB00  }
0x32: {  	_ =	swait.ge [sflag:s13], $0x500  }
0x33: {  	[sflag:s13] =	ssyncset.done $0x0  }
0x34: {  	[sflag:s13] =	ssyncadd.s32 $0xFFFFFB00  }
0x35: {  	_ =	swait.ge [sflag:s13], $0x500  }
0x36: {  	s18 =	simm.s32 $0xC80;
	s17 =	simm.s32 $0x640;
	[sflag:s13] =	ssyncset.done $0x0  }
.LBB2_2:
0x37: {  	s19 =	sshra.s32 s17, $0x2  }
0x38: {  	[sflag:s13] =	ssyncadd.s32 $0xFFFFFB00;
	s17 =	smov.u32 s18;
	s20 =	sadd.s32 $0x640, s18  }
0x39: {  	[spmem:s1] =	stream.indirect.scatter.add.f32 [tilespmem:s10], [sflag:$0x1], $0x10, s19, s12, $0xb8;
	[tilespmem:$0x7A30] =	vst v63  }
0x3a: {  	p1 =	sne.s32 s18, $0x13240;
	s18 =	sadd.s32 $0x50, s19  }
0x3b: {  	[spmem:s1] =	stream.indirect.scatter.add.f32 [tilespmem:s10], [sflag:$0x1], $0x10, s18, s12, $0xb8;
	[tilespmem:$0x7A30] =	vst v63  }
0x3c: {  	s18 =	sadd.s32 $0xA0, s19  }
0x3d: {  	[spmem:s1] =	stream.indirect.scatter.add.f32 [tilespmem:s10], [sflag:$0x1], $0x10, s18, s12, $0xb8;
	[tilespmem:$0x7A30] =	vst v63  }
0x3e: {  	s18 =	sadd.s32 $0xF0, s19  }
0x3f: {  	[spmem:s1] =	stream.indirect.scatter.add.f32 [tilespmem:s10], [sflag:$0x1], $0x10, s18, s12, $0xb8;
	[tilespmem:$0x7A30] =	vst v63  }
0x40: {  	s18 =	sadd.s32 $0x140, s19  }
0x41: {  	[spmem:s1] =	stream.indirect.scatter.add.f32 [tilespmem:s10], [sflag:$0x1], $0x10, s18, s12, $0xb8;
	[tilespmem:$0x7A30] =	vst v63  }
0x42: {  	_ =	swait.ge [sflag:s13], $0x500  }
0x43: {  	[sflag:s13] =	ssyncset.done $0x0  }
0x44: {  	[sflag:s13] =	ssyncadd.s32 $0xFFFFFB00  }
0x45: {  	_ =	swait.ge [sflag:s13], $0x500  }
0x46: {  	[sflag:s13] =	ssyncset.done $0x0  }
0x47: {  	[sflag:s13] =	ssyncadd.s32 $0xFFFFFB00  }
0x48: {  	_ =	swait.ge [sflag:s13], $0x500  }
0x49: {  	[sflag:s13] =	ssyncset.done $0x0  }
0x4a: {  	[sflag:s13] =	ssyncadd.s32 $0xFFFFFB00  }
.Ltmp0:
0x4b: {  	_ =	swait.ge [sflag:s13], $0x500;
	(pc) =	sbr.rel @p1 .LBB2_2-.Ltmp0, $4  }
0x4c: {  	[sflag:s13] =	ssyncset.done $0x0  }
0x4d: {  	[sflag:s13] =	ssyncadd.s32 $0xFFFFFB00  }
0x4e: {  	_ =	swait.ge [sflag:s13], $0x500  }
0x4f: {  	s18 =	smov.u32 s20;
	[sflag:s13] =	ssyncset.done $0x0  }
0x50: {  	s17 =	sshra.s32 s17, $0x2;
	[sflag:s13] =	ssyncadd.s32 $0xFFFFFB00  }
0x51: {  	[spmem:s1] =	stream.indirect.scatter.add.f32 [tilespmem:s10], [sflag:$0x1], $0x10, s17, s12, $0xb8;
	[tilespmem:$0x7A30] =	vst v63  }
0x52: {  	s18 =	sadd.s32 $0x50, s17  }
0x53: {  	[spmem:s1] =	stream.indirect.scatter.add.f32 [tilespmem:s10], [sflag:$0x1], $0x10, s18, s12, $0xb8;
	[tilespmem:$0x7A30] =	vst v63  }
0x54: {  	s30 =	sadd.s32 $0xA0, s17  }
0x55: {  	[spmem:s1] =	stream.indirect.scatter.add.f32 [tilespmem:s10], [sflag:$0x1], $0x10, s30, s12, $0xb8;
	[tilespmem:$0x7A30] =	vst v63  }
0x56: {  	s31 =	sadd.s32 $0xF0, s17  }
0x57: {  	[spmem:s1] =	stream.indirect.scatter.add.f32 [tilespmem:s10], [sflag:$0x1], $0x10, s31, s12, $0xb8;
	[tilespmem:$0x7A30] =	vst v63  }
0x58: {  	s17 =	sadd.s32 $0x140, s17  }
0x59: {  	[spmem:s1] =	stream.indirect.scatter.add.f32 [tilespmem:s10], [sflag:$0x1], $0x10, s17, s12, $0xb8;
	[tilespmem:$0x7A30] =	vst v63  }
0x5a: {  	_ =	swait.ge [sflag:s13], $0x500  }
0x5b: {  	[sflag:s13] =	ssyncset.done $0x0  }
0x5c: {  	[sflag:s13] =	ssyncadd.s32 $0xFFFFFB00  }
0x5d: {  	_ =	swait.ge [sflag:s13], $0x500  }
0x5e: {  	[sflag:s13] =	ssyncset.done $0x0  }
0x5f: {  	[sflag:s13] =	ssyncadd.s32 $0xFFFFFB00  }
0x60: {  	_ =	swait.ge [sflag:s13], $0x500  }
0x61: {  	[sflag:s13] =	ssyncset.done $0x0  }
0x62: {  	[sflag:s13] =	ssyncadd.s32 $0xFFFFFB00  }
0x63: {  	_ =	swait.ge [sflag:s13], $0x500  }
0x64: {  	[sflag:s13] =	ssyncset.done $0x0  }
0x65: {  	[sflag:s13] =	ssyncadd.s32 $0xFFFFFB00  }
0x66: {  	_ =	swait.ge [sflag:s13], $0x500  }
0x67: {  	[sflag:s13] =	ssyncset.done $0x0  }
0x68: {  	[sflag:s13] =	ssyncadd.s32 $0xFFFFFB00  }
0x69: {  	[bflag:$0x0] =	sbarrier.arrive $0xFFFF  }
0x6a: {  	[hbm:s14], [sflag:s5] =	dma.local [spmem:s7], $0x4E0  }
0x6b: {  	s16 =	sadd.s32 $0x1, s16;
	_ =	swait.ge [sflag:s8], $0x4E0  }
0x6c: {  	p1 =	sne.s32 s16, s6;
	[sflag:s8] =	ssyncset.done $0x0  }
.Ltmp1:
0x6d: {  	s17 =	simm.s32 @!p0 $0x2;
	[sflag:s8] =	ssyncadd.s32 $0xFFFFFB20;
	(pc) =	sbr.rel @p1 .LBB2_1-.Ltmp1, $4  }
0x6e: {  	[hbm:s15], [sflag:s5] =	dma.local @!p0 [spmem:s9], $0x20  }
0x6f: {  	_ =	swait.ge @!p0 [sflag:s17], $0x20  }
0x70: {  	[sflag:s17] =	ssyncset.done @!p0 $0x0  }
0x71: {  	[sflag:s17] =	ssyncadd.s32 @!p0 $0xFFFFFFE0  }
0x72: {  	_ =	sfence.sel $0x180000  }
0x73: {  	[bflag:$0x0] =	sbarrier.arrive $0xFFFF  }
0x74: {  	_ =	strace $0x90000047  }
0x75: {  	s0 =	sadd.s32 @!p0 $0x100000, s0;
	[bflag:$0x2] =	sbarrier.arrive $0xFFFF  }
0x76: {  	[sflag:s0] =	ssyncadd.tile.s32 @!p0 $0x1;
	_ =	shalt  }
.Lfunc_end2:
_tile_overlayer_lowered:
.L_overlay_start_2:
0x77: {  	(tag) =	ssettag $0x2  }
0x78: {  	s0 =	rddreg [dreg:$0x0];
	s2 =	stileid.u32  }
0x79: {  	s1 =	rddreg [dreg:$0x1];
	p0 =	sne.s32 s2, $0x0  }
0x7a: {  	s3 =	rddreg [dreg:$0x2];
	[bflag:$0x3] =	sbarrier.arrive $0xFFFF;
	s2 =	simm.s32 @!p0 $0x1C02  }
0x7b: {  	[timem:s3], [sflag:s2] =	dma.local @!p0 [hbm:s0], s1  }
0x7c: {  	s0 =	simm.s32 @!p0 $0x2  }
0x7d: {  	_ =	swait.ge @!p0 [sflag:s0], s1  }
0x7e: {  	s1 =	ssub.s32 @!p0 $0x0, s1;
	[sflag:s0] =	ssyncset.done @!p0 $0x0  }
0x7f: {  	[sflag:s0] =	ssyncadd.s32 @!p0 s1  }
0x80: {  	[bflag:$0x3] =	sbarrier.arrive $0xFFFF  }
0x81: {  	_ =	shalt  }

</sc_bundles>
